<compile_context>
chip_gen: v7x
topology: tpu7x:2x2x1
jax: 0.10.2.dev20260603
libtpu: 0.0.44.dev20260713+nightly
codegen_flags: <defaults>
</compile_context>

<pallas_src>
import functools

import jax
import jax.numpy as jnp
import numpy as np
from jax import lax
from jax.experimental import pallas as pl
from jax.experimental.pallas import tpu as pltpu
from jax.experimental.pallas import tpu_sc as plsc

P = 512
K = 128
N = 16384
B = 8
R = 32
S = 32

_INF_BITS = 0x7F800000


def _sortable_key(d2):
    bu = lax.bitcast_convert_type(d2, jnp.uint32)
    sign = jnp.uint32(0x80000000)
    return jnp.where(bu >= sign, ~bu, bu | sign)


def _key_to_float(key):
    sign = jnp.uint32(0x80000000)
    bu = jnp.where(key >= sign, key ^ sign, ~key)
    return lax.bitcast_convert_type(bu, jnp.float32)


def _search_topk_threshold(bits, lanes, need_total):
    rshape = (bits.shape[0], 1)

    def vbody(_, lohi):
        lo, hi = lohi
        mid = lo + lax.div(hi - lo, jnp.uint32(2))
        cnt = jnp.sum(jnp.where(bits <= mid, 1, 0), axis=1, keepdims=True)
        ge = cnt >= need_total
        return jnp.where(ge, lo, mid + 1), jnp.where(ge, mid, hi)

    lo0 = jnp.zeros(rshape, jnp.uint32)
    hi0 = jnp.full(rshape, 0xFFFFFFFF, jnp.uint32)
    lo, _ = lax.fori_loop(0, 32, vbody, (lo0, hi0))
    v = lo

    cnt_lt = jnp.sum(jnp.where(bits < v, 1, 0), axis=1, keepdims=True)
    need = need_total - cnt_lt
    eq = bits == v

    def ibody(_, lohi):
        lo, hi = lohi
        mid = lo + lax.div(hi - lo, 2)
        cnt = jnp.sum(jnp.where(eq & (lanes <= mid), 1, 0), axis=1,
                      keepdims=True)
        ge = cnt >= need
        return jnp.where(ge, lo, mid + 1), jnp.where(ge, mid, hi)

    lo0i = jnp.zeros(rshape, jnp.int32)
    hi0i = jnp.full(rshape, N - 1, jnp.int32)
    lo2, _ = lax.fori_loop(0, 15, ibody, (lo0i, hi0i))
    return v, lo2


def _tc_body(p3_ref, c3_ref, d2_ref, thr_ref, cut_ref):
    pmat = p3_ref[0]
    px = pmat[0:1, :]
    py = pmat[1:2, :]
    pz = pmat[2:3, :]
    pp = (px * px + py * py) + pz * pz

    lanes = lax.broadcasted_iota(jnp.int32, (R, N), 1)

    def raw_d2(cmat, cc):
        cp = jnp.dot(cmat, pmat)
        return cc + pp - 2.0 * cp

    cmat1 = c3_ref[0]
    cx = cmat1[:, 0:1]
    cy = cmat1[:, 1:2]
    cz = cmat1[:, 2:3]
    cc1 = (cx * cx + cy * cy) + cz * cz
    d2c1 = raw_d2(cmat1, cc1)
    bits1 = _sortable_key(d2c1)
    v1, c1 = _search_topk_threshold(bits1, lanes, K)
    mask1 = (bits1 < v1) | ((bits1 == v1) & (lanes <= c1))

    mx = jnp.sum(jnp.where(mask1, px, 0.0), axis=1, keepdims=True) / float(K)
    my = jnp.sum(jnp.where(mask1, py, 0.0), axis=1, keepdims=True) / float(K)
    mz = jnp.sum(jnp.where(mask1, pz, 0.0), axis=1, keepdims=True) / float(K)

    cmat2 = jnp.concatenate([mx, my, mz], axis=1)
    cc2 = (mx * mx + my * my) + mz * mz
    d2c2 = raw_d2(cmat2, cc2)
    bits2 = _sortable_key(d2c2)
    v2, c2 = _search_topk_threshold(bits2, lanes, K)

    d2_ref[0] = d2c2
    thr_ref[0, 0] = _key_to_float(v2)
    cut_ref[0, 0] = c2


def _tc_pass(p3, c3):
    grid = (B, P // R)
    return pl.pallas_call(
        _tc_body,
        grid=grid,
        in_specs=[
            pl.BlockSpec((1, 3, N), lambda b, pc: (b, 0, 0)),
            pl.BlockSpec((1, R, 3), lambda b, pc: (b, pc, 0)),
        ],
        out_specs=[
            pl.BlockSpec((1, R, N), lambda b, pc: (b, pc, 0)),
            pl.BlockSpec((1, 1, R, 1), lambda b, pc: (b, pc, 0, 0)),
            pl.BlockSpec((1, 1, R, 1), lambda b, pc: (b, pc, 0, 0)),
        ],
        out_shape=[
            jax.ShapeDtypeStruct((B, P, N), jnp.float32),
            jax.ShapeDtypeStruct((B, P // R, R, 1), jnp.float32),
            jax.ShapeDtypeStruct((B, P // R, R, 1), jnp.int32),
        ],
    )(p3, c3)



_ROWS_PER_TILE = (B * P) // 32


def _cmpex(ka, va, kb, vb):
    le = ka <= kb
    kl = jnp.where(le, ka, kb)
    kh = jnp.where(le, kb, ka)
    vl = jnp.where(le, va, vb)
    vh = jnp.where(le, vb, va)
    return kl, vl, kh, vh


def _bitonic_merge(ks, vs):
    m = len(ks)
    ks = list(ks)
    vs = list(vs)
    d = m // 2
    while d >= 1:
        for i in range(m):
            if (i % (2 * d)) < d:
                kl, vl, kh, vh = _cmpex(ks[i], vs[i], ks[i + d], vs[i + d])
                ks[i], vs[i] = kl, vl
                ks[i + d], vs[i + d] = kh, vh
        d //= 2
    for i in range(m):
        ks[i], vs[i] = plsc.sort_key_val(ks[i], vs[i])
    return ks, vs


def _merge_sorted(ka, va, kb, vb):
    kb2 = [lax.rev(x, (0,)) for x in reversed(kb)]
    vb2 = [lax.rev(x, (0,)) for x in reversed(vb)]
    return _bitonic_merge(ka + kb2, va + vb2)


def _sort128(ks, vs):
    ks = list(ks)
    vs = list(vs)
    for i in range(8):
        ks[i], vs[i] = plsc.sort_key_val(ks[i], vs[i])
    width = 1
    while width < 8:
        nk, nv = [], []
        for i in range(0, 8, 2 * width):
            mk, mv = _merge_sorted(ks[i:i + width], vs[i:i + width],
                                   ks[i + width:i + 2 * width],
                                   vs[i + width:i + 2 * width])
            nk += mk
            nv += mv
        ks, vs = nk, nv
        width *= 2
    return ks, vs


def _sc_body(d2_hbm, thr_hbm, cut_hbm, px_hbm, py_hbm, pz_hbm, js_hbm,
             out3_hbm, g3_hbm,
             px_v, py_v, pz_v, js_v, thr_v, cut_v, d2_v, cand_v, cand_i,
             sidx_v, out3_v, g3_v):
    c = lax.axis_index("c")
    s = lax.axis_index("s")
    wid = s * 2 + c
    row0 = wid * _ROWS_PER_TILE
    b = lax.div(row0, P)
    pbase = lax.rem(row0, P)

    pltpu.sync_copy(px_hbm.at[b], px_v)
    pltpu.sync_copy(py_hbm.at[b], py_v)
    pltpu.sync_copy(pz_hbm.at[b], pz_v)
    pltpu.sync_copy(js_hbm.at[pl.ds(pbase, _ROWS_PER_TILE)], js_v)
    pltpu.sync_copy(thr_hbm.at[pl.ds(row0, _ROWS_PER_TILE)],
                    thr_v.at[pl.ds(0, _ROWS_PER_TILE)])
    pltpu.sync_copy(cut_hbm.at[pl.ds(row0, _ROWS_PER_TILE)],
                    cut_v.at[pl.ds(0, _ROWS_PER_TILE)])

    iota = lax.iota(jnp.int32, 16)

    def row_body(r, carry):
        pltpu.sync_copy(d2_hbm.at[row0 + r], d2_v)
        thr = jnp.full((16,), thr_v[pl.ds(r, 16)][0], jnp.float32)
        cut = jnp.full((16,), cut_v[pl.ds(r, 16)][0], jnp.int32)

        def chunk(i, off):
            v = d2_v[pl.ds(i * 16, 16)]
            gi = i * 16 + iota
            m = (v < thr) | ((v == thr) & (gi <= cut))
            csum = plsc.cumsum(jnp.where(m, 1, 0))
            pos = off + csum - 1
            plsc.store_scatter(cand_v, [pos], v, mask=m)
            plsc.store_scatter(cand_i, [pos], gi, mask=m)
            return off + csum[15]

        lax.fori_loop(0, N // 16, chunk, jnp.int32(0))

        ks = [cand_v[pl.ds(j * 16, 16)] for j in range(8)]
        vs = [cand_i[pl.ds(j * 16, 16)] for j in range(8)]
        ks, vs = _sort128(ks, vs)
        for j in range(8):
            sidx_v[pl.ds(j * 16, 16)] = vs[j]

        xs = [plsc.load_gather(px_v, [vs[j]]) for j in range(8)]
        ys = [plsc.load_gather(py_v, [vs[j]]) for j in range(8)]
        zs = [plsc.load_gather(pz_v, [vs[j]]) for j in range(8)]

        for j in range(8):
            gpos = (j * 16 + iota) * 3
            plsc.store_scatter(g3_v, [gpos], xs[j])
            plsc.store_scatter(g3_v, [gpos + 1], ys[j])
            plsc.store_scatter(g3_v, [gpos + 2], zs[j])
        pltpu.sync_copy(g3_v, g3_hbm.at[pl.ds((row0 + r) * (K * 3), K * 3)])

        base = r * (S * 3)
        for h in range(2):
            jv = js_v[r, pl.ds(h * 16, 16)]
            nv = plsc.load_gather(sidx_v, [jv])
            gx = plsc.load_gather(px_v, [nv])
            gy = plsc.load_gather(py_v, [nv])
            gz = plsc.load_gather(pz_v, [nv])
            pos = base + (h * 16 + iota) * 3
            plsc.store_scatter(out3_v, [pos], gx)
            plsc.store_scatter(out3_v, [pos + 1], gy)
            plsc.store_scatter(out3_v, [pos + 2], gz)
        return carry

    lax.fori_loop(0, _ROWS_PER_TILE, row_body, jnp.int32(0))

    pltpu.sync_copy(out3_v, out3_hbm.at[pl.ds(row0 * S * 3,
                                              _ROWS_PER_TILE * S * 3)])


def _sc_pass(d2_flat, thr_flat, cut_flat, px, py, pz, js):
    mesh = plsc.VectorSubcoreMesh(core_axis_name="c", subcore_axis_name="s")
    fn = pl.kernel(
        _sc_body,
        compiler_params=pltpu.CompilerParams(needs_layout_passes=False),
        out_type=[
            jax.ShapeDtypeStruct((B * P * S * 3,), jnp.float32),
            jax.ShapeDtypeStruct((B * P * K * 3,), jnp.float32),
        ],
        mesh=mesh,
        scratch_types=[
            pltpu.VMEM((N,), jnp.float32),
            pltpu.VMEM((N,), jnp.float32),
            pltpu.VMEM((N,), jnp.float32),
            pltpu.VMEM((_ROWS_PER_TILE, S), jnp.int32),
            pltpu.VMEM((_ROWS_PER_TILE + 16,), jnp.float32),
            pltpu.VMEM((_ROWS_PER_TILE + 16,), jnp.int32),
            pltpu.VMEM((N,), jnp.float32),
            pltpu.VMEM((K + 32,), jnp.float32),
            pltpu.VMEM((K + 32,), jnp.int32),
            pltpu.VMEM((K,), jnp.int32),
            pltpu.VMEM((_ROWS_PER_TILE * S * 3,), jnp.float32),
            pltpu.VMEM((K * 3,), jnp.float32),
        ],
    )
    return fn(d2_flat, thr_flat, cut_flat, px, py, pz, js)


_G = 32


def _tc2_body(g_ref, cov_ref):
    for i in range(_G):
        g = g_ref[i]
        m = jnp.mean(g, axis=0, keepdims=True)
        cg = g - m
        cov = lax.dot_general(cg, cg, (((0,), (0,)), ((), ())))
        cov_ref[i] = cov / float(K)


def _tc2_pass(g3):
    return pl.pallas_call(
        _tc2_body,
        grid=(B * P // _G,),
        in_specs=[pl.BlockSpec((_G, K, 3), lambda i: (i, 0, 0))],
        out_specs=pl.BlockSpec((_G, 3, 3), lambda i: (i, 0, 0)),
        out_shape=jax.ShapeDtypeStruct((B * P, 3, 3), jnp.float32),
    )(g3)


def kernel(pointclouds):
    cidx = jnp.linspace(0.0, N - 1, P).astype(jnp.int32)
    idx64 = jnp.linspace(0.0, float(P * K - 1), N).astype(jnp.int32)
    js = (idx64 % K).reshape(P, S)

    p3 = jnp.transpose(pointclouds, (0, 2, 1))
    c3 = pointclouds[:, cidx, :]

    d2all, thr, cut = _tc_pass(p3, c3)

    d2_flat = d2all.reshape(B * P, N)
    thr_flat = thr.reshape(B * P)
    cut_flat = cut.reshape(B * P)
    px = p3[:, 0, :]
    py = p3[:, 1, :]
    pz = p3[:, 2, :]

    out3_flat, g3_flat = _sc_pass(d2_flat, thr_flat, cut_flat, px, py, pz, js)

    out3 = out3_flat.reshape(B, P * S, 3)
    cov = _tc2_pass(g3_flat.reshape(B * P, K, 3)).reshape(B, P, 3, 3)

    _, frames = jnp.linalg.eigh(cov)
    main_axis = frames[:, :, :, 2]
    ax = jnp.repeat(main_axis, S, axis=1)
    return jnp.concatenate([out3, ax], axis=-1)

# --- scband reference (transcript-rebuilt; emitter-appended) ---
"""Pipeline reference for scband-points-enhancement-2903397892256 (READ-ONLY COPY).

The authoritative reference and input builder live on the scoring server;
editing this copy changes nothing except your own understanding.
"""

import jax, jax.numpy as jnp
import numpy as np

GROUP_NUMS = 512
GROUP_SIZE = 128


def _knn_group(points, centers, k):
    # points: [B, N, 3], centers: [B, P, 3]
    d2 = (jnp.sum(centers ** 2, axis=-1, keepdims=True)
          + jnp.sum(points ** 2, axis=-1)[:, None, :]
          - 2.0 * jnp.einsum('bpd,bnd->bpn', centers, points))
    _, idx = jax.lax.top_k(-d2, k)  # [B, P, k] nearest-neighbor indices
    grouped = jax.vmap(lambda pts, i: pts[i])(points, idx)  # [B, P, k, 3]
    return grouped, idx


def _group_points(points, num_points, group_size):
    B, N, _ = points.shape
    cidx = jnp.linspace(0.0, N - 1, num_points).astype(jnp.int32)
    centers = points[:, cidx, :]
    grouped, _ = _knn_group(points, centers, group_size)
    means = jnp.mean(grouped, axis=2)  # [B, P, 3]
    return grouped, means


def _estimate_pointcloud_local_coord_frames(points, sampled_points, neighborhood_size):
    grouped, _ = _knn_group(points, sampled_points, neighborhood_size)  # [B, P, K, 3]
    centered = grouped - jnp.mean(grouped, axis=2, keepdims=True)
    cov = jnp.einsum('bpki,bpkj->bpij', centered, centered) / float(neighborhood_size)
    curvatures, coord_frames = jnp.linalg.eigh(cov)  # evals asc, evecs in columns
    return curvatures, coord_frames, grouped


def setup_inputs(seed: int = 0) -> dict:
    key = jax.random.key(seed)
    pointclouds = jax.random.normal(key, (8, 16384, 3), dtype=jnp.float32)
    return {"pointclouds": pointclouds}


def reference(pointclouds):
    B, N, dim = pointclouds.shape
    _, group_means = _group_points(pointclouds, GROUP_NUMS, GROUP_SIZE)
    curvatures, coord_frames, grouped_points = _estimate_pointcloud_local_coord_frames(
        pointclouds, group_means, GROUP_SIZE)
    main_axis = coord_frames[:, :, :, 2][:, :, None, :]  # [B, P, 1, 3]
    main_axis_expanded = jnp.broadcast_to(main_axis, grouped_points.shape)
    enhanced = jnp.concatenate([grouped_points, main_axis_expanded], axis=-1)  # [B, P, K, 6]
    enhanced = enhanced.reshape(B, -1, enhanced.shape[-1])  # [B, P*K, 6]
    idx = jnp.linspace(0.0, enhanced.shape[1] - 1, N).astype(jnp.int32)
    sampled = enhanced[:, idx, :]  # [B, N, 6]
    return sampled

if __name__ == "__main__":
    import jax
    _d = setup_inputs()
    print(jax.jit(kernel)(*tuple(_d.values())))

</pallas_src>

<mosaic_0001>
#map = affine_map<(d0, d1) -> (0, 0)>
#map1 = affine_map<(d0, d1) -> (0)>
module attributes {stable_mosaic.version = 14 : i64} {
  func.func @_sc_body(%arg0: i32, %arg1: i32, %arg2: memref<4096x16384xf32, #tpu.memory_space<hbm>>, %arg3: memref<4096xf32, #tpu.memory_space<hbm>>, %arg4: memref<4096xi32, #tpu.memory_space<hbm>>, %arg5: memref<8x16384xf32, #tpu.memory_space<hbm>>, %arg6: memref<8x16384xf32, #tpu.memory_space<hbm>>, %arg7: memref<8x16384xf32, #tpu.memory_space<hbm>>, %arg8: memref<512x32xi32, #tpu.memory_space<hbm>>, %arg9: memref<393216xf32, #tpu.memory_space<hbm>>, %arg10: memref<1572864xf32, #tpu.memory_space<hbm>>, %arg11: memref<16384xf32, #tpu.memory_space<vmem>>, %arg12: memref<16384xf32, #tpu.memory_space<vmem>>, %arg13: memref<16384xf32, #tpu.memory_space<vmem>>, %arg14: memref<128x32xi32, #tpu.memory_space<vmem>>, %arg15: memref<144xf32, #tpu.memory_space<vmem>>, %arg16: memref<144xi32, #tpu.memory_space<vmem>>, %arg17: memref<16384xf32, #tpu.memory_space<vmem>>, %arg18: memref<160xf32, #tpu.memory_space<vmem>>, %arg19: memref<160xi32, #tpu.memory_space<vmem>>, %arg20: memref<128xi32, #tpu.memory_space<vmem>>, %arg21: memref<12288xf32, #tpu.memory_space<vmem>>, %arg22: memref<384xf32, #tpu.memory_space<vmem>>) attributes {dimension_semantics = [#tpu.dimension_semantics<core_parallel>, #tpu.dimension_semantics<subcore_parallel>], iteration_bounds = array<i64: 2, 16>, scalar_prefetch = 0 : i64, scratch_operands = 12 : i64, tpu.core_type = #tpu.core_type<sc_vector_subcore>, window_params = [{transform_indices = #map}, {transform_indices = #map1}, {transform_indices = #map1}, {transform_indices = #map}, {transform_indices = #map}, {transform_indices = #map}, {transform_indices = #map}, {transform_indices = #map1}, {transform_indices = #map1}]} {
    %mul3A = arith.constant 2 : i32
    %mul3A_0 = arith.muli %arg1, %mul3A : i32
    %add3A = arith.addi %mul3A_0, %arg0 : i32
    %mul3A_1 = arith.constant 128 : i32
    %mul3A_2 = arith.muli %add3A, %mul3A_1 : i32
    %div3A = arith.constant 512 : i32
    %div3A_3 = arith.divsi %mul3A_2, %div3A : i32
    %rem3A = arith.constant 512 : i32
    %rem3A_4 = arith.remsi %mul3A_2, %rem3A : i32
    "tpu.region"() ({
      %run_scoped3A = tpu.sem_alloc : memref<!tpu.dma_semaphore, #tpu.memory_space<semaphore_mem>>
      %dma_start3A = arith.constant 0 : i32
      %dma_start3A_14 = tpu.memref_slice %arg5[%div3A_3, %dma_start3A] : memref<8x16384xf32, #tpu.memory_space<hbm>> -> memref<1x16384xf32, #tpu.memory_space<hbm>>
      %dma_start3A_15 = tpu.memref_squeeze %dma_start3A_14 : memref<1x16384xf32, #tpu.memory_space<hbm>> -> memref<16384xf32, #tpu.memory_space<hbm>>
      %dma_start3A_16 = arith.constant 0 : i32
      %dma_start3A_17 = tpu.memref_slice %arg5[%div3A_3, %dma_start3A_16] : memref<8x16384xf32, #tpu.memory_space<hbm>> -> memref<1x16384xf32, #tpu.memory_space<hbm>>
      %dma_start3A_18 = tpu.memref_squeeze %dma_start3A_17 : memref<1x16384xf32, #tpu.memory_space<hbm>> -> memref<16384xf32, #tpu.memory_space<hbm>>
      tpu.enqueue_dma source(%dma_start3A_18 : memref<16384xf32, #tpu.memory_space<hbm>>) target(%arg11 : memref<16384xf32, #tpu.memory_space<vmem>>) target_semaphore(%run_scoped3A : memref<!tpu.dma_semaphore, #tpu.memory_space<semaphore_mem>>)
      %dma_wait3A = arith.constant 0 : i32
      %dma_wait3A_19 = tpu.memref_slice %arg5[%div3A_3, %dma_wait3A] : memref<8x16384xf32, #tpu.memory_space<hbm>> -> memref<1x16384xf32, #tpu.memory_space<hbm>>
      %dma_wait3A_20 = tpu.memref_squeeze %dma_wait3A_19 : memref<1x16384xf32, #tpu.memory_space<hbm>> -> memref<16384xf32, #tpu.memory_space<hbm>>
      %dma_wait3A_21 = arith.constant 0 : i32
      %dma_wait3A_22 = tpu.memref_slice %arg5[%div3A_3, %dma_wait3A_21] : memref<8x16384xf32, #tpu.memory_space<hbm>> -> memref<1x16384xf32, #tpu.memory_space<hbm>>
      %dma_wait3A_23 = tpu.memref_squeeze %dma_wait3A_22 : memref<1x16384xf32, #tpu.memory_space<hbm>> -> memref<16384xf32, #tpu.memory_space<hbm>>
      tpu.wait_dma2 semaphore(%run_scoped3A : memref<!tpu.dma_semaphore, #tpu.memory_space<semaphore_mem>>) src(%dma_wait3A_23 : memref<16384xf32, #tpu.memory_space<hbm>>) dst(%arg11 : memref<16384xf32, #tpu.memory_space<vmem>>)
      tpu.yield
    }) : () -> ()
    "tpu.region"() ({
      %run_scoped3A = tpu.sem_alloc : memref<!tpu.dma_semaphore, #tpu.memory_space<semaphore_mem>>
      %dma_start3A = arith.constant 0 : i32
      %dma_start3A_14 = tpu.memref_slice %arg6[%div3A_3, %dma_start3A] : memref<8x16384xf32, #tpu.memory_space<hbm>> -> memref<1x16384xf32, #tpu.memory_space<hbm>>
      %dma_start3A_15 = tpu.memref_squeeze %dma_start3A_14 : memref<1x16384xf32, #tpu.memory_space<hbm>> -> memref<16384xf32, #tpu.memory_space<hbm>>
      %dma_start3A_16 = arith.constant 0 : i32
      %dma_start3A_17 = tpu.memref_slice %arg6[%div3A_3, %dma_start3A_16] : memref<8x16384xf32, #tpu.memory_space<hbm>> -> memref<1x16384xf32, #tpu.memory_space<hbm>>
      %dma_start3A_18 = tpu.memref_squeeze %dma_start3A_17 : memref<1x16384xf32, #tpu.memory_space<hbm>> -> memref<16384xf32, #tpu.memory_space<hbm>>
      tpu.enqueue_dma source(%dma_start3A_18 : memref<16384xf32, #tpu.memory_space<hbm>>) target(%arg12 : memref<16384xf32, #tpu.memory_space<vmem>>) target_semaphore(%run_scoped3A : memref<!tpu.dma_semaphore, #tpu.memory_space<semaphore_mem>>)
      %dma_wait3A = arith.constant 0 : i32
      %dma_wait3A_19 = tpu.memref_slice %arg6[%div3A_3, %dma_wait3A] : memref<8x16384xf32, #tpu.memory_space<hbm>> -> memref<1x16384xf32, #tpu.memory_space<hbm>>
      %dma_wait3A_20 = tpu.memref_squeeze %dma_wait3A_19 : memref<1x16384xf32, #tpu.memory_space<hbm>> -> memref<16384xf32, #tpu.memory_space<hbm>>
      %dma_wait3A_21 = arith.constant 0 : i32
      %dma_wait3A_22 = tpu.memref_slice %arg6[%div3A_3, %dma_wait3A_21] : memref<8x16384xf32, #tpu.memory_space<hbm>> -> memref<1x16384xf32, #tpu.memory_space<hbm>>
      %dma_wait3A_23 = tpu.memref_squeeze %dma_wait3A_22 : memref<1x16384xf32, #tpu.memory_space<hbm>> -> memref<16384xf32, #tpu.memory_space<hbm>>
      tpu.wait_dma2 semaphore(%run_scoped3A : memref<!tpu.dma_semaphore, #tpu.memory_space<semaphore_mem>>) src(%dma_wait3A_23 : memref<16384xf32, #tpu.memory_space<hbm>>) dst(%arg12 : memref<16384xf32, #tpu.memory_space<vmem>>)
      tpu.yield
    }) : () -> ()
    "tpu.region"() ({
      %run_scoped3A = tpu.sem_alloc : memref<!tpu.dma_semaphore, #tpu.memory_space<semaphore_mem>>
      %dma_start3A = arith.constant 0 : i32
      %dma_start3A_14 = tpu.memref_slice %arg7[%div3A_3, %dma_start3A] : memref<8x16384xf32, #tpu.memory_space<hbm>> -> memref<1x16384xf32, #tpu.memory_space<hbm>>
      %dma_start3A_15 = tpu.memref_squeeze %dma_start3A_14 : memref<1x16384xf32, #tpu.memory_space<hbm>> -> memref<16384xf32, #tpu.memory_space<hbm>>
      %dma_start3A_16 = arith.constant 0 : i32
      %dma_start3A_17 = tpu.memref_slice %arg7[%div3A_3, %dma_start3A_16] : memref<8x16384xf32, #tpu.memory_space<hbm>> -> memref<1x16384xf32, #tpu.memory_space<hbm>>
      %dma_start3A_18 = tpu.memref_squeeze %dma_start3A_17 : memref<1x16384xf32, #tpu.memory_space<hbm>> -> memref<16384xf32, #tpu.memory_space<hbm>>
      tpu.enqueue_dma source(%dma_start3A_18 : memref<16384xf32, #tpu.memory_space<hbm>>) target(%arg13 : memref<16384xf32, #tpu.memory_space<vmem>>) target_semaphore(%run_scoped3A : memref<!tpu.dma_semaphore, #tpu.memory_space<semaphore_mem>>)
      %dma_wait3A = arith.constant 0 : i32
      %dma_wait3A_19 = tpu.memref_slice %arg7[%div3A_3, %dma_wait3A] : memref<8x16384xf32, #tpu.memory_space<hbm>> -> memref<1x16384xf32, #tpu.memory_space<hbm>>
      %dma_wait3A_20 = tpu.memref_squeeze %dma_wait3A_19 : memref<1x16384xf32, #tpu.memory_space<hbm>> -> memref<16384xf32, #tpu.memory_space<hbm>>
      %dma_wait3A_21 = arith.constant 0 : i32
      %dma_wait3A_22 = tpu.memref_slice %arg7[%div3A_3, %dma_wait3A_21] : memref<8x16384xf32, #tpu.memory_space<hbm>> -> memref<1x16384xf32, #tpu.memory_space<hbm>>
      %dma_wait3A_23 = tpu.memref_squeeze %dma_wait3A_22 : memref<1x16384xf32, #tpu.memory_space<hbm>> -> memref<16384xf32, #tpu.memory_space<hbm>>
      tpu.wait_dma2 semaphore(%run_scoped3A : memref<!tpu.dma_semaphore, #tpu.memory_space<semaphore_mem>>) src(%dma_wait3A_23 : memref<16384xf32, #tpu.memory_space<hbm>>) dst(%arg13 : memref<16384xf32, #tpu.memory_space<vmem>>)
      tpu.yield
    }) : () -> ()
    "tpu.region"() ({
      %run_scoped3A = tpu.sem_alloc : memref<!tpu.dma_semaphore, #tpu.memory_space<semaphore_mem>>
      %dma_start3A = arith.constant 0 : i32
      %dma_start3A_14 = tpu.memref_slice %arg8[%rem3A_4, %dma_start3A] : memref<512x32xi32, #tpu.memory_space<hbm>> -> memref<128x32xi32, #tpu.memory_space<hbm>>
      %dma_start3A_15 = arith.constant 0 : i32
      %dma_start3A_16 = tpu.memref_slice %arg8[%rem3A_4, %dma_start3A_15] : memref<512x32xi32, #tpu.memory_space<hbm>> -> memref<128x32xi32, #tpu.memory_space<hbm>>
      tpu.enqueue_dma source(%dma_start3A_16 : memref<128x32xi32, #tpu.memory_space<hbm>>) target(%arg14 : memref<128x32xi32, #tpu.memory_space<vmem>>) target_semaphore(%run_scoped3A : memref<!tpu.dma_semaphore, #tpu.memory_space<semaphore_mem>>)
      %dma_wait3A = arith.constant 0 : i32
      %dma_wait3A_17 = tpu.memref_slice %arg8[%rem3A_4, %dma_wait3A] : memref<512x32xi32, #tpu.memory_space<hbm>> -> memref<128x32xi32, #tpu.memory_space<hbm>>
      %dma_wait3A_18 = arith.constant 0 : i32
      %dma_wait3A_19 = tpu.memref_slice %arg8[%rem3A_4, %dma_wait3A_18] : memref<512x32xi32, #tpu.memory_space<hbm>> -> memref<128x32xi32, #tpu.memory_space<hbm>>
      tpu.wait_dma2 semaphore(%run_scoped3A : memref<!tpu.dma_semaphore, #tpu.memory_space<semaphore_mem>>) src(%dma_wait3A_19 : memref<128x32xi32, #tpu.memory_space<hbm>>) dst(%arg14 : memref<128x32xi32, #tpu.memory_space<vmem>>)
      tpu.yield
    }) : () -> ()
    "tpu.region"() ({
      %run_scoped3A = tpu.sem_alloc : memref<!tpu.dma_semaphore, #tpu.memory_space<semaphore_mem>>
      %dma_start3A = arith.constant 0 : i32
      %dma_start3A_14 = tpu.memref_slice %arg15[%dma_start3A] : memref<144xf32, #tpu.memory_space<vmem>> -> memref<128xf32, #tpu.memory_space<vmem>>
      %dma_start3A_15 = tpu.memref_slice %arg3[%mul3A_2] : memref<4096xf32, #tpu.memory_space<hbm>> -> memref<128xf32, #tpu.memory_space<hbm>>
      %dma_start3A_16 = arith.constant 0 : i32
      %dma_start3A_17 = tpu.memref_slice %arg15[%dma_start3A_16] : memref<144xf32, #tpu.memory_space<vmem>> -> memref<128xf32, #tpu.memory_space<vmem>>
      %dma_start3A_18 = tpu.memref_slice %arg3[%mul3A_2] : memref<4096xf32, #tpu.memory_space<hbm>> -> memref<128xf32, #tpu.memory_space<hbm>>
      tpu.enqueue_dma source(%dma_start3A_18 : memref<128xf32, #tpu.memory_space<hbm>>) target(%dma_start3A_17 : memref<128xf32, #tpu.memory_space<vmem>>) target_semaphore(%run_scoped3A : memref<!tpu.dma_semaphore, #tpu.memory_space<semaphore_mem>>)
      %dma_wait3A = arith.constant 0 : i32
      %dma_wait3A_19 = tpu.memref_slice %arg15[%dma_wait3A] : memref<144xf32, #tpu.memory_space<vmem>> -> memref<128xf32, #tpu.memory_space<vmem>>
      %dma_wait3A_20 = tpu.memref_slice %arg3[%mul3A_2] : memref<4096xf32, #tpu.memory_space<hbm>> -> memref<128xf32, #tpu.memory_space<hbm>>
      %dma_wait3A_21 = arith.constant 0 : i32
      %dma_wait3A_22 = tpu.memref_slice %arg15[%dma_wait3A_21] : memref<144xf32, #tpu.memory_space<vmem>> -> memref<128xf32, #tpu.memory_space<vmem>>
      %dma_wait3A_23 = tpu.memref_slice %arg3[%mul3A_2] : memref<4096xf32, #tpu.memory_space<hbm>> -> memref<128xf32, #tpu.memory_space<hbm>>
      tpu.wait_dma2 semaphore(%run_scoped3A : memref<!tpu.dma_semaphore, #tpu.memory_space<semaphore_mem>>) src(%dma_wait3A_23 : memref<128xf32, #tpu.memory_space<hbm>>) dst(%dma_wait3A_22 : memref<128xf32, #tpu.memory_space<vmem>>)
      tpu.yield
    }) : () -> ()
    "tpu.region"() ({
      %run_scoped3A = tpu.sem_alloc : memref<!tpu.dma_semaphore, #tpu.memory_space<semaphore_mem>>
      %dma_start3A = arith.constant 0 : i32
      %dma_start3A_14 = tpu.memref_slice %arg16[%dma_start3A] : memref<144xi32, #tpu.memory_space<vmem>> -> memref<128xi32, #tpu.memory_space<vmem>>
      %dma_start3A_15 = tpu.memref_slice %arg4[%mul3A_2] : memref<4096xi32, #tpu.memory_space<hbm>> -> memref<128xi32, #tpu.memory_space<hbm>>
      %dma_start3A_16 = arith.constant 0 : i32
      %dma_start3A_17 = tpu.memref_slice %arg16[%dma_start3A_16] : memref<144xi32, #tpu.memory_space<vmem>> -> memref<128xi32, #tpu.memory_space<vmem>>
      %dma_start3A_18 = tpu.memref_slice %arg4[%mul3A_2] : memref<4096xi32, #tpu.memory_space<hbm>> -> memref<128xi32, #tpu.memory_space<hbm>>
      tpu.enqueue_dma source(%dma_start3A_18 : memref<128xi32, #tpu.memory_space<hbm>>) target(%dma_start3A_17 : memref<128xi32, #tpu.memory_space<vmem>>) target_semaphore(%run_scoped3A : memref<!tpu.dma_semaphore, #tpu.memory_space<semaphore_mem>>)
      %dma_wait3A = arith.constant 0 : i32
      %dma_wait3A_19 = tpu.memref_slice %arg16[%dma_wait3A] : memref<144xi32, #tpu.memory_space<vmem>> -> memref<128xi32, #tpu.memory_space<vmem>>
      %dma_wait3A_20 = tpu.memref_slice %arg4[%mul3A_2] : memref<4096xi32, #tpu.memory_space<hbm>> -> memref<128xi32, #tpu.memory_space<hbm>>
      %dma_wait3A_21 = arith.constant 0 : i32
      %dma_wait3A_22 = tpu.memref_slice %arg16[%dma_wait3A_21] : memref<144xi32, #tpu.memory_space<vmem>> -> memref<128xi32, #tpu.memory_space<vmem>>
      %dma_wait3A_23 = tpu.memref_slice %arg4[%mul3A_2] : memref<4096xi32, #tpu.memory_space<hbm>> -> memref<128xi32, #tpu.memory_space<hbm>>
      tpu.wait_dma2 semaphore(%run_scoped3A : memref<!tpu.dma_semaphore, #tpu.memory_space<semaphore_mem>>) src(%dma_wait3A_23 : memref<128xi32, #tpu.memory_space<hbm>>) dst(%dma_wait3A_22 : memref<128xi32, #tpu.memory_space<vmem>>)
      tpu.yield
    }) : () -> ()
    %iota3A = tpu.iota {dimensions = array<i32: 0>} : vector<16xi32>
    %scan3A = arith.constant 0 : i32
    %scan3A_5 = arith.constant 0 : i32
    %scan3A_6 = arith.constant 128 : i32
    %scan3A_7 = arith.addi %scan3A_5, %scan3A_6 : i32
    %scan3A_8 = arith.constant 1 : i32
    scf.for %scan3A_14 = %scan3A_5 to %scan3A_7 step %scan3A_8  : i32 {
      %add3A_15 = arith.addi %mul3A_2, %scan3A_14 : i32
      "tpu.region"() ({
        %run_scoped3A = tpu.sem_alloc : memref<!tpu.dma_semaphore, #tpu.memory_space<semaphore_mem>>
        %dma_start3A = arith.constant 0 : i32
        %dma_start3A_606 = tpu.memref_slice %arg2[%add3A_15, %dma_start3A] : memref<4096x16384xf32, #tpu.memory_space<hbm>> -> memref<1x16384xf32, #tpu.memory_space<hbm>>
        %dma_start3A_607 = tpu.memref_squeeze %dma_start3A_606 : memref<1x16384xf32, #tpu.memory_space<hbm>> -> memref<16384xf32, #tpu.memory_space<hbm>>
        %dma_start3A_608 = arith.constant 0 : i32
        %dma_start3A_609 = tpu.memref_slice %arg2[%add3A_15, %dma_start3A_608] : memref<4096x16384xf32, #tpu.memory_space<hbm>> -> memref<1x16384xf32, #tpu.memory_space<hbm>>
        %dma_start3A_610 = tpu.memref_squeeze %dma_start3A_609 : memref<1x16384xf32, #tpu.memory_space<hbm>> -> memref<16384xf32, #tpu.memory_space<hbm>>
        tpu.enqueue_dma source(%dma_start3A_610 : memref<16384xf32, #tpu.memory_space<hbm>>) target(%arg17 : memref<16384xf32, #tpu.memory_space<vmem>>) target_semaphore(%run_scoped3A : memref<!tpu.dma_semaphore, #tpu.memory_space<semaphore_mem>>)
        %dma_wait3A = arith.constant 0 : i32
        %dma_wait3A_611 = tpu.memref_slice %arg2[%add3A_15, %dma_wait3A] : memref<4096x16384xf32, #tpu.memory_space<hbm>> -> memref<1x16384xf32, #tpu.memory_space<hbm>>
        %dma_wait3A_612 = tpu.memref_squeeze %dma_wait3A_611 : memref<1x16384xf32, #tpu.memory_space<hbm>> -> memref<16384xf32, #tpu.memory_space<hbm>>
        %dma_wait3A_613 = arith.constant 0 : i32
        %dma_wait3A_614 = tpu.memref_slice %arg2[%add3A_15, %dma_wait3A_613] : memref<4096x16384xf32, #tpu.memory_space<hbm>> -> memref<1x16384xf32, #tpu.memory_space<hbm>>
        %dma_wait3A_615 = tpu.memref_squeeze %dma_wait3A_614 : memref<1x16384xf32, #tpu.memory_space<hbm>> -> memref<16384xf32, #tpu.memory_space<hbm>>
        tpu.wait_dma2 semaphore(%run_scoped3A : memref<!tpu.dma_semaphore, #tpu.memory_space<semaphore_mem>>) src(%dma_wait3A_615 : memref<16384xf32, #tpu.memory_space<hbm>>) dst(%arg17 : memref<16384xf32, #tpu.memory_space<vmem>>)
        tpu.yield
      }) : () -> ()
      %get3A = arith.index_cast %scan3A_14 : i32 to index
      %get3A_16 = tpu.vector_load %arg15[%get3A] {strides = array<i32>} : memref<144xf32, #tpu.memory_space<vmem>>, vector<16xf32>,
      %slice3A = vector.extract_strided_slice %get3A_16 {offsets = [0], sizes = [1], strides = [1]} : vector<16xf32> to vector<1xf32>
      %squeeze3A = vector.extract %slice3A[0] : f32 from vector<1xf32>
      %broadcast_in_dim3A = vector.broadcast %squeeze3A : f32 to vector<16xf32>
      %get3A_17 = arith.index_cast %scan3A_14 : i32 to index
      %get3A_18 = tpu.vector_load %arg16[%get3A_17] {strides = array<i32>} : memref<144xi32, #tpu.memory_space<vmem>>, vector<16xi32>,
      %slice3A_19 = vector.extract_strided_slice %get3A_18 {offsets = [0], sizes = [1], strides = [1]} : vector<16xi32> to vector<1xi32>
      %squeeze3A_20 = vector.extract %slice3A_19[0] : i32 from vector<1xi32>
      %broadcast_in_dim3A_21 = vector.broadcast %squeeze3A_20 : i32 to vector<16xi32>
      %scan3A_22 = arith.constant 0 : i32
      %scan3A_23 = arith.constant 0 : i32
      %scan3A_24 = arith.constant 1024 : i32
      %scan3A_25 = arith.addi %scan3A_23, %scan3A_24 : i32
      %scan3A_26 = arith.constant 1 : i32
      %scan3A_27 = scf.for %scan3A_606 = %scan3A_23 to %scan3A_25 step %scan3A_26 iter_args(%scan3A_607 = %scan3A_22) -> (i32)  : i32 {
        %mul3A_608 = arith.constant 16 : i32
        %mul3A_609 = arith.muli %scan3A_606, %mul3A_608 : i32
        %get3A_610 = arith.index_cast %mul3A_609 : i32 to index
        %get3A_611 = tpu.vector_load %arg17[%get3A_610] {strides = array<i32>} : memref<16384xf32, #tpu.memory_space<vmem>>, vector<16xf32>,
        %mul3A_612 = arith.constant 16 : i32
        %mul3A_613 = arith.muli %scan3A_606, %mul3A_612 : i32
        %add3A_614 = vector.broadcast %mul3A_613 : i32 to vector<16xi32>
        %add3A_615 = arith.addi %add3A_614, %iota3A : vector<16xi32>
        %lt3A = arith.cmpf olt, %get3A_611, %broadcast_in_dim3A : vector<16xf32>
        %eq3A = arith.cmpf oeq, %get3A_611, %broadcast_in_dim3A : vector<16xf32>
        %le3A_616 = arith.cmpi sle, %add3A_615, %broadcast_in_dim3A_21 : vector<16xi32>
        %and3A = arith.andi %eq3A, %le3A_616 : vector<16xi1>
        %or3A = arith.ori %lt3A, %and3A : vector<16xi1>
        %jit3A = arith.constant 1 : i32
        %jit3A_617 = arith.constant 0 : i32
        %broadcast_in_dim3A_618 = vector.broadcast %jit3A : i32 to vector<16xi32>
        %broadcast_in_dim3A_619 = vector.broadcast %jit3A_617 : i32 to vector<16xi32>
        %select_n3A_620 = arith.select %or3A, %broadcast_in_dim3A_618, %broadcast_in_dim3A_619 : vector<16xi1>, vector<16xi32>
        %broadcast_in_dim3A_621 = arith.constant true
        %broadcast_in_dim3A_622 = vector.broadcast %broadcast_in_dim3A_621 : i1 to vector<16xi1>
        %masked_cumsum3A = tpu.scan <sum>, %select_n3A_620 masked %broadcast_in_dim3A_622 : vector<16xi32>, vector<16xi1> -> vector<16xi32>
        %add3A_623 = vector.broadcast %scan3A_607 : i32 to vector<16xi32>
        %add3A_624 = arith.addi %add3A_623, %masked_cumsum3A : vector<16xi32>
        %sub3A = arith.constant 1 : i32
        %sub3A_625 = vector.broadcast %sub3A : i32 to vector<16xi32>
        %sub3A_626 = arith.subi %add3A_624, %sub3A_625 : vector<16xi32>
        tpu.vector_store_idx %arg18[%sub3A_626], %get3A_611 masked %or3A : memref<160xf32, #tpu.memory_space<vmem>>[vector<16xi32>], vector<16xf32>, vector<16xi1>
        tpu.vector_store_idx %arg19[%sub3A_626], %add3A_615 masked %or3A : memref<160xi32, #tpu.memory_space<vmem>>[vector<16xi32>], vector<16xi32>, vector<16xi1>
        %slice3A_627 = vector.extract_strided_slice %masked_cumsum3A {offsets = [15], sizes = [1], strides = [1]} : vector<16xi32> to vector<1xi32>
        %squeeze3A_628 = vector.extract %slice3A_627[0] : i32 from vector<1xi32>
        %add3A_629 = arith.addi %scan3A_607, %squeeze3A_628 : i32
        scf.yield %add3A_629 : i32
      }
      %scan3A_28 = arith.constant 1024 : i32
      %get3A_29 = arith.constant 0 : index
      %get3A_30 = tpu.vector_load %arg18[%get3A_29] {strides = array<i32>} : memref<160xf32, #tpu.memory_space<vmem>>, vector<16xf32>,
      %get3A_31 = arith.constant 16 : index
      %get3A_32 = tpu.vector_load %arg18[%get3A_31] {strides = array<i32>} : memref<160xf32, #tpu.memory_space<vmem>>, vector<16xf32>,
      %get3A_33 = arith.constant 32 : index
      %get3A_34 = tpu.vector_load %arg18[%get3A_33] {strides = array<i32>} : memref<160xf32, #tpu.memory_space<vmem>>, vector<16xf32>,
      %get3A_35 = arith.constant 48 : index
      %get3A_36 = tpu.vector_load %arg18[%get3A_35] {strides = array<i32>} : memref<160xf32, #tpu.memory_space<vmem>>, vector<16xf32>,
      %get3A_37 = arith.constant 64 : index
      %get3A_38 = tpu.vector_load %arg18[%get3A_37] {strides = array<i32>} : memref<160xf32, #tpu.memory_space<vmem>>, vector<16xf32>,
      %get3A_39 = arith.constant 80 : index
      %get3A_40 = tpu.vector_load %arg18[%get3A_39] {strides = array<i32>} : memref<160xf32, #tpu.memory_space<vmem>>, vector<16xf32>,
      %get3A_41 = arith.constant 96 : index
      %get3A_42 = tpu.vector_load %arg18[%get3A_41] {strides = array<i32>} : memref<160xf32, #tpu.memory_space<vmem>>, vector<16xf32>,
      %get3A_43 = arith.constant 112 : index
      %get3A_44 = tpu.vector_load %arg18[%get3A_43] {strides = array<i32>} : memref<160xf32, #tpu.memory_space<vmem>>, vector<16xf32>,
      %get3A_45 = arith.constant 0 : index
      %get3A_46 = tpu.vector_load %arg19[%get3A_45] {strides = array<i32>} : memref<160xi32, #tpu.memory_space<vmem>>, vector<16xi32>,
      %get3A_47 = arith.constant 16 : index
      %get3A_48 = tpu.vector_load %arg19[%get3A_47] {strides = array<i32>} : memref<160xi32, #tpu.memory_space<vmem>>, vector<16xi32>,
      %get3A_49 = arith.constant 32 : index
      %get3A_50 = tpu.vector_load %arg19[%get3A_49] {strides = array<i32>} : memref<160xi32, #tpu.memory_space<vmem>>, vector<16xi32>,
      %get3A_51 = arith.constant 48 : index
      %get3A_52 = tpu.vector_load %arg19[%get3A_51] {strides = array<i32>} : memref<160xi32, #tpu.memory_space<vmem>>, vector<16xi32>,
      %get3A_53 = arith.constant 64 : index
      %get3A_54 = tpu.vector_load %arg19[%get3A_53] {strides = array<i32>} : memref<160xi32, #tpu.memory_space<vmem>>, vector<16xi32>,
      %get3A_55 = arith.constant 80 : index
      %get3A_56 = tpu.vector_load %arg19[%get3A_55] {strides = array<i32>} : memref<160xi32, #tpu.memory_space<vmem>>, vector<16xi32>,
      %get3A_57 = arith.constant 96 : index
      %get3A_58 = tpu.vector_load %arg19[%get3A_57] {strides = array<i32>} : memref<160xi32, #tpu.memory_space<vmem>>, vector<16xi32>,
      %get3A_59 = arith.constant 112 : index
      %get3A_60 = tpu.vector_load %arg19[%get3A_59] {strides = array<i32>} : memref<160xi32, #tpu.memory_space<vmem>>, vector<16xi32>,
      %masked_sort3A = arith.constant dense<true> : vector<16xi1>
      %masked_sort3A_61, %masked_sort3A_62, %masked_sort3A_63 = tpu.sort %get3A_30, %get3A_46 masked %masked_sort3A : (vector<16xf32>, vector<16xi32>, vector<16xi1>) -> (vector<16xi1>, vector<16xf32>, vector<16xi32>)
      %masked_sort3A_64 = arith.constant dense<true> : vector<16xi1>
      %masked_sort3A_65, %masked_sort3A_66, %masked_sort3A_67 = tpu.sort %get3A_32, %get3A_48 masked %masked_sort3A_64 : (vector<16xf32>, vector<16xi32>, vector<16xi1>) -> (vector<16xi1>, vector<16xf32>, vector<16xi32>)
      %masked_sort3A_68 = arith.constant dense<true> : vector<16xi1>
      %masked_sort3A_69, %masked_sort3A_70, %masked_sort3A_71 = tpu.sort %get3A_34, %get3A_50 masked %masked_sort3A_68 : (vector<16xf32>, vector<16xi32>, vector<16xi1>) -> (vector<16xi1>, vector<16xf32>, vector<16xi32>)
      %masked_sort3A_72 = arith.constant dense<true> : vector<16xi1>
      %masked_sort3A_73, %masked_sort3A_74, %masked_sort3A_75 = tpu.sort %get3A_36, %get3A_52 masked %masked_sort3A_72 : (vector<16xf32>, vector<16xi32>, vector<16xi1>) -> (vector<16xi1>, vector<16xf32>, vector<16xi32>)
      %masked_sort3A_76 = arith.constant dense<true> : vector<16xi1>
      %masked_sort3A_77, %masked_sort3A_78, %masked_sort3A_79 = tpu.sort %get3A_38, %get3A_54 masked %masked_sort3A_76 : (vector<16xf32>, vector<16xi32>, vector<16xi1>) -> (vector<16xi1>, vector<16xf32>, vector<16xi32>)
      %masked_sort3A_80 = arith.constant dense<true> : vector<16xi1>
      %masked_sort3A_81, %masked_sort3A_82, %masked_sort3A_83 = tpu.sort %get3A_40, %get3A_56 masked %masked_sort3A_80 : (vector<16xf32>, vector<16xi32>, vector<16xi1>) -> (vector<16xi1>, vector<16xf32>, vector<16xi32>)
      %masked_sort3A_84 = arith.constant dense<true> : vector<16xi1>
      %masked_sort3A_85, %masked_sort3A_86, %masked_sort3A_87 = tpu.sort %get3A_42, %get3A_58 masked %masked_sort3A_84 : (vector<16xf32>, vector<16xi32>, vector<16xi1>) -> (vector<16xi1>, vector<16xf32>, vector<16xi32>)
      %masked_sort3A_88 = arith.constant dense<true> : vector<16xi1>
      %masked_sort3A_89, %masked_sort3A_90, %masked_sort3A_91 = tpu.sort %get3A_44, %get3A_60 masked %masked_sort3A_88 : (vector<16xf32>, vector<16xi32>, vector<16xi1>) -> (vector<16xi1>, vector<16xf32>, vector<16xi32>)
      %rev3A = arith.constant 15 : i32
      %rev3A_92 = vector.broadcast %rev3A : i32 to vector<16xi32>
      %rev3A_93 = tpu.iota {dimensions = array<i32: 0>} : vector<16xi32>
      %rev3A_94 = arith.subi %rev3A_92, %rev3A_93 : vector<16xi32>
      %rev3A_95 = tpu.dynamic_gather %masked_sort3A_66[%rev3A_94] in [0] : vector<16xf32>, vector<16xi32> -> vector<16xf32>
      %rev3A_96 = arith.constant 15 : i32
      %rev3A_97 = vector.broadcast %rev3A_96 : i32 to vector<16xi32>
      %rev3A_98 = tpu.iota {dimensions = array<i32: 0>} : vector<16xi32>
      %rev3A_99 = arith.subi %rev3A_97, %rev3A_98 : vector<16xi32>
      %rev3A_100 = tpu.dynamic_gather %masked_sort3A_67[%rev3A_99] in [0] : vector<16xi32>, vector<16xi32> -> vector<16xi32>
      %le3A = arith.cmpf ole, %masked_sort3A_62, %rev3A_95 : vector<16xf32>
      %select_n3A = arith.select %le3A, %masked_sort3A_62, %rev3A_95 : vector<16xi1>, vector<16xf32>
      %select_n3A_101 = arith.select %le3A, %rev3A_95, %masked_sort3A_62 : vector<16xi1>, vector<16xf32>
      %select_n3A_102 = arith.select %le3A, %masked_sort3A_63, %rev3A_100 : vector<16xi1>, vector<16xi32>
      %select_n3A_103 = arith.select %le3A, %rev3A_100, %masked_sort3A_63 : vector<16xi1>, vector<16xi32>
      %masked_sort3A_104 = arith.constant dense<true> : vector<16xi1>
      %masked_sort3A_105, %masked_sort3A_106, %masked_sort3A_107 = tpu.sort %select_n3A, %select_n3A_102 masked %masked_sort3A_104 : (vector<16xf32>, vector<16xi32>, vector<16xi1>) -> (vector<16xi1>, vector<16xf32>, vector<16xi32>)
      %masked_sort3A_108 = arith.constant dense<true> : vector<16xi1>
      %masked_sort3A_109, %masked_sort3A_110, %masked_sort3A_111 = tpu.sort %select_n3A_101, %select_n3A_103 masked %masked_sort3A_108 : (vector<16xf32>, vector<16xi32>, vector<16xi1>) -> (vector<16xi1>, vector<16xf32>, vector<16xi32>)
      %rev3A_112 = arith.constant 15 : i32
      %rev3A_113 = vector.broadcast %rev3A_112 : i32 to vector<16xi32>
      %rev3A_114 = tpu.iota {dimensions = array<i32: 0>} : vector<16xi32>
      %rev3A_115 = arith.subi %rev3A_113, %rev3A_114 : vector<16xi32>
      %rev3A_116 = tpu.dynamic_gather %masked_sort3A_74[%rev3A_115] in [0] : vector<16xf32>, vector<16xi32> -> vector<16xf32>
      %rev3A_117 = arith.constant 15 : i32
      %rev3A_118 = vector.broadcast %rev3A_117 : i32 to vector<16xi32>
      %rev3A_119 = tpu.iota {dimensions = array<i32: 0>} : vector<16xi32>
      %rev3A_120 = arith.subi %rev3A_118, %rev3A_119 : vector<16xi32>
      %rev3A_121 = tpu.dynamic_gather %masked_sort3A_75[%rev3A_120] in [0] : vector<16xi32>, vector<16xi32> -> vector<16xi32>
      %le3A_122 = arith.cmpf ole, %masked_sort3A_70, %rev3A_116 : vector<16xf32>
      %select_n3A_123 = arith.select %le3A_122, %masked_sort3A_70, %rev3A_116 : vector<16xi1>, vector<16xf32>
      %select_n3A_124 = arith.select %le3A_122, %rev3A_116, %masked_sort3A_70 : vector<16xi1>, vector<16xf32>
      %select_n3A_125 = arith.select %le3A_122, %masked_sort3A_71, %rev3A_121 : vector<16xi1>, vector<16xi32>
      %select_n3A_126 = arith.select %le3A_122, %rev3A_121, %masked_sort3A_71 : vector<16xi1>, vector<16xi32>
      %masked_sort3A_127 = arith.constant dense<true> : vector<16xi1>
      %masked_sort3A_128, %masked_sort3A_129, %masked_sort3A_130 = tpu.sort %select_n3A_123, %select_n3A_125 masked %masked_sort3A_127 : (vector<16xf32>, vector<16xi32>, vector<16xi1>) -> (vector<16xi1>, vector<16xf32>, vector<16xi32>)
      %masked_sort3A_131 = arith.constant dense<true> : vector<16xi1>
      %masked_sort3A_132, %masked_sort3A_133, %masked_sort3A_134 = tpu.sort %select_n3A_124, %select_n3A_126 masked %masked_sort3A_131 : (vector<16xf32>, vector<16xi32>, vector<16xi1>) -> (vector<16xi1>, vector<16xf32>, vector<16xi32>)
      %rev3A_135 = arith.constant 15 : i32
      %rev3A_136 = vector.broadcast %rev3A_135 : i32 to vector<16xi32>
      %rev3A_137 = tpu.iota {dimensions = array<i32: 0>} : vector<16xi32>
      %rev3A_138 = arith.subi %rev3A_136, %rev3A_137 : vector<16xi32>
      %rev3A_139 = tpu.dynamic_gather %masked_sort3A_82[%rev3A_138] in [0] : vector<16xf32>, vector<16xi32> -> vector<16xf32>
      %rev3A_140 = arith.constant 15 : i32
      %rev3A_141 = vector.broadcast %rev3A_140 : i32 to vector<16xi32>
      %rev3A_142 = tpu.iota {dimensions = array<i32: 0>} : vector<16xi32>
      %rev3A_143 = arith.subi %rev3A_141, %rev3A_142 : vector<16xi32>
      %rev3A_144 = tpu.dynamic_gather %masked_sort3A_83[%rev3A_143] in [0] : vector<16xi32>, vector<16xi32> -> vector<16xi32>
      %le3A_145 = arith.cmpf ole, %masked_sort3A_78, %rev3A_139 : vector<16xf32>
      %select_n3A_146 = arith.select %le3A_145, %masked_sort3A_78, %rev3A_139 : vector<16xi1>, vector<16xf32>
      %select_n3A_147 = arith.select %le3A_145, %rev3A_139, %masked_sort3A_78 : vector<16xi1>, vector<16xf32>
      %select_n3A_148 = arith.select %le3A_145, %masked_sort3A_79, %rev3A_144 : vector<16xi1>, vector<16xi32>
      %select_n3A_149 = arith.select %le3A_145, %rev3A_144, %masked_sort3A_79 : vector<16xi1>, vector<16xi32>
      %masked_sort3A_150 = arith.constant dense<true> : vector<16xi1>
      %masked_sort3A_151, %masked_sort3A_152, %masked_sort3A_153 = tpu.sort %select_n3A_146, %select_n3A_148 masked %masked_sort3A_150 : (vector<16xf32>, vector<16xi32>, vector<16xi1>) -> (vector<16xi1>, vector<16xf32>, vector<16xi32>)
      %masked_sort3A_154 = arith.constant dense<true> : vector<16xi1>
      %masked_sort3A_155, %masked_sort3A_156, %masked_sort3A_157 = tpu.sort %select_n3A_147, %select_n3A_149 masked %masked_sort3A_154 : (vector<16xf32>, vector<16xi32>, vector<16xi1>) -> (vector<16xi1>, vector<16xf32>, vector<16xi32>)
      %rev3A_158 = arith.constant 15 : i32
      %rev3A_159 = vector.broadcast %rev3A_158 : i32 to vector<16xi32>
      %rev3A_160 = tpu.iota {dimensions = array<i32: 0>} : vector<16xi32>
      %rev3A_161 = arith.subi %rev3A_159, %rev3A_160 : vector<16xi32>
      %rev3A_162 = tpu.dynamic_gather %masked_sort3A_90[%rev3A_161] in [0] : vector<16xf32>, vector<16xi32> -> vector<16xf32>
      %rev3A_163 = arith.constant 15 : i32
      %rev3A_164 = vector.broadcast %rev3A_163 : i32 to vector<16xi32>
      %rev3A_165 = tpu.iota {dimensions = array<i32: 0>} : vector<16xi32>
      %rev3A_166 = arith.subi %rev3A_164, %rev3A_165 : vector<16xi32>
      %rev3A_167 = tpu.dynamic_gather %masked_sort3A_91[%rev3A_166] in [0] : vector<16xi32>, vector<16xi32> -> vector<16xi32>
      %le3A_168 = arith.cmpf ole, %masked_sort3A_86, %rev3A_162 : vector<16xf32>
      %select_n3A_169 = arith.select %le3A_168, %masked_sort3A_86, %rev3A_162 : vector<16xi1>, vector<16xf32>
      %select_n3A_170 = arith.select %le3A_168, %rev3A_162, %masked_sort3A_86 : vector<16xi1>, vector<16xf32>
      %select_n3A_171 = arith.select %le3A_168, %masked_sort3A_87, %rev3A_167 : vector<16xi1>, vector<16xi32>
      %select_n3A_172 = arith.select %le3A_168, %rev3A_167, %masked_sort3A_87 : vector<16xi1>, vector<16xi32>
      %masked_sort3A_173 = arith.constant dense<true> : vector<16xi1>
      %masked_sort3A_174, %masked_sort3A_175, %masked_sort3A_176 = tpu.sort %select_n3A_169, %select_n3A_171 masked %masked_sort3A_173 : (vector<16xf32>, vector<16xi32>, vector<16xi1>) -> (vector<16xi1>, vector<16xf32>, vector<16xi32>)
      %masked_sort3A_177 = arith.constant dense<true> : vector<16xi1>
      %masked_sort3A_178, %masked_sort3A_179, %masked_sort3A_180 = tpu.sort %select_n3A_170, %select_n3A_172 masked %masked_sort3A_177 : (vector<16xf32>, vector<16xi32>, vector<16xi1>) -> (vector<16xi1>, vector<16xf32>, vector<16xi32>)
      %rev3A_181 = arith.constant 15 : i32
      %rev3A_182 = vector.broadcast %rev3A_181 : i32 to vector<16xi32>
      %rev3A_183 = tpu.iota {dimensions = array<i32: 0>} : vector<16xi32>
      %rev3A_184 = arith.subi %rev3A_182, %rev3A_183 : vector<16xi32>
      %rev3A_185 = tpu.dynamic_gather %masked_sort3A_133[%rev3A_184] in [0] : vector<16xf32>, vector<16xi32> -> vector<16xf32>
      %rev3A_186 = arith.constant 15 : i32
      %rev3A_187 = vector.broadcast %rev3A_186 : i32 to vector<16xi32>
      %rev3A_188 = tpu.iota {dimensions = array<i32: 0>} : vector<16xi32>
      %rev3A_189 = arith.subi %rev3A_187, %rev3A_188 : vector<16xi32>
      %rev3A_190 = tpu.dynamic_gather %masked_sort3A_129[%rev3A_189] in [0] : vector<16xf32>, vector<16xi32> -> vector<16xf32>
      %rev3A_191 = arith.constant 15 : i32
      %rev3A_192 = vector.broadcast %rev3A_191 : i32 to vector<16xi32>
      %rev3A_193 = tpu.iota {dimensions = array<i32: 0>} : vector<16xi32>
      %rev3A_194 = arith.subi %rev3A_192, %rev3A_193 : vector<16xi32>
      %rev3A_195 = tpu.dynamic_gather %masked_sort3A_134[%rev3A_194] in [0] : vector<16xi32>, vector<16xi32> -> vector<16xi32>
      %rev3A_196 = arith.constant 15 : i32
      %rev3A_197 = vector.broadcast %rev3A_196 : i32 to vector<16xi32>
      %rev3A_198 = tpu.iota {dimensions = array<i32: 0>} : vector<16xi32>
      %rev3A_199 = arith.subi %rev3A_197, %rev3A_198 : vector<16xi32>
      %rev3A_200 = tpu.dynamic_gather %masked_sort3A_130[%rev3A_199] in [0] : vector<16xi32>, vector<16xi32> -> vector<16xi32>
      %le3A_201 = arith.cmpf ole, %masked_sort3A_106, %rev3A_185 : vector<16xf32>
      %select_n3A_202 = arith.select %le3A_201, %masked_sort3A_106, %rev3A_185 : vector<16xi1>, vector<16xf32>
      %select_n3A_203 = arith.select %le3A_201, %rev3A_185, %masked_sort3A_106 : vector<16xi1>, vector<16xf32>
      %select_n3A_204 = arith.select %le3A_201, %masked_sort3A_107, %rev3A_195 : vector<16xi1>, vector<16xi32>
      %select_n3A_205 = arith.select %le3A_201, %rev3A_195, %masked_sort3A_107 : vector<16xi1>, vector<16xi32>
      %le3A_206 = arith.cmpf ole, %masked_sort3A_110, %rev3A_190 : vector<16xf32>
      %select_n3A_207 = arith.select %le3A_206, %masked_sort3A_110, %rev3A_190 : vector<16xi1>, vector<16xf32>
      %select_n3A_208 = arith.select %le3A_206, %rev3A_190, %masked_sort3A_110 : vector<16xi1>, vector<16xf32>
      %select_n3A_209 = arith.select %le3A_206, %masked_sort3A_111, %rev3A_200 : vector<16xi1>, vector<16xi32>
      %select_n3A_210 = arith.select %le3A_206, %rev3A_200, %masked_sort3A_111 : vector<16xi1>, vector<16xi32>
      %le3A_211 = arith.cmpf ole, %select_n3A_202, %select_n3A_207 : vector<16xf32>
      %select_n3A_212 = arith.select %le3A_211, %select_n3A_202, %select_n3A_207 : vector<16xi1>, vector<16xf32>
      %select_n3A_213 = arith.select %le3A_211, %select_n3A_207, %select_n3A_202 : vector<16xi1>, vector<16xf32>
      %select_n3A_214 = arith.select %le3A_211, %select_n3A_204, %select_n3A_209 : vector<16xi1>, vector<16xi32>
      %select_n3A_215 = arith.select %le3A_211, %select_n3A_209, %select_n3A_204 : vector<16xi1>, vector<16xi32>
      %le3A_216 = arith.cmpf ole, %select_n3A_203, %select_n3A_208 : vector<16xf32>
      %select_n3A_217 = arith.select %le3A_216, %select_n3A_203, %select_n3A_208 : vector<16xi1>, vector<16xf32>
      %select_n3A_218 = arith.select %le3A_216, %select_n3A_208, %select_n3A_203 : vector<16xi1>, vector<16xf32>
      %select_n3A_219 = arith.select %le3A_216, %select_n3A_205, %select_n3A_210 : vector<16xi1>, vector<16xi32>
      %select_n3A_220 = arith.select %le3A_216, %select_n3A_210, %select_n3A_205 : vector<16xi1>, vector<16xi32>
      %masked_sort3A_221 = arith.constant dense<true> : vector<16xi1>
      %masked_sort3A_222, %masked_sort3A_223, %masked_sort3A_224 = tpu.sort %select_n3A_212, %select_n3A_214 masked %masked_sort3A_221 : (vector<16xf32>, vector<16xi32>, vector<16xi1>) -> (vector<16xi1>, vector<16xf32>, vector<16xi32>)
      %masked_sort3A_225 = arith.constant dense<true> : vector<16xi1>
      %masked_sort3A_226, %masked_sort3A_227, %masked_sort3A_228 = tpu.sort %select_n3A_213, %select_n3A_215 masked %masked_sort3A_225 : (vector<16xf32>, vector<16xi32>, vector<16xi1>) -> (vector<16xi1>, vector<16xf32>, vector<16xi32>)
      %masked_sort3A_229 = arith.constant dense<true> : vector<16xi1>
      %masked_sort3A_230, %masked_sort3A_231, %masked_sort3A_232 = tpu.sort %select_n3A_217, %select_n3A_219 masked %masked_sort3A_229 : (vector<16xf32>, vector<16xi32>, vector<16xi1>) -> (vector<16xi1>, vector<16xf32>, vector<16xi32>)
      %masked_sort3A_233 = arith.constant dense<true> : vector<16xi1>
      %masked_sort3A_234, %masked_sort3A_235, %masked_sort3A_236 = tpu.sort %select_n3A_218, %select_n3A_220 masked %masked_sort3A_233 : (vector<16xf32>, vector<16xi32>, vector<16xi1>) -> (vector<16xi1>, vector<16xf32>, vector<16xi32>)
      %rev3A_237 = arith.constant 15 : i32
      %rev3A_238 = vector.broadcast %rev3A_237 : i32 to vector<16xi32>
      %rev3A_239 = tpu.iota {dimensions = array<i32: 0>} : vector<16xi32>
      %rev3A_240 = arith.subi %rev3A_238, %rev3A_239 : vector<16xi32>
      %rev3A_241 = tpu.dynamic_gather %masked_sort3A_179[%rev3A_240] in [0] : vector<16xf32>, vector<16xi32> -> vector<16xf32>
      %rev3A_242 = arith.constant 15 : i32
      %rev3A_243 = vector.broadcast %rev3A_242 : i32 to vector<16xi32>
      %rev3A_244 = tpu.iota {dimensions = array<i32: 0>} : vector<16xi32>
      %rev3A_245 = arith.subi %rev3A_243, %rev3A_244 : vector<16xi32>
      %rev3A_246 = tpu.dynamic_gather %masked_sort3A_175[%rev3A_245] in [0] : vector<16xf32>, vector<16xi32> -> vector<16xf32>
      %rev3A_247 = arith.constant 15 : i32
      %rev3A_248 = vector.broadcast %rev3A_247 : i32 to vector<16xi32>
      %rev3A_249 = tpu.iota {dimensions = array<i32: 0>} : vector<16xi32>
      %rev3A_250 = arith.subi %rev3A_248, %rev3A_249 : vector<16xi32>
      %rev3A_251 = tpu.dynamic_gather %masked_sort3A_180[%rev3A_250] in [0] : vector<16xi32>, vector<16xi32> -> vector<16xi32>
      %rev3A_252 = arith.constant 15 : i32
      %rev3A_253 = vector.broadcast %rev3A_252 : i32 to vector<16xi32>
      %rev3A_254 = tpu.iota {dimensions = array<i32: 0>} : vector<16xi32>
      %rev3A_255 = arith.subi %rev3A_253, %rev3A_254 : vector<16xi32>
      %rev3A_256 = tpu.dynamic_gather %masked_sort3A_176[%rev3A_255] in [0] : vector<16xi32>, vector<16xi32> -> vector<16xi32>
      %le3A_257 = arith.cmpf ole, %masked_sort3A_152, %rev3A_241 : vector<16xf32>
      %select_n3A_258 = arith.select %le3A_257, %masked_sort3A_152, %rev3A_241 : vector<16xi1>, vector<16xf32>
      %select_n3A_259 = arith.select %le3A_257, %rev3A_241, %masked_sort3A_152 : vector<16xi1>, vector<16xf32>
      %select_n3A_260 = arith.select %le3A_257, %masked_sort3A_153, %rev3A_251 : vector<16xi1>, vector<16xi32>
      %select_n3A_261 = arith.select %le3A_257, %rev3A_251, %masked_sort3A_153 : vector<16xi1>, vector<16xi32>
      %le3A_262 = arith.cmpf ole, %masked_sort3A_156, %rev3A_246 : vector<16xf32>
      %select_n3A_263 = arith.select %le3A_262, %masked_sort3A_156, %rev3A_246 : vector<16xi1>, vector<16xf32>
      %select_n3A_264 = arith.select %le3A_262, %rev3A_246, %masked_sort3A_156 : vector<16xi1>, vector<16xf32>
      %select_n3A_265 = arith.select %le3A_262, %masked_sort3A_157, %rev3A_256 : vector<16xi1>, vector<16xi32>
      %select_n3A_266 = arith.select %le3A_262, %rev3A_256, %masked_sort3A_157 : vector<16xi1>, vector<16xi32>
      %le3A_267 = arith.cmpf ole, %select_n3A_258, %select_n3A_263 : vector<16xf32>
      %select_n3A_268 = arith.select %le3A_267, %select_n3A_258, %select_n3A_263 : vector<16xi1>, vector<16xf32>
      %select_n3A_269 = arith.select %le3A_267, %select_n3A_263, %select_n3A_258 : vector<16xi1>, vector<16xf32>
      %select_n3A_270 = arith.select %le3A_267, %select_n3A_260, %select_n3A_265 : vector<16xi1>, vector<16xi32>
      %select_n3A_271 = arith.select %le3A_267, %select_n3A_265, %select_n3A_260 : vector<16xi1>, vector<16xi32>
      %le3A_272 = arith.cmpf ole, %select_n3A_259, %select_n3A_264 : vector<16xf32>
      %select_n3A_273 = arith.select %le3A_272, %select_n3A_259, %select_n3A_264 : vector<16xi1>, vector<16xf32>
      %select_n3A_274 = arith.select %le3A_272, %select_n3A_264, %select_n3A_259 : vector<16xi1>, vector<16xf32>
      %select_n3A_275 = arith.select %le3A_272, %select_n3A_261, %select_n3A_266 : vector<16xi1>, vector<16xi32>
      %select_n3A_276 = arith.select %le3A_272, %select_n3A_266, %select_n3A_261 : vector<16xi1>, vector<16xi32>
      %masked_sort3A_277 = arith.constant dense<true> : vector<16xi1>
      %masked_sort3A_278, %masked_sort3A_279, %masked_sort3A_280 = tpu.sort %select_n3A_268, %select_n3A_270 masked %masked_sort3A_277 : (vector<16xf32>, vector<16xi32>, vector<16xi1>) -> (vector<16xi1>, vector<16xf32>, vector<16xi32>)
      %masked_sort3A_281 = arith.constant dense<true> : vector<16xi1>
      %masked_sort3A_282, %masked_sort3A_283, %masked_sort3A_284 = tpu.sort %select_n3A_269, %select_n3A_271 masked %masked_sort3A_281 : (vector<16xf32>, vector<16xi32>, vector<16xi1>) -> (vector<16xi1>, vector<16xf32>, vector<16xi32>)
      %masked_sort3A_285 = arith.constant dense<true> : vector<16xi1>
      %masked_sort3A_286, %masked_sort3A_287, %masked_sort3A_288 = tpu.sort %select_n3A_273, %select_n3A_275 masked %masked_sort3A_285 : (vector<16xf32>, vector<16xi32>, vector<16xi1>) -> (vector<16xi1>, vector<16xf32>, vector<16xi32>)
      %masked_sort3A_289 = arith.constant dense<true> : vector<16xi1>
      %masked_sort3A_290, %masked_sort3A_291, %masked_sort3A_292 = tpu.sort %select_n3A_274, %select_n3A_276 masked %masked_sort3A_289 : (vector<16xf32>, vector<16xi32>, vector<16xi1>) -> (vector<16xi1>, vector<16xf32>, vector<16xi32>)
      %rev3A_293 = arith.constant 15 : i32
      %rev3A_294 = vector.broadcast %rev3A_293 : i32 to vector<16xi32>
      %rev3A_295 = tpu.iota {dimensions = array<i32: 0>} : vector<16xi32>
      %rev3A_296 = arith.subi %rev3A_294, %rev3A_295 : vector<16xi32>
      %rev3A_297 = tpu.dynamic_gather %masked_sort3A_291[%rev3A_296] in [0] : vector<16xf32>, vector<16xi32> -> vector<16xf32>
      %rev3A_298 = arith.constant 15 : i32
      %rev3A_299 = vector.broadcast %rev3A_298 : i32 to vector<16xi32>
      %rev3A_300 = tpu.iota {dimensions = array<i32: 0>} : vector<16xi32>
      %rev3A_301 = arith.subi %rev3A_299, %rev3A_300 : vector<16xi32>
      %rev3A_302 = tpu.dynamic_gather %masked_sort3A_287[%rev3A_301] in [0] : vector<16xf32>, vector<16xi32> -> vector<16xf32>
      %rev3A_303 = arith.constant 15 : i32
      %rev3A_304 = vector.broadcast %rev3A_303 : i32 to vector<16xi32>
      %rev3A_305 = tpu.iota {dimensions = array<i32: 0>} : vector<16xi32>
      %rev3A_306 = arith.subi %rev3A_304, %rev3A_305 : vector<16xi32>
      %rev3A_307 = tpu.dynamic_gather %masked_sort3A_283[%rev3A_306] in [0] : vector<16xf32>, vector<16xi32> -> vector<16xf32>
      %rev3A_308 = arith.constant 15 : i32
      %rev3A_309 = vector.broadcast %rev3A_308 : i32 to vector<16xi32>
      %rev3A_310 = tpu.iota {dimensions = array<i32: 0>} : vector<16xi32>
      %rev3A_311 = arith.subi %rev3A_309, %rev3A_310 : vector<16xi32>
      %rev3A_312 = tpu.dynamic_gather %masked_sort3A_279[%rev3A_311] in [0] : vector<16xf32>, vector<16xi32> -> vector<16xf32>
      %rev3A_313 = arith.constant 15 : i32
      %rev3A_314 = vector.broadcast %rev3A_313 : i32 to vector<16xi32>
      %rev3A_315 = tpu.iota {dimensions = array<i32: 0>} : vector<16xi32>
      %rev3A_316 = arith.subi %rev3A_314, %rev3A_315 : vector<16xi32>
      %rev3A_317 = tpu.dynamic_gather %masked_sort3A_292[%rev3A_316] in [0] : vector<16xi32>, vector<16xi32> -> vector<16xi32>
      %rev3A_318 = arith.constant 15 : i32
      %rev3A_319 = vector.broadcast %rev3A_318 : i32 to vector<16xi32>
      %rev3A_320 = tpu.iota {dimensions = array<i32: 0>} : vector<16xi32>
      %rev3A_321 = arith.subi %rev3A_319, %rev3A_320 : vector<16xi32>
      %rev3A_322 = tpu.dynamic_gather %masked_sort3A_288[%rev3A_321] in [0] : vector<16xi32>, vector<16xi32> -> vector<16xi32>
      %rev3A_323 = arith.constant 15 : i32
      %rev3A_324 = vector.broadcast %rev3A_323 : i32 to vector<16xi32>
      %rev3A_325 = tpu.iota {dimensions = array<i32: 0>} : vector<16xi32>
      %rev3A_326 = arith.subi %rev3A_324, %rev3A_325 : vector<16xi32>
      %rev3A_327 = tpu.dynamic_gather %masked_sort3A_284[%rev3A_326] in [0] : vector<16xi32>, vector<16xi32> -> vector<16xi32>
      %rev3A_328 = arith.constant 15 : i32
      %rev3A_329 = vector.broadcast %rev3A_328 : i32 to vector<16xi32>
      %rev3A_330 = tpu.iota {dimensions = array<i32: 0>} : vector<16xi32>
      %rev3A_331 = arith.subi %rev3A_329, %rev3A_330 : vector<16xi32>
      %rev3A_332 = tpu.dynamic_gather %masked_sort3A_280[%rev3A_331] in [0] : vector<16xi32>, vector<16xi32> -> vector<16xi32>
      %le3A_333 = arith.cmpf ole, %masked_sort3A_223, %rev3A_297 : vector<16xf32>
      %select_n3A_334 = arith.select %le3A_333, %masked_sort3A_223, %rev3A_297 : vector<16xi1>, vector<16xf32>
      %select_n3A_335 = arith.select %le3A_333, %rev3A_297, %masked_sort3A_223 : vector<16xi1>, vector<16xf32>
      %select_n3A_336 = arith.select %le3A_333, %masked_sort3A_224, %rev3A_317 : vector<16xi1>, vector<16xi32>
      %select_n3A_337 = arith.select %le3A_333, %rev3A_317, %masked_sort3A_224 : vector<16xi1>, vector<16xi32>
      %le3A_338 = arith.cmpf ole, %masked_sort3A_227, %rev3A_302 : vector<16xf32>
      %select_n3A_339 = arith.select %le3A_338, %masked_sort3A_227, %rev3A_302 : vector<16xi1>, vector<16xf32>
      %select_n3A_340 = arith.select %le3A_338, %rev3A_302, %masked_sort3A_227 : vector<16xi1>, vector<16xf32>
      %select_n3A_341 = arith.select %le3A_338, %masked_sort3A_228, %rev3A_322 : vector<16xi1>, vector<16xi32>
      %select_n3A_342 = arith.select %le3A_338, %rev3A_322, %masked_sort3A_228 : vector<16xi1>, vector<16xi32>
      %le3A_343 = arith.cmpf ole, %masked_sort3A_231, %rev3A_307 : vector<16xf32>
      %select_n3A_344 = arith.select %le3A_343, %masked_sort3A_231, %rev3A_307 : vector<16xi1>, vector<16xf32>
      %select_n3A_345 = arith.select %le3A_343, %rev3A_307, %masked_sort3A_231 : vector<16xi1>, vector<16xf32>
      %select_n3A_346 = arith.select %le3A_343, %masked_sort3A_232, %rev3A_327 : vector<16xi1>, vector<16xi32>
      %select_n3A_347 = arith.select %le3A_343, %rev3A_327, %masked_sort3A_232 : vector<16xi1>, vector<16xi32>
      %le3A_348 = arith.cmpf ole, %masked_sort3A_235, %rev3A_312 : vector<16xf32>
      %select_n3A_349 = arith.select %le3A_348, %masked_sort3A_235, %rev3A_312 : vector<16xi1>, vector<16xf32>
      %select_n3A_350 = arith.select %le3A_348, %rev3A_312, %masked_sort3A_235 : vector<16xi1>, vector<16xf32>
      %select_n3A_351 = arith.select %le3A_348, %masked_sort3A_236, %rev3A_332 : vector<16xi1>, vector<16xi32>
      %select_n3A_352 = arith.select %le3A_348, %rev3A_332, %masked_sort3A_236 : vector<16xi1>, vector<16xi32>
      %le3A_353 = arith.cmpf ole, %select_n3A_334, %select_n3A_344 : vector<16xf32>
      %select_n3A_354 = arith.select %le3A_353, %select_n3A_334, %select_n3A_344 : vector<16xi1>, vector<16xf32>
      %select_n3A_355 = arith.select %le3A_353, %select_n3A_344, %select_n3A_334 : vector<16xi1>, vector<16xf32>
      %select_n3A_356 = arith.select %le3A_353, %select_n3A_336, %select_n3A_346 : vector<16xi1>, vector<16xi32>
      %select_n3A_357 = arith.select %le3A_353, %select_n3A_346, %select_n3A_336 : vector<16xi1>, vector<16xi32>
      %le3A_358 = arith.cmpf ole, %select_n3A_339, %select_n3A_349 : vector<16xf32>
      %select_n3A_359 = arith.select %le3A_358, %select_n3A_339, %select_n3A_349 : vector<16xi1>, vector<16xf32>
      %select_n3A_360 = arith.select %le3A_358, %select_n3A_349, %select_n3A_339 : vector<16xi1>, vector<16xf32>
      %select_n3A_361 = arith.select %le3A_358, %select_n3A_341, %select_n3A_351 : vector<16xi1>, vector<16xi32>
      %select_n3A_362 = arith.select %le3A_358, %select_n3A_351, %select_n3A_341 : vector<16xi1>, vector<16xi32>
      %le3A_363 = arith.cmpf ole, %select_n3A_335, %select_n3A_345 : vector<16xf32>
      %select_n3A_364 = arith.select %le3A_363, %select_n3A_335, %select_n3A_345 : vector<16xi1>, vector<16xf32>
      %select_n3A_365 = arith.select %le3A_363, %select_n3A_345, %select_n3A_335 : vector<16xi1>, vector<16xf32>
      %select_n3A_366 = arith.select %le3A_363, %select_n3A_337, %select_n3A_347 : vector<16xi1>, vector<16xi32>
      %select_n3A_367 = arith.select %le3A_363, %select_n3A_347, %select_n3A_337 : vector<16xi1>, vector<16xi32>
      %le3A_368 = arith.cmpf ole, %select_n3A_340, %select_n3A_350 : vector<16xf32>
      %select_n3A_369 = arith.select %le3A_368, %select_n3A_340, %select_n3A_350 : vector<16xi1>, vector<16xf32>
      %select_n3A_370 = arith.select %le3A_368, %select_n3A_350, %select_n3A_340 : vector<16xi1>, vector<16xf32>
      %select_n3A_371 = arith.select %le3A_368, %select_n3A_342, %select_n3A_352 : vector<16xi1>, vector<16xi32>
      %select_n3A_372 = arith.select %le3A_368, %select_n3A_352, %select_n3A_342 : vector<16xi1>, vector<16xi32>
      %le3A_373 = arith.cmpf ole, %select_n3A_354, %select_n3A_359 : vector<16xf32>
      %select_n3A_374 = arith.select %le3A_373, %select_n3A_354, %select_n3A_359 : vector<16xi1>, vector<16xf32>
      %select_n3A_375 = arith.select %le3A_373, %select_n3A_359, %select_n3A_354 : vector<16xi1>, vector<16xf32>
      %select_n3A_376 = arith.select %le3A_373, %select_n3A_356, %select_n3A_361 : vector<16xi1>, vector<16xi32>
      %select_n3A_377 = arith.select %le3A_373, %select_n3A_361, %select_n3A_356 : vector<16xi1>, vector<16xi32>
      %le3A_378 = arith.cmpf ole, %select_n3A_355, %select_n3A_360 : vector<16xf32>
      %select_n3A_379 = arith.select %le3A_378, %select_n3A_355, %select_n3A_360 : vector<16xi1>, vector<16xf32>
      %select_n3A_380 = arith.select %le3A_378, %select_n3A_360, %select_n3A_355 : vector<16xi1>, vector<16xf32>
      %select_n3A_381 = arith.select %le3A_378, %select_n3A_357, %select_n3A_362 : vector<16xi1>, vector<16xi32>
      %select_n3A_382 = arith.select %le3A_378, %select_n3A_362, %select_n3A_357 : vector<16xi1>, vector<16xi32>
      %le3A_383 = arith.cmpf ole, %select_n3A_364, %select_n3A_369 : vector<16xf32>
      %select_n3A_384 = arith.select %le3A_383, %select_n3A_364, %select_n3A_369 : vector<16xi1>, vector<16xf32>
      %select_n3A_385 = arith.select %le3A_383, %select_n3A_369, %select_n3A_364 : vector<16xi1>, vector<16xf32>
      %select_n3A_386 = arith.select %le3A_383, %select_n3A_366, %select_n3A_371 : vector<16xi1>, vector<16xi32>
      %select_n3A_387 = arith.select %le3A_383, %select_n3A_371, %select_n3A_366 : vector<16xi1>, vector<16xi32>
      %le3A_388 = arith.cmpf ole, %select_n3A_365, %select_n3A_370 : vector<16xf32>
      %select_n3A_389 = arith.select %le3A_388, %select_n3A_365, %select_n3A_370 : vector<16xi1>, vector<16xf32>
      %select_n3A_390 = arith.select %le3A_388, %select_n3A_370, %select_n3A_365 : vector<16xi1>, vector<16xf32>
      %select_n3A_391 = arith.select %le3A_388, %select_n3A_367, %select_n3A_372 : vector<16xi1>, vector<16xi32>
      %select_n3A_392 = arith.select %le3A_388, %select_n3A_372, %select_n3A_367 : vector<16xi1>, vector<16xi32>
      %masked_sort3A_393 = arith.constant dense<true> : vector<16xi1>
      %masked_sort3A_394, %masked_sort3A_395, %masked_sort3A_396 = tpu.sort %select_n3A_374, %select_n3A_376 masked %masked_sort3A_393 : (vector<16xf32>, vector<16xi32>, vector<16xi1>) -> (vector<16xi1>, vector<16xf32>, vector<16xi32>)
      %masked_sort3A_397 = arith.constant dense<true> : vector<16xi1>
      %masked_sort3A_398, %masked_sort3A_399, %masked_sort3A_400 = tpu.sort %select_n3A_375, %select_n3A_377 masked %masked_sort3A_397 : (vector<16xf32>, vector<16xi32>, vector<16xi1>) -> (vector<16xi1>, vector<16xf32>, vector<16xi32>)
      %masked_sort3A_401 = arith.constant dense<true> : vector<16xi1>
      %masked_sort3A_402, %masked_sort3A_403, %masked_sort3A_404 = tpu.sort %select_n3A_379, %select_n3A_381 masked %masked_sort3A_401 : (vector<16xf32>, vector<16xi32>, vector<16xi1>) -> (vector<16xi1>, vector<16xf32>, vector<16xi32>)
      %masked_sort3A_405 = arith.constant dense<true> : vector<16xi1>
      %masked_sort3A_406, %masked_sort3A_407, %masked_sort3A_408 = tpu.sort %select_n3A_380, %select_n3A_382 masked %masked_sort3A_405 : (vector<16xf32>, vector<16xi32>, vector<16xi1>) -> (vector<16xi1>, vector<16xf32>, vector<16xi32>)
      %masked_sort3A_409 = arith.constant dense<true> : vector<16xi1>
      %masked_sort3A_410, %masked_sort3A_411, %masked_sort3A_412 = tpu.sort %select_n3A_384, %select_n3A_386 masked %masked_sort3A_409 : (vector<16xf32>, vector<16xi32>, vector<16xi1>) -> (vector<16xi1>, vector<16xf32>, vector<16xi32>)
      %masked_sort3A_413 = arith.constant dense<true> : vector<16xi1>
      %masked_sort3A_414, %masked_sort3A_415, %masked_sort3A_416 = tpu.sort %select_n3A_385, %select_n3A_387 masked %masked_sort3A_413 : (vector<16xf32>, vector<16xi32>, vector<16xi1>) -> (vector<16xi1>, vector<16xf32>, vector<16xi32>)
      %masked_sort3A_417 = arith.constant dense<true> : vector<16xi1>
      %masked_sort3A_418, %masked_sort3A_419, %masked_sort3A_420 = tpu.sort %select_n3A_389, %select_n3A_391 masked %masked_sort3A_417 : (vector<16xf32>, vector<16xi32>, vector<16xi1>) -> (vector<16xi1>, vector<16xf32>, vector<16xi32>)
      %masked_sort3A_421 = arith.constant dense<true> : vector<16xi1>
      %masked_sort3A_422, %masked_sort3A_423, %masked_sort3A_424 = tpu.sort %select_n3A_390, %select_n3A_392 masked %masked_sort3A_421 : (vector<16xf32>, vector<16xi32>, vector<16xi1>) -> (vector<16xi1>, vector<16xf32>, vector<16xi32>)
      %swap3A = arith.constant 0 : index
      %swap3A_425 = tpu.vector_load %arg20[%swap3A] {strides = array<i32>} : memref<128xi32, #tpu.memory_space<vmem>>, vector<16xi32>,
      tpu.vector_store %arg20[%swap3A], %masked_sort3A_396 {strides = array<i32>} : memref<128xi32, #tpu.memory_space<vmem>>, vector<16xi32>,
      %swap3A_426 = arith.constant 16 : index
      %swap3A_427 = tpu.vector_load %arg20[%swap3A_426] {strides = array<i32>} : memref<128xi32, #tpu.memory_space<vmem>>, vector<16xi32>,
      tpu.vector_store %arg20[%swap3A_426], %masked_sort3A_400 {strides = array<i32>} : memref<128xi32, #tpu.memory_space<vmem>>, vector<16xi32>,
      %swap3A_428 = arith.constant 32 : index
      %swap3A_429 = tpu.vector_load %arg20[%swap3A_428] {strides = array<i32>} : memref<128xi32, #tpu.memory_space<vmem>>, vector<16xi32>,
      tpu.vector_store %arg20[%swap3A_428], %masked_sort3A_404 {strides = array<i32>} : memref<128xi32, #tpu.memory_space<vmem>>, vector<16xi32>,
      %swap3A_430 = arith.constant 48 : index
      %swap3A_431 = tpu.vector_load %arg20[%swap3A_430] {strides = array<i32>} : memref<128xi32, #tpu.memory_space<vmem>>, vector<16xi32>,
      tpu.vector_store %arg20[%swap3A_430], %masked_sort3A_408 {strides = array<i32>} : memref<128xi32, #tpu.memory_space<vmem>>, vector<16xi32>,
      %swap3A_432 = arith.constant 64 : index
      %swap3A_433 = tpu.vector_load %arg20[%swap3A_432] {strides = array<i32>} : memref<128xi32, #tpu.memory_space<vmem>>, vector<16xi32>,
      tpu.vector_store %arg20[%swap3A_432], %masked_sort3A_412 {strides = array<i32>} : memref<128xi32, #tpu.memory_space<vmem>>, vector<16xi32>,
      %swap3A_434 = arith.constant 80 : index
      %swap3A_435 = tpu.vector_load %arg20[%swap3A_434] {strides = array<i32>} : memref<128xi32, #tpu.memory_space<vmem>>, vector<16xi32>,
      tpu.vector_store %arg20[%swap3A_434], %masked_sort3A_416 {strides = array<i32>} : memref<128xi32, #tpu.memory_space<vmem>>, vector<16xi32>,
      %swap3A_436 = arith.constant 96 : index
      %swap3A_437 = tpu.vector_load %arg20[%swap3A_436] {strides = array<i32>} : memref<128xi32, #tpu.memory_space<vmem>>, vector<16xi32>,
      tpu.vector_store %arg20[%swap3A_436], %masked_sort3A_420 {strides = array<i32>} : memref<128xi32, #tpu.memory_space<vmem>>, vector<16xi32>,
      %swap3A_438 = arith.constant 112 : index
      %swap3A_439 = tpu.vector_load %arg20[%swap3A_438] {strides = array<i32>} : memref<128xi32, #tpu.memory_space<vmem>>, vector<16xi32>,
      tpu.vector_store %arg20[%swap3A_438], %masked_sort3A_424 {strides = array<i32>} : memref<128xi32, #tpu.memory_space<vmem>>, vector<16xi32>,
      %gather3A = tpu.vector_load_idx %arg11[%masked_sort3A_396] : memref<16384xf32, #tpu.memory_space<vmem>>[vector<16xi32>], vector<16xf32>,
      %gather3A_440 = tpu.vector_load_idx %arg11[%masked_sort3A_400] : memref<16384xf32, #tpu.memory_space<vmem>>[vector<16xi32>], vector<16xf32>,
      %gather3A_441 = tpu.vector_load_idx %arg11[%masked_sort3A_404] : memref<16384xf32, #tpu.memory_space<vmem>>[vector<16xi32>], vector<16xf32>,
      %gather3A_442 = tpu.vector_load_idx %arg11[%masked_sort3A_408] : memref<16384xf32, #tpu.memory_space<vmem>>[vector<16xi32>], vector<16xf32>,
      %gather3A_443 = tpu.vector_load_idx %arg11[%masked_sort3A_412] : memref<16384xf32, #tpu.memory_space<vmem>>[vector<16xi32>], vector<16xf32>,
      %gather3A_444 = tpu.vector_load_idx %arg11[%masked_sort3A_416] : memref<16384xf32, #tpu.memory_space<vmem>>[vector<16xi32>], vector<16xf32>,
      %gather3A_445 = tpu.vector_load_idx %arg11[%masked_sort3A_420] : memref<16384xf32, #tpu.memory_space<vmem>>[vector<16xi32>], vector<16xf32>,
      %gather3A_446 = tpu.vector_load_idx %arg11[%masked_sort3A_424] : memref<16384xf32, #tpu.memory_space<vmem>>[vector<16xi32>], vector<16xf32>,
      %gather3A_447 = tpu.vector_load_idx %arg12[%masked_sort3A_396] : memref<16384xf32, #tpu.memory_space<vmem>>[vector<16xi32>], vector<16xf32>,
      %gather3A_448 = tpu.vector_load_idx %arg12[%masked_sort3A_400] : memref<16384xf32, #tpu.memory_space<vmem>>[vector<16xi32>], vector<16xf32>,
      %gather3A_449 = tpu.vector_load_idx %arg12[%masked_sort3A_404] : memref<16384xf32, #tpu.memory_space<vmem>>[vector<16xi32>], vector<16xf32>,
      %gather3A_450 = tpu.vector_load_idx %arg12[%masked_sort3A_408] : memref<16384xf32, #tpu.memory_space<vmem>>[vector<16xi32>], vector<16xf32>,
      %gather3A_451 = tpu.vector_load_idx %arg12[%masked_sort3A_412] : memref<16384xf32, #tpu.memory_space<vmem>>[vector<16xi32>], vector<16xf32>,
      %gather3A_452 = tpu.vector_load_idx %arg12[%masked_sort3A_416] : memref<16384xf32, #tpu.memory_space<vmem>>[vector<16xi32>], vector<16xf32>,
      %gather3A_453 = tpu.vector_load_idx %arg12[%masked_sort3A_420] : memref<16384xf32, #tpu.memory_space<vmem>>[vector<16xi32>], vector<16xf32>,
      %gather3A_454 = tpu.vector_load_idx %arg12[%masked_sort3A_424] : memref<16384xf32, #tpu.memory_space<vmem>>[vector<16xi32>], vector<16xf32>,
      %gather3A_455 = tpu.vector_load_idx %arg13[%masked_sort3A_396] : memref<16384xf32, #tpu.memory_space<vmem>>[vector<16xi32>], vector<16xf32>,
      %gather3A_456 = tpu.vector_load_idx %arg13[%masked_sort3A_400] : memref<16384xf32, #tpu.memory_space<vmem>>[vector<16xi32>], vector<16xf32>,
      %gather3A_457 = tpu.vector_load_idx %arg13[%masked_sort3A_404] : memref<16384xf32, #tpu.memory_space<vmem>>[vector<16xi32>], vector<16xf32>,
      %gather3A_458 = tpu.vector_load_idx %arg13[%masked_sort3A_408] : memref<16384xf32, #tpu.memory_space<vmem>>[vector<16xi32>], vector<16xf32>,
      %gather3A_459 = tpu.vector_load_idx %arg13[%masked_sort3A_412] : memref<16384xf32, #tpu.memory_space<vmem>>[vector<16xi32>], vector<16xf32>,
      %gather3A_460 = tpu.vector_load_idx %arg13[%masked_sort3A_416] : memref<16384xf32, #tpu.memory_space<vmem>>[vector<16xi32>], vector<16xf32>,
      %gather3A_461 = tpu.vector_load_idx %arg13[%masked_sort3A_420] : memref<16384xf32, #tpu.memory_space<vmem>>[vector<16xi32>], vector<16xf32>,
      %gather3A_462 = tpu.vector_load_idx %arg13[%masked_sort3A_424] : memref<16384xf32, #tpu.memory_space<vmem>>[vector<16xi32>], vector<16xf32>,
      %add3A_463 = arith.constant 0 : i32
      %add3A_464 = vector.broadcast %add3A_463 : i32 to vector<16xi32>
      %add3A_465 = arith.addi %add3A_464, %iota3A : vector<16xi32>
      %mul3A_466 = arith.constant 3 : i32
      %mul3A_467 = vector.broadcast %mul3A_466 : i32 to vector<16xi32>
      %mul3A_468 = arith.muli %add3A_465, %mul3A_467 : vector<16xi32>
      tpu.vector_store_idx %arg22[%mul3A_468], %gather3A : memref<384xf32, #tpu.memory_space<vmem>>[vector<16xi32>], vector<16xf32>,
      %add3A_469 = arith.constant 1 : i32
      %add3A_470 = vector.broadcast %add3A_469 : i32 to vector<16xi32>
      %add3A_471 = arith.addi %mul3A_468, %add3A_470 : vector<16xi32>
      tpu.vector_store_idx %arg22[%add3A_471], %gather3A_447 : memref<384xf32, #tpu.memory_space<vmem>>[vector<16xi32>], vector<16xf32>,
      %add3A_472 = arith.constant 2 : i32
      %add3A_473 = vector.broadcast %add3A_472 : i32 to vector<16xi32>
      %add3A_474 = arith.addi %mul3A_468, %add3A_473 : vector<16xi32>
      tpu.vector_store_idx %arg22[%add3A_474], %gather3A_455 : memref<384xf32, #tpu.memory_space<vmem>>[vector<16xi32>], vector<16xf32>,
      %add3A_475 = arith.constant 16 : i32
      %add3A_476 = vector.broadcast %add3A_475 : i32 to vector<16xi32>
      %add3A_477 = arith.addi %add3A_476, %iota3A : vector<16xi32>
      %mul3A_478 = arith.constant 3 : i32
      %mul3A_479 = vector.broadcast %mul3A_478 : i32 to vector<16xi32>
      %mul3A_480 = arith.muli %add3A_477, %mul3A_479 : vector<16xi32>
      tpu.vector_store_idx %arg22[%mul3A_480], %gather3A_440 : memref<384xf32, #tpu.memory_space<vmem>>[vector<16xi32>], vector<16xf32>,
      %add3A_481 = arith.constant 1 : i32
      %add3A_482 = vector.broadcast %add3A_481 : i32 to vector<16xi32>
      %add3A_483 = arith.addi %mul3A_480, %add3A_482 : vector<16xi32>
      tpu.vector_store_idx %arg22[%add3A_483], %gather3A_448 : memref<384xf32, #tpu.memory_space<vmem>>[vector<16xi32>], vector<16xf32>,
      %add3A_484 = arith.constant 2 : i32
      %add3A_485 = vector.broadcast %add3A_484 : i32 to vector<16xi32>
      %add3A_486 = arith.addi %mul3A_480, %add3A_485 : vector<16xi32>
      tpu.vector_store_idx %arg22[%add3A_486], %gather3A_456 : memref<384xf32, #tpu.memory_space<vmem>>[vector<16xi32>], vector<16xf32>,
      %add3A_487 = arith.constant 32 : i32
      %add3A_488 = vector.broadcast %add3A_487 : i32 to vector<16xi32>
      %add3A_489 = arith.addi %add3A_488, %iota3A : vector<16xi32>
      %mul3A_490 = arith.constant 3 : i32
      %mul3A_491 = vector.broadcast %mul3A_490 : i32 to vector<16xi32>
      %mul3A_492 = arith.muli %add3A_489, %mul3A_491 : vector<16xi32>
      tpu.vector_store_idx %arg22[%mul3A_492], %gather3A_441 : memref<384xf32, #tpu.memory_space<vmem>>[vector<16xi32>], vector<16xf32>,
      %add3A_493 = arith.constant 1 : i32
      %add3A_494 = vector.broadcast %add3A_493 : i32 to vector<16xi32>
      %add3A_495 = arith.addi %mul3A_492, %add3A_494 : vector<16xi32>
      tpu.vector_store_idx %arg22[%add3A_495], %gather3A_449 : memref<384xf32, #tpu.memory_space<vmem>>[vector<16xi32>], vector<16xf32>,
      %add3A_496 = arith.constant 2 : i32
      %add3A_497 = vector.broadcast %add3A_496 : i32 to vector<16xi32>
      %add3A_498 = arith.addi %mul3A_492, %add3A_497 : vector<16xi32>
      tpu.vector_store_idx %arg22[%add3A_498], %gather3A_457 : memref<384xf32, #tpu.memory_space<vmem>>[vector<16xi32>], vector<16xf32>,
      %add3A_499 = arith.constant 48 : i32
      %add3A_500 = vector.broadcast %add3A_499 : i32 to vector<16xi32>
      %add3A_501 = arith.addi %add3A_500, %iota3A : vector<16xi32>
      %mul3A_502 = arith.constant 3 : i32
      %mul3A_503 = vector.broadcast %mul3A_502 : i32 to vector<16xi32>
      %mul3A_504 = arith.muli %add3A_501, %mul3A_503 : vector<16xi32>
      tpu.vector_store_idx %arg22[%mul3A_504], %gather3A_442 : memref<384xf32, #tpu.memory_space<vmem>>[vector<16xi32>], vector<16xf32>,
      %add3A_505 = arith.constant 1 : i32
      %add3A_506 = vector.broadcast %add3A_505 : i32 to vector<16xi32>
      %add3A_507 = arith.addi %mul3A_504, %add3A_506 : vector<16xi32>
      tpu.vector_store_idx %arg22[%add3A_507], %gather3A_450 : memref<384xf32, #tpu.memory_space<vmem>>[vector<16xi32>], vector<16xf32>,
      %add3A_508 = arith.constant 2 : i32
      %add3A_509 = vector.broadcast %add3A_508 : i32 to vector<16xi32>
      %add3A_510 = arith.addi %mul3A_504, %add3A_509 : vector<16xi32>
      tpu.vector_store_idx %arg22[%add3A_510], %gather3A_458 : memref<384xf32, #tpu.memory_space<vmem>>[vector<16xi32>], vector<16xf32>,
      %add3A_511 = arith.constant 64 : i32
      %add3A_512 = vector.broadcast %add3A_511 : i32 to vector<16xi32>
      %add3A_513 = arith.addi %add3A_512, %iota3A : vector<16xi32>
      %mul3A_514 = arith.constant 3 : i32
      %mul3A_515 = vector.broadcast %mul3A_514 : i32 to vector<16xi32>
      %mul3A_516 = arith.muli %add3A_513, %mul3A_515 : vector<16xi32>
      tpu.vector_store_idx %arg22[%mul3A_516], %gather3A_443 : memref<384xf32, #tpu.memory_space<vmem>>[vector<16xi32>], vector<16xf32>,
      %add3A_517 = arith.constant 1 : i32
      %add3A_518 = vector.broadcast %add3A_517 : i32 to vector<16xi32>
      %add3A_519 = arith.addi %mul3A_516, %add3A_518 : vector<16xi32>
      tpu.vector_store_idx %arg22[%add3A_519], %gather3A_451 : memref<384xf32, #tpu.memory_space<vmem>>[vector<16xi32>], vector<16xf32>,
      %add3A_520 = arith.constant 2 : i32
      %add3A_521 = vector.broadcast %add3A_520 : i32 to vector<16xi32>
      %add3A_522 = arith.addi %mul3A_516, %add3A_521 : vector<16xi32>
      tpu.vector_store_idx %arg22[%add3A_522], %gather3A_459 : memref<384xf32, #tpu.memory_space<vmem>>[vector<16xi32>], vector<16xf32>,
      %add3A_523 = arith.constant 80 : i32
      %add3A_524 = vector.broadcast %add3A_523 : i32 to vector<16xi32>
      %add3A_525 = arith.addi %add3A_524, %iota3A : vector<16xi32>
      %mul3A_526 = arith.constant 3 : i32
      %mul3A_527 = vector.broadcast %mul3A_526 : i32 to vector<16xi32>
      %mul3A_528 = arith.muli %add3A_525, %mul3A_527 : vector<16xi32>
      tpu.vector_store_idx %arg22[%mul3A_528], %gather3A_444 : memref<384xf32, #tpu.memory_space<vmem>>[vector<16xi32>], vector<16xf32>,
      %add3A_529 = arith.constant 1 : i32
      %add3A_530 = vector.broadcast %add3A_529 : i32 to vector<16xi32>
      %add3A_531 = arith.addi %mul3A_528, %add3A_530 : vector<16xi32>
      tpu.vector_store_idx %arg22[%add3A_531], %gather3A_452 : memref<384xf32, #tpu.memory_space<vmem>>[vector<16xi32>], vector<16xf32>,
      %add3A_532 = arith.constant 2 : i32
      %add3A_533 = vector.broadcast %add3A_532 : i32 to vector<16xi32>
      %add3A_534 = arith.addi %mul3A_528, %add3A_533 : vector<16xi32>
      tpu.vector_store_idx %arg22[%add3A_534], %gather3A_460 : memref<384xf32, #tpu.memory_space<vmem>>[vector<16xi32>], vector<16xf32>,
      %add3A_535 = arith.constant 96 : i32
      %add3A_536 = vector.broadcast %add3A_535 : i32 to vector<16xi32>
      %add3A_537 = arith.addi %add3A_536, %iota3A : vector<16xi32>
      %mul3A_538 = arith.constant 3 : i32
      %mul3A_539 = vector.broadcast %mul3A_538 : i32 to vector<16xi32>
      %mul3A_540 = arith.muli %add3A_537, %mul3A_539 : vector<16xi32>
      tpu.vector_store_idx %arg22[%mul3A_540], %gather3A_445 : memref<384xf32, #tpu.memory_space<vmem>>[vector<16xi32>], vector<16xf32>,
      %add3A_541 = arith.constant 1 : i32
      %add3A_542 = vector.broadcast %add3A_541 : i32 to vector<16xi32>
      %add3A_543 = arith.addi %mul3A_540, %add3A_542 : vector<16xi32>
      tpu.vector_store_idx %arg22[%add3A_543], %gather3A_453 : memref<384xf32, #tpu.memory_space<vmem>>[vector<16xi32>], vector<16xf32>,
      %add3A_544 = arith.constant 2 : i32
      %add3A_545 = vector.broadcast %add3A_544 : i32 to vector<16xi32>
      %add3A_546 = arith.addi %mul3A_540, %add3A_545 : vector<16xi32>
      tpu.vector_store_idx %arg22[%add3A_546], %gather3A_461 : memref<384xf32, #tpu.memory_space<vmem>>[vector<16xi32>], vector<16xf32>,
      %add3A_547 = arith.constant 112 : i32
      %add3A_548 = vector.broadcast %add3A_547 : i32 to vector<16xi32>
      %add3A_549 = arith.addi %add3A_548, %iota3A : vector<16xi32>
      %mul3A_550 = arith.constant 3 : i32
      %mul3A_551 = vector.broadcast %mul3A_550 : i32 to vector<16xi32>
      %mul3A_552 = arith.muli %add3A_549, %mul3A_551 : vector<16xi32>
      tpu.vector_store_idx %arg22[%mul3A_552], %gather3A_446 : memref<384xf32, #tpu.memory_space<vmem>>[vector<16xi32>], vector<16xf32>,
      %add3A_553 = arith.constant 1 : i32
      %add3A_554 = vector.broadcast %add3A_553 : i32 to vector<16xi32>
      %add3A_555 = arith.addi %mul3A_552, %add3A_554 : vector<16xi32>
      tpu.vector_store_idx %arg22[%add3A_555], %gather3A_454 : memref<384xf32, #tpu.memory_space<vmem>>[vector<16xi32>], vector<16xf32>,
      %add3A_556 = arith.constant 2 : i32
      %add3A_557 = vector.broadcast %add3A_556 : i32 to vector<16xi32>
      %add3A_558 = arith.addi %mul3A_552, %add3A_557 : vector<16xi32>
      tpu.vector_store_idx %arg22[%add3A_558], %gather3A_462 : memref<384xf32, #tpu.memory_space<vmem>>[vector<16xi32>], vector<16xf32>,
      %add3A_559 = arith.addi %mul3A_2, %scan3A_14 : i32
      %mul3A_560 = arith.constant 384 : i32
      %mul3A_561 = arith.muli %add3A_559, %mul3A_560 : i32
      "tpu.region"() ({
        %run_scoped3A = tpu.sem_alloc : memref<!tpu.dma_semaphore, #tpu.memory_space<semaphore_mem>>
        %dma_start3A = tpu.memref_slice %arg10[%mul3A_561] : memref<1572864xf32, #tpu.memory_space<hbm>> -> memref<384xf32, #tpu.memory_space<hbm>>
        %dma_start3A_606 = tpu.memref_slice %arg10[%mul3A_561] : memref<1572864xf32, #tpu.memory_space<hbm>> -> memref<384xf32, #tpu.memory_space<hbm>>
        tpu.enqueue_dma source(%arg22 : memref<384xf32, #tpu.memory_space<vmem>>) target(%dma_start3A_606 : memref<384xf32, #tpu.memory_space<hbm>>) target_semaphore(%run_scoped3A : memref<!tpu.dma_semaphore, #tpu.memory_space<semaphore_mem>>)
        %dma_wait3A = tpu.memref_slice %arg10[%mul3A_561] : memref<1572864xf32, #tpu.memory_space<hbm>> -> memref<384xf32, #tpu.memory_space<hbm>>
        %dma_wait3A_607 = tpu.memref_slice %arg10[%mul3A_561] : memref<1572864xf32, #tpu.memory_space<hbm>> -> memref<384xf32, #tpu.memory_space<hbm>>
        tpu.wait_dma2 semaphore(%run_scoped3A : memref<!tpu.dma_semaphore, #tpu.memory_space<semaphore_mem>>) src(%arg22 : memref<384xf32, #tpu.memory_space<vmem>>) dst(%dma_wait3A_607 : memref<384xf32, #tpu.memory_space<hbm>>)
        tpu.yield
      }) : () -> ()
      %mul3A_562 = arith.constant 96 : i32
      %mul3A_563 = arith.muli %scan3A_14, %mul3A_562 : i32
      %get3A_564 = arith.index_cast %scan3A_14 : i32 to index
      %get3A_565 = arith.constant 0 : index
      %get3A_566 = tpu.vector_load %arg14[%get3A_564, %get3A_565] {strides = array<i32>} : memref<128x32xi32, #tpu.memory_space<vmem>>, vector<16xi32>,
      %gather3A_567 = tpu.vector_load_idx %arg20[%get3A_566] : memref<128xi32, #tpu.memory_space<vmem>>[vector<16xi32>], vector<16xi32>,
      %gather3A_568 = tpu.vector_load_idx %arg11[%gather3A_567] : memref<16384xf32, #tpu.memory_space<vmem>>[vector<16xi32>], vector<16xf32>,
      %gather3A_569 = tpu.vector_load_idx %arg12[%gather3A_567] : memref<16384xf32, #tpu.memory_space<vmem>>[vector<16xi32>], vector<16xf32>,
      %gather3A_570 = tpu.vector_load_idx %arg13[%gather3A_567] : memref<16384xf32, #tpu.memory_space<vmem>>[vector<16xi32>], vector<16xf32>,
      %add3A_571 = arith.constant 0 : i32
      %add3A_572 = vector.broadcast %add3A_571 : i32 to vector<16xi32>
      %add3A_573 = arith.addi %add3A_572, %iota3A : vector<16xi32>
      %mul3A_574 = arith.constant 3 : i32
      %mul3A_575 = vector.broadcast %mul3A_574 : i32 to vector<16xi32>
      %mul3A_576 = arith.muli %add3A_573, %mul3A_575 : vector<16xi32>
      %add3A_577 = vector.broadcast %mul3A_563 : i32 to vector<16xi32>
      %add3A_578 = arith.addi %add3A_577, %mul3A_576 : vector<16xi32>
      tpu.vector_store_idx %arg21[%add3A_578], %gather3A_568 : memref<12288xf32, #tpu.memory_space<vmem>>[vector<16xi32>], vector<16xf32>,
      %add3A_579 = arith.constant 1 : i32
      %add3A_580 = vector.broadcast %add3A_579 : i32 to vector<16xi32>
      %add3A_581 = arith.addi %add3A_578, %add3A_580 : vector<16xi32>
      tpu.vector_store_idx %arg21[%add3A_581], %gather3A_569 : memref<12288xf32, #tpu.memory_space<vmem>>[vector<16xi32>], vector<16xf32>,
      %add3A_582 = arith.constant 2 : i32
      %add3A_583 = vector.broadcast %add3A_582 : i32 to vector<16xi32>
      %add3A_584 = arith.addi %add3A_578, %add3A_583 : vector<16xi32>
      tpu.vector_store_idx %arg21[%add3A_584], %gather3A_570 : memref<12288xf32, #tpu.memory_space<vmem>>[vector<16xi32>], vector<16xf32>,
      %get3A_585 = arith.index_cast %scan3A_14 : i32 to index
      %get3A_586 = arith.constant 16 : index
      %get3A_587 = tpu.vector_load %arg14[%get3A_585, %get3A_586] {strides = array<i32>} : memref<128x32xi32, #tpu.memory_space<vmem>>, vector<16xi32>,
      %gather3A_588 = tpu.vector_load_idx %arg20[%get3A_587] : memref<128xi32, #tpu.memory_space<vmem>>[vector<16xi32>], vector<16xi32>,
      %gather3A_589 = tpu.vector_load_idx %arg11[%gather3A_588] : memref<16384xf32, #tpu.memory_space<vmem>>[vector<16xi32>], vector<16xf32>,
      %gather3A_590 = tpu.vector_load_idx %arg12[%gather3A_588] : memref<16384xf32, #tpu.memory_space<vmem>>[vector<16xi32>], vector<16xf32>,
      %gather3A_591 = tpu.vector_load_idx %arg13[%gather3A_588] : memref<16384xf32, #tpu.memory_space<vmem>>[vector<16xi32>], vector<16xf32>,
      %add3A_592 = arith.constant 16 : i32
      %add3A_593 = vector.broadcast %add3A_592 : i32 to vector<16xi32>
      %add3A_594 = arith.addi %add3A_593, %iota3A : vector<16xi32>
      %mul3A_595 = arith.constant 3 : i32
      %mul3A_596 = vector.broadcast %mul3A_595 : i32 to vector<16xi32>
      %mul3A_597 = arith.muli %add3A_594, %mul3A_596 : vector<16xi32>
      %add3A_598 = vector.broadcast %mul3A_563 : i32 to vector<16xi32>
      %add3A_599 = arith.addi %add3A_598, %mul3A_597 : vector<16xi32>
      tpu.vector_store_idx %arg21[%add3A_599], %gather3A_589 : memref<12288xf32, #tpu.memory_space<vmem>>[vector<16xi32>], vector<16xf32>,
      %add3A_600 = arith.constant 1 : i32
      %add3A_601 = vector.broadcast %add3A_600 : i32 to vector<16xi32>
      %add3A_602 = arith.addi %add3A_599, %add3A_601 : vector<16xi32>
      tpu.vector_store_idx %arg21[%add3A_602], %gather3A_590 : memref<12288xf32, #tpu.memory_space<vmem>>[vector<16xi32>], vector<16xf32>,
      %add3A_603 = arith.constant 2 : i32
      %add3A_604 = vector.broadcast %add3A_603 : i32 to vector<16xi32>
      %add3A_605 = arith.addi %add3A_599, %add3A_604 : vector<16xi32>
      tpu.vector_store_idx %arg21[%add3A_605], %gather3A_591 : memref<12288xf32, #tpu.memory_space<vmem>>[vector<16xi32>], vector<16xf32>,
    }
    %scan3A_9 = arith.constant 128 : i32
    %mul3A_10 = arith.constant 32 : i32
    %mul3A_11 = arith.muli %mul3A_2, %mul3A_10 : i32
    %mul3A_12 = arith.constant 3 : i32
    %mul3A_13 = arith.muli %mul3A_11, %mul3A_12 : i32
    "tpu.region"() ({
      %run_scoped3A = tpu.sem_alloc : memref<!tpu.dma_semaphore, #tpu.memory_space<semaphore_mem>>
      %dma_start3A = tpu.memref_slice %arg9[%mul3A_13] : memref<393216xf32, #tpu.memory_space<hbm>> -> memref<12288xf32, #tpu.memory_space<hbm>>
      %dma_start3A_14 = tpu.memref_slice %arg9[%mul3A_13] : memref<393216xf32, #tpu.memory_space<hbm>> -> memref<12288xf32, #tpu.memory_space<hbm>>
      tpu.enqueue_dma source(%arg21 : memref<12288xf32, #tpu.memory_space<vmem>>) target(%dma_start3A_14 : memref<12288xf32, #tpu.memory_space<hbm>>) target_semaphore(%run_scoped3A : memref<!tpu.dma_semaphore, #tpu.memory_space<semaphore_mem>>)
      %dma_wait3A = tpu.memref_slice %arg9[%mul3A_13] : memref<393216xf32, #tpu.memory_space<hbm>> -> memref<12288xf32, #tpu.memory_space<hbm>>
      %dma_wait3A_15 = tpu.memref_slice %arg9[%mul3A_13] : memref<393216xf32, #tpu.memory_space<hbm>> -> memref<12288xf32, #tpu.memory_space<hbm>>
      tpu.wait_dma2 semaphore(%run_scoped3A : memref<!tpu.dma_semaphore, #tpu.memory_space<semaphore_mem>>) src(%arg21 : memref<12288xf32, #tpu.memory_space<vmem>>) dst(%dma_wait3A_15 : memref<12288xf32, #tpu.memory_space<hbm>>)
      tpu.yield
    }) : () -> ()
    return
  }
}

module attributes {stable_mosaic.version = 14 : i64} {
  func.func @_tc_body(%arg0: i32, %arg1: i32, %arg2: memref<1x3x16384xf32, #tpu.memory_space<vmem>>, %arg3: memref<1x32x3xf32, #tpu.memory_space<vmem>>, %arg4: memref<1x32x16384xf32, #tpu.memory_space<vmem>>, %arg5: memref<1x1x32x1xf32, #tpu.memory_space<vmem>>, %arg6: memref<1x1x32x1xi32, #tpu.memory_space<vmem>>) attributes {dimension_semantics = [#tpu.dimension_semantics<arbitrary>, #tpu.dimension_semantics<arbitrary>], iteration_bounds = array<i64: 8, 16>, scalar_prefetch = 0 : i64, scratch_operands = 0 : i64, tpu.core_type = #tpu.core_type<tc>, window_params = [{transform_indices = @transform_0, window_bounds = array<i64: 1, 3, 16384>}, {transform_indices = @transform_1, window_bounds = array<i64: 1, 32, 3>}, {transform_indices = @transform_2, window_bounds = array<i64: 1, 32, 16384>}, {transform_indices = @transform_3, window_bounds = array<i64: 1, 1, 32, 1>}, {transform_indices = @transform_4, window_bounds = array<i64: 1, 1, 32, 1>}]} {
    %get3A = arith.constant 0 : index
    %get3A_0 = arith.constant 0 : index
    %get3A_1 = arith.constant 0 : index
    %get3A_2 = vector.load %arg2[%get3A, %get3A_0, %get3A_1] : memref<1x3x16384xf32, #tpu.memory_space<vmem>>, vector<1x3x16384xf32>
    %get3A_3 = vector.shape_cast %get3A_2 : vector<1x3x16384xf32> to vector<3x16384xf32>
    %slice3A = vector.extract_strided_slice %get3A_3 {offsets = [0, 0], sizes = [1, 16384], strides = [1, 1]} : vector<3x16384xf32> to vector<1x16384xf32>
    %slice3A_4 = vector.extract_strided_slice %get3A_3 {offsets = [1, 0], sizes = [1, 16384], strides = [1, 1]} : vector<3x16384xf32> to vector<1x16384xf32>
    %slice3A_5 = vector.extract_strided_slice %get3A_3 {offsets = [2, 0], sizes = [1, 16384], strides = [1, 1]} : vector<3x16384xf32> to vector<1x16384xf32>
    %mul3A = arith.mulf %slice3A, %slice3A : vector<1x16384xf32>
    %mul3A_6 = arith.mulf %slice3A_4, %slice3A_4 : vector<1x16384xf32>
    %add3A = arith.addf %mul3A, %mul3A_6 : vector<1x16384xf32>
    %mul3A_7 = arith.mulf %slice3A_5, %slice3A_5 : vector<1x16384xf32>
    %add3A_8 = arith.addf %add3A, %mul3A_7 : vector<1x16384xf32>
    %iota3A = tpu.iota {dimensions = array<i32: 1>} : vector<32x16384xi32>
    %get3A_9 = arith.constant 0 : index
    %get3A_10 = arith.constant 0 : index
    %get3A_11 = arith.constant 0 : index
    %get3A_12 = vector.load %arg3[%get3A_9, %get3A_10, %get3A_11] : memref<1x32x3xf32, #tpu.memory_space<vmem>>, vector<1x32x3xf32>
    %get3A_13 = vector.shape_cast %get3A_12 : vector<1x32x3xf32> to vector<32x3xf32>
    %slice3A_14 = vector.extract_strided_slice %get3A_13 {offsets = [0, 0], sizes = [32, 1], strides = [1, 1]} : vector<32x3xf32> to vector<32x1xf32>
    %slice3A_15 = vector.extract_strided_slice %get3A_13 {offsets = [0, 1], sizes = [32, 1], strides = [1, 1]} : vector<32x3xf32> to vector<32x1xf32>
    %slice3A_16 = vector.extract_strided_slice %get3A_13 {offsets = [0, 2], sizes = [32, 1], strides = [1, 1]} : vector<32x3xf32> to vector<32x1xf32>
    %mul3A_17 = arith.mulf %slice3A_14, %slice3A_14 : vector<32x1xf32>
    %mul3A_18 = arith.mulf %slice3A_15, %slice3A_15 : vector<32x1xf32>
    %add3A_19 = arith.addf %mul3A_17, %mul3A_18 : vector<32x1xf32>
    %mul3A_20 = arith.mulf %slice3A_16, %slice3A_16 : vector<32x1xf32>
    %add3A_21 = arith.addf %add3A_19, %mul3A_20 : vector<32x1xf32>
    %dot_general3A = arith.constant dense<0.000000e+00> : vector<32x16384xf32>
    %dot_general3A_22 = tpu.matmul %get3A_13, %get3A_3, %dot_general3A {dimension_numbers = #tpu.dot_dimension_numbers<[1], [0], [0], [1], [0, 0, 1, 1], [], []>, transpose_lhs_hint = false} : vector<32x3xf32>, vector<3x16384xf32>, vector<32x16384xf32> -> vector<32x16384xf32>
    %add3A_23 = vector.broadcast %add3A_21 : vector<32x1xf32> to vector<32x16384xf32>
    %add3A_24 = vector.broadcast %add3A_8 : vector<1x16384xf32> to vector<32x16384xf32>
    %add3A_25 = arith.addf %add3A_23, %add3A_24 : vector<32x16384xf32>
    %mul3A_26 = arith.constant 2.000000e+00 : f32
    %mul3A_27 = vector.broadcast %mul3A_26 : f32 to vector<32x16384xf32>
    %mul3A_28 = arith.mulf %mul3A_27, %dot_general3A_22 : vector<32x16384xf32>
    %sub3A = arith.subf %add3A_25, %mul3A_28 : vector<32x16384xf32>
    %bitcast_convert_type3A = tpu.bitcast %sub3A : vector<32x16384xf32> -> vector<32x16384xi32>
    %ge3A = arith.constant -2147483648 : i32
    %ge3A_29 = vector.broadcast %ge3A : i32 to vector<32x16384xi32>
    %ge3A_30 = arith.cmpi uge, %bitcast_convert_type3A, %ge3A_29 : vector<32x16384xi32>
    %not3A = arith.constant dense<-1> : vector<32x16384xi32>
    %not3A_31 = arith.xori %bitcast_convert_type3A, %not3A : vector<32x16384xi32>
    %or3A = arith.constant -2147483648 : i32
    %or3A_32 = vector.broadcast %or3A : i32 to vector<32x16384xi32>
    %or3A_33 = arith.ori %bitcast_convert_type3A, %or3A_32 : vector<32x16384xi32>
    %select_n3A = arith.select %ge3A_30, %not3A_31, %or3A_33 : vector<32x16384xi1>, vector<32x16384xi32>
    %broadcast_in_dim3A = arith.constant 0 : i32
    %broadcast_in_dim3A_34 = vector.broadcast %broadcast_in_dim3A : i32 to vector<32x1xi32>
    %broadcast_in_dim3A_35 = arith.constant -1 : i32
    %broadcast_in_dim3A_36 = vector.broadcast %broadcast_in_dim3A_35 : i32 to vector<32x1xi32>
    %scan3A = arith.constant 0 : i32
    %scan3A_37 = arith.constant 32 : i32
    %scan3A_38 = arith.addi %scan3A, %scan3A_37 : i32
    %scan3A_39 = arith.constant 1 : i32
    %scan3A_40:2 = scf.for %scan3A_184 = %scan3A to %scan3A_38 step %scan3A_39 iter_args(%scan3A_185 = %broadcast_in_dim3A_34, %scan3A_186 = %broadcast_in_dim3A_36) -> (vector<32x1xi32>, vector<32x1xi32>)  : i32 {
      %sub3A_187 = arith.subi %scan3A_186, %scan3A_185 : vector<32x1xi32>
      %div3A_188 = arith.constant 2 : i32
      %div3A_189 = vector.broadcast %div3A_188 : i32 to vector<32x1xi32>
      %div3A_190 = arith.divui %sub3A_187, %div3A_189 : vector<32x1xi32>
      %add3A_191 = arith.addi %scan3A_185, %div3A_190 : vector<32x1xi32>
      %le3A_192 = vector.broadcast %add3A_191 : vector<32x1xi32> to vector<32x16384xi32>
      %le3A_193 = arith.cmpi ule, %select_n3A, %le3A_192 : vector<32x16384xi32>
      %jit3A_194 = arith.constant 1 : i32
      %jit3A_195 = arith.constant 0 : i32
      %broadcast_in_dim3A_196 = vector.broadcast %jit3A_194 : i32 to vector<32x16384xi32>
      %broadcast_in_dim3A_197 = vector.broadcast %jit3A_195 : i32 to vector<32x16384xi32>
      %select_n3A_198 = arith.select %le3A_193, %broadcast_in_dim3A_196, %broadcast_in_dim3A_197 : vector<32x16384xi1>, vector<32x16384xi32>
      %reduce_sum3A_199 = arith.constant dense<0> : vector<32xi32>
      %reduce_sum3A_200 = vector.multi_reduction <add>, %select_n3A_198, %reduce_sum3A_199 [1] : vector<32x16384xi32> to vector<32xi32>
      %broadcast_in_dim3A_201 = vector.shape_cast %reduce_sum3A_200 : vector<32xi32> to vector<32x1xi32>
      %ge3A_202 = arith.constant 128 : i32
      %ge3A_203 = vector.broadcast %ge3A_202 : i32 to vector<32x1xi32>
      %ge3A_204 = arith.cmpi sge, %broadcast_in_dim3A_201, %ge3A_203 : vector<32x1xi32>
      %add3A_205 = arith.constant 1 : i32
      %add3A_206 = vector.broadcast %add3A_205 : i32 to vector<32x1xi32>
      %add3A_207 = arith.addi %add3A_191, %add3A_206 : vector<32x1xi32>
      %select_n3A_208 = arith.select %ge3A_204, %scan3A_185, %add3A_207 : vector<32x1xi1>, vector<32x1xi32>
      %select_n3A_209 = arith.select %ge3A_204, %add3A_191, %scan3A_186 : vector<32x1xi1>, vector<32x1xi32>
      scf.yield %select_n3A_208, %select_n3A_209 : vector<32x1xi32>, vector<32x1xi32>
    }
    %lt3A = vector.broadcast %scan3A_40#0 : vector<32x1xi32> to vector<32x16384xi32>
    %lt3A_41 = arith.cmpi ult, %select_n3A, %lt3A : vector<32x16384xi32>
    %jit3A = arith.constant 1 : i32
    %jit3A_42 = arith.constant 0 : i32
    %broadcast_in_dim3A_43 = vector.broadcast %jit3A : i32 to vector<32x16384xi32>
    %broadcast_in_dim3A_44 = vector.broadcast %jit3A_42 : i32 to vector<32x16384xi32>
    %select_n3A_45 = arith.select %lt3A_41, %broadcast_in_dim3A_43, %broadcast_in_dim3A_44 : vector<32x16384xi1>, vector<32x16384xi32>
    %reduce_sum3A = arith.constant dense<0> : vector<32xi32>
    %reduce_sum3A_46 = vector.multi_reduction <add>, %select_n3A_45, %reduce_sum3A [1] : vector<32x16384xi32> to vector<32xi32>
    %broadcast_in_dim3A_47 = vector.shape_cast %reduce_sum3A_46 : vector<32xi32> to vector<32x1xi32>
    %sub3A_48 = arith.constant 128 : i32
    %sub3A_49 = vector.broadcast %sub3A_48 : i32 to vector<32x1xi32>
    %sub3A_50 = arith.subi %sub3A_49, %broadcast_in_dim3A_47 : vector<32x1xi32>
    %eq3A = vector.broadcast %scan3A_40#0 : vector<32x1xi32> to vector<32x16384xi32>
    %eq3A_51 = arith.cmpi eq, %select_n3A, %eq3A : vector<32x16384xi32>
    %broadcast_in_dim3A_52 = arith.constant 0 : i32
    %broadcast_in_dim3A_53 = vector.broadcast %broadcast_in_dim3A_52 : i32 to vector<32x1xi32>
    %broadcast_in_dim3A_54 = arith.constant 16383 : i32
    %broadcast_in_dim3A_55 = vector.broadcast %broadcast_in_dim3A_54 : i32 to vector<32x1xi32>
    %scan3A_56 = arith.constant 0 : i32
    %scan3A_57 = arith.constant 15 : i32
    %scan3A_58 = arith.addi %scan3A_56, %scan3A_57 : i32
    %scan3A_59 = arith.constant 1 : i32
    %scan3A_60:2 = scf.for %scan3A_184 = %scan3A_56 to %scan3A_58 step %scan3A_59 iter_args(%scan3A_185 = %broadcast_in_dim3A_53, %scan3A_186 = %broadcast_in_dim3A_55) -> (vector<32x1xi32>, vector<32x1xi32>)  : i32 {
      %sub3A_187 = arith.subi %scan3A_186, %scan3A_185 : vector<32x1xi32>
      %div3A_188 = arith.constant 2 : i32
      %div3A_189 = vector.broadcast %div3A_188 : i32 to vector<32x1xi32>
      %div3A_190 = arith.divsi %sub3A_187, %div3A_189 : vector<32x1xi32>
      %add3A_191 = arith.addi %scan3A_185, %div3A_190 : vector<32x1xi32>
      %le3A_192 = vector.broadcast %add3A_191 : vector<32x1xi32> to vector<32x16384xi32>
      %le3A_193 = arith.cmpi sle, %iota3A, %le3A_192 : vector<32x16384xi32>
      %and3A_194 = arith.andi %eq3A_51, %le3A_193 : vector<32x16384xi1>
      %jit3A_195 = arith.constant 1 : i32
      %jit3A_196 = arith.constant 0 : i32
      %broadcast_in_dim3A_197 = vector.broadcast %jit3A_195 : i32 to vector<32x16384xi32>
      %broadcast_in_dim3A_198 = vector.broadcast %jit3A_196 : i32 to vector<32x16384xi32>
      %select_n3A_199 = arith.select %and3A_194, %broadcast_in_dim3A_197, %broadcast_in_dim3A_198 : vector<32x16384xi1>, vector<32x16384xi32>
      %reduce_sum3A_200 = arith.constant dense<0> : vector<32xi32>
      %reduce_sum3A_201 = vector.multi_reduction <add>, %select_n3A_199, %reduce_sum3A_200 [1] : vector<32x16384xi32> to vector<32xi32>
      %broadcast_in_dim3A_202 = vector.shape_cast %reduce_sum3A_201 : vector<32xi32> to vector<32x1xi32>
      %ge3A_203 = arith.cmpi sge, %broadcast_in_dim3A_202, %sub3A_50 : vector<32x1xi32>
      %add3A_204 = arith.constant 1 : i32
      %add3A_205 = vector.broadcast %add3A_204 : i32 to vector<32x1xi32>
      %add3A_206 = arith.addi %add3A_191, %add3A_205 : vector<32x1xi32>
      %select_n3A_207 = arith.select %ge3A_203, %scan3A_185, %add3A_206 : vector<32x1xi1>, vector<32x1xi32>
      %select_n3A_208 = arith.select %ge3A_203, %add3A_191, %scan3A_186 : vector<32x1xi1>, vector<32x1xi32>
      scf.yield %select_n3A_207, %select_n3A_208 : vector<32x1xi32>, vector<32x1xi32>
    }
    %lt3A_61 = vector.broadcast %scan3A_40#0 : vector<32x1xi32> to vector<32x16384xi32>
    %lt3A_62 = arith.cmpi ult, %select_n3A, %lt3A_61 : vector<32x16384xi32>
    %eq3A_63 = vector.broadcast %scan3A_40#0 : vector<32x1xi32> to vector<32x16384xi32>
    %eq3A_64 = arith.cmpi eq, %select_n3A, %eq3A_63 : vector<32x16384xi32>
    %le3A = vector.broadcast %scan3A_60#0 : vector<32x1xi32> to vector<32x16384xi32>
    %le3A_65 = arith.cmpi sle, %iota3A, %le3A : vector<32x16384xi32>
    %and3A = arith.andi %eq3A_64, %le3A_65 : vector<32x16384xi1>
    %or3A_66 = arith.ori %lt3A_62, %and3A : vector<32x16384xi1>
    %jit3A_67 = arith.constant 0.000000e+00 : f32
    %broadcast_in_dim3A_68 = vector.shape_cast %slice3A : vector<1x16384xf32> to vector<1x16384xf32>
    %broadcast_in_dim3A_69 = vector.broadcast %broadcast_in_dim3A_68 : vector<1x16384xf32> to vector<32x16384xf32>
    %broadcast_in_dim3A_70 = vector.broadcast %jit3A_67 : f32 to vector<32x16384xf32>
    %select_n3A_71 = arith.select %or3A_66, %broadcast_in_dim3A_69, %broadcast_in_dim3A_70 : vector<32x16384xi1>, vector<32x16384xf32>
    %reduce_sum3A_72 = arith.constant dense<0.000000e+00> : vector<32xf32>
    %reduce_sum3A_73 = vector.multi_reduction <add>, %select_n3A_71, %reduce_sum3A_72 [1] : vector<32x16384xf32> to vector<32xf32>
    %broadcast_in_dim3A_74 = vector.shape_cast %reduce_sum3A_73 : vector<32xf32> to vector<32x1xf32>
    %div3A = arith.constant 1.280000e+02 : f32
    %div3A_75 = vector.broadcast %div3A : f32 to vector<32x1xf32>
    %div3A_76 = arith.divf %broadcast_in_dim3A_74, %div3A_75 : vector<32x1xf32>
    %jit3A_77 = arith.constant 0.000000e+00 : f32
    %broadcast_in_dim3A_78 = vector.shape_cast %slice3A_4 : vector<1x16384xf32> to vector<1x16384xf32>
    %broadcast_in_dim3A_79 = vector.broadcast %broadcast_in_dim3A_78 : vector<1x16384xf32> to vector<32x16384xf32>
    %broadcast_in_dim3A_80 = vector.broadcast %jit3A_77 : f32 to vector<32x16384xf32>
    %select_n3A_81 = arith.select %or3A_66, %broadcast_in_dim3A_79, %broadcast_in_dim3A_80 : vector<32x16384xi1>, vector<32x16384xf32>
    %reduce_sum3A_82 = arith.constant dense<0.000000e+00> : vector<32xf32>
    %reduce_sum3A_83 = vector.multi_reduction <add>, %select_n3A_81, %reduce_sum3A_82 [1] : vector<32x16384xf32> to vector<32xf32>
    %broadcast_in_dim3A_84 = vector.shape_cast %reduce_sum3A_83 : vector<32xf32> to vector<32x1xf32>
    %div3A_85 = arith.constant 1.280000e+02 : f32
    %div3A_86 = vector.broadcast %div3A_85 : f32 to vector<32x1xf32>
    %div3A_87 = arith.divf %broadcast_in_dim3A_84, %div3A_86 : vector<32x1xf32>
    %jit3A_88 = arith.constant 0.000000e+00 : f32
    %broadcast_in_dim3A_89 = vector.shape_cast %slice3A_5 : vector<1x16384xf32> to vector<1x16384xf32>
    %broadcast_in_dim3A_90 = vector.broadcast %broadcast_in_dim3A_89 : vector<1x16384xf32> to vector<32x16384xf32>
    %broadcast_in_dim3A_91 = vector.broadcast %jit3A_88 : f32 to vector<32x16384xf32>
    %select_n3A_92 = arith.select %or3A_66, %broadcast_in_dim3A_90, %broadcast_in_dim3A_91 : vector<32x16384xi1>, vector<32x16384xf32>
    %reduce_sum3A_93 = arith.constant dense<0.000000e+00> : vector<32xf32>
    %reduce_sum3A_94 = vector.multi_reduction <add>, %select_n3A_92, %reduce_sum3A_93 [1] : vector<32x16384xf32> to vector<32xf32>
    %broadcast_in_dim3A_95 = vector.shape_cast %reduce_sum3A_94 : vector<32xf32> to vector<32x1xf32>
    %div3A_96 = arith.constant 1.280000e+02 : f32
    %div3A_97 = vector.broadcast %div3A_96 : f32 to vector<32x1xf32>
    %div3A_98 = arith.divf %broadcast_in_dim3A_95, %div3A_97 : vector<32x1xf32>
    %concatenate3A = tpu.concatenate %div3A_76, %div3A_87, %div3A_98 in 1 : vector<32x1xf32>, vector<32x1xf32>, vector<32x1xf32> -> vector<32x3xf32>
    %mul3A_99 = arith.mulf %div3A_76, %div3A_76 : vector<32x1xf32>
    %mul3A_100 = arith.mulf %div3A_87, %div3A_87 : vector<32x1xf32>
    %add3A_101 = arith.addf %mul3A_99, %mul3A_100 : vector<32x1xf32>
    %mul3A_102 = arith.mulf %div3A_98, %div3A_98 : vector<32x1xf32>
    %add3A_103 = arith.addf %add3A_101, %mul3A_102 : vector<32x1xf32>
    %dot_general3A_104 = arith.constant dense<0.000000e+00> : vector<32x16384xf32>
    %dot_general3A_105 = tpu.matmul %concatenate3A, %get3A_3, %dot_general3A_104 {dimension_numbers = #tpu.dot_dimension_numbers<[1], [0], [0], [1], [0, 0, 1, 1], [], []>, transpose_lhs_hint = false} : vector<32x3xf32>, vector<3x16384xf32>, vector<32x16384xf32> -> vector<32x16384xf32>
    %add3A_106 = vector.broadcast %add3A_103 : vector<32x1xf32> to vector<32x16384xf32>
    %add3A_107 = vector.broadcast %add3A_8 : vector<1x16384xf32> to vector<32x16384xf32>
    %add3A_108 = arith.addf %add3A_106, %add3A_107 : vector<32x16384xf32>
    %mul3A_109 = arith.constant 2.000000e+00 : f32
    %mul3A_110 = vector.broadcast %mul3A_109 : f32 to vector<32x16384xf32>
    %mul3A_111 = arith.mulf %mul3A_110, %dot_general3A_105 : vector<32x16384xf32>
    %sub3A_112 = arith.subf %add3A_108, %mul3A_111 : vector<32x16384xf32>
    %bitcast_convert_type3A_113 = tpu.bitcast %sub3A_112 : vector<32x16384xf32> -> vector<32x16384xi32>
    %ge3A_114 = arith.constant -2147483648 : i32
    %ge3A_115 = vector.broadcast %ge3A_114 : i32 to vector<32x16384xi32>
    %ge3A_116 = arith.cmpi uge, %bitcast_convert_type3A_113, %ge3A_115 : vector<32x16384xi32>
    %not3A_117 = arith.constant dense<-1> : vector<32x16384xi32>
    %not3A_118 = arith.xori %bitcast_convert_type3A_113, %not3A_117 : vector<32x16384xi32>
    %or3A_119 = arith.constant -2147483648 : i32
    %or3A_120 = vector.broadcast %or3A_119 : i32 to vector<32x16384xi32>
    %or3A_121 = arith.ori %bitcast_convert_type3A_113, %or3A_120 : vector<32x16384xi32>
    %select_n3A_122 = arith.select %ge3A_116, %not3A_118, %or3A_121 : vector<32x16384xi1>, vector<32x16384xi32>
    %broadcast_in_dim3A_123 = arith.constant 0 : i32
    %broadcast_in_dim3A_124 = vector.broadcast %broadcast_in_dim3A_123 : i32 to vector<32x1xi32>
    %broadcast_in_dim3A_125 = arith.constant -1 : i32
    %broadcast_in_dim3A_126 = vector.broadcast %broadcast_in_dim3A_125 : i32 to vector<32x1xi32>
    %scan3A_127 = arith.constant 0 : i32
    %scan3A_128 = arith.constant 32 : i32
    %scan3A_129 = arith.addi %scan3A_127, %scan3A_128 : i32
    %scan3A_130 = arith.constant 1 : i32
    %scan3A_131:2 = scf.for %scan3A_184 = %scan3A_127 to %scan3A_129 step %scan3A_130 iter_args(%scan3A_185 = %broadcast_in_dim3A_124, %scan3A_186 = %broadcast_in_dim3A_126) -> (vector<32x1xi32>, vector<32x1xi32>)  : i32 {
      %sub3A_187 = arith.subi %scan3A_186, %scan3A_185 : vector<32x1xi32>
      %div3A_188 = arith.constant 2 : i32
      %div3A_189 = vector.broadcast %div3A_188 : i32 to vector<32x1xi32>
      %div3A_190 = arith.divui %sub3A_187, %div3A_189 : vector<32x1xi32>
      %add3A_191 = arith.addi %scan3A_185, %div3A_190 : vector<32x1xi32>
      %le3A_192 = vector.broadcast %add3A_191 : vector<32x1xi32> to vector<32x16384xi32>
      %le3A_193 = arith.cmpi ule, %select_n3A_122, %le3A_192 : vector<32x16384xi32>
      %jit3A_194 = arith.constant 1 : i32
      %jit3A_195 = arith.constant 0 : i32
      %broadcast_in_dim3A_196 = vector.broadcast %jit3A_194 : i32 to vector<32x16384xi32>
      %broadcast_in_dim3A_197 = vector.broadcast %jit3A_195 : i32 to vector<32x16384xi32>
      %select_n3A_198 = arith.select %le3A_193, %broadcast_in_dim3A_196, %broadcast_in_dim3A_197 : vector<32x16384xi1>, vector<32x16384xi32>
      %reduce_sum3A_199 = arith.constant dense<0> : vector<32xi32>
      %reduce_sum3A_200 = vector.multi_reduction <add>, %select_n3A_198, %reduce_sum3A_199 [1] : vector<32x16384xi32> to vector<32xi32>
      %broadcast_in_dim3A_201 = vector.shape_cast %reduce_sum3A_200 : vector<32xi32> to vector<32x1xi32>
      %ge3A_202 = arith.constant 128 : i32
      %ge3A_203 = vector.broadcast %ge3A_202 : i32 to vector<32x1xi32>
      %ge3A_204 = arith.cmpi sge, %broadcast_in_dim3A_201, %ge3A_203 : vector<32x1xi32>
      %add3A_205 = arith.constant 1 : i32
      %add3A_206 = vector.broadcast %add3A_205 : i32 to vector<32x1xi32>
      %add3A_207 = arith.addi %add3A_191, %add3A_206 : vector<32x1xi32>
      %select_n3A_208 = arith.select %ge3A_204, %scan3A_185, %add3A_207 : vector<32x1xi1>, vector<32x1xi32>
      %select_n3A_209 = arith.select %ge3A_204, %add3A_191, %scan3A_186 : vector<32x1xi1>, vector<32x1xi32>
      scf.yield %select_n3A_208, %select_n3A_209 : vector<32x1xi32>, vector<32x1xi32>
    }
    %lt3A_132 = vector.broadcast %scan3A_131#0 : vector<32x1xi32> to vector<32x16384xi32>
    %lt3A_133 = arith.cmpi ult, %select_n3A_122, %lt3A_132 : vector<32x16384xi32>
    %jit3A_134 = arith.constant 1 : i32
    %jit3A_135 = arith.constant 0 : i32
    %broadcast_in_dim3A_136 = vector.broadcast %jit3A_134 : i32 to vector<32x16384xi32>
    %broadcast_in_dim3A_137 = vector.broadcast %jit3A_135 : i32 to vector<32x16384xi32>
    %select_n3A_138 = arith.select %lt3A_133, %broadcast_in_dim3A_136, %broadcast_in_dim3A_137 : vector<32x16384xi1>, vector<32x16384xi32>
    %reduce_sum3A_139 = arith.constant dense<0> : vector<32xi32>
    %reduce_sum3A_140 = vector.multi_reduction <add>, %select_n3A_138, %reduce_sum3A_139 [1] : vector<32x16384xi32> to vector<32xi32>
    %broadcast_in_dim3A_141 = vector.shape_cast %reduce_sum3A_140 : vector<32xi32> to vector<32x1xi32>
    %sub3A_142 = arith.constant 128 : i32
    %sub3A_143 = vector.broadcast %sub3A_142 : i32 to vector<32x1xi32>
    %sub3A_144 = arith.subi %sub3A_143, %broadcast_in_dim3A_141 : vector<32x1xi32>
    %eq3A_145 = vector.broadcast %scan3A_131#0 : vector<32x1xi32> to vector<32x16384xi32>
    %eq3A_146 = arith.cmpi eq, %select_n3A_122, %eq3A_145 : vector<32x16384xi32>
    %broadcast_in_dim3A_147 = arith.constant 0 : i32
    %broadcast_in_dim3A_148 = vector.broadcast %broadcast_in_dim3A_147 : i32 to vector<32x1xi32>
    %broadcast_in_dim3A_149 = arith.constant 16383 : i32
    %broadcast_in_dim3A_150 = vector.broadcast %broadcast_in_dim3A_149 : i32 to vector<32x1xi32>
    %scan3A_151 = arith.constant 0 : i32
    %scan3A_152 = arith.constant 15 : i32
    %scan3A_153 = arith.addi %scan3A_151, %scan3A_152 : i32
    %scan3A_154 = arith.constant 1 : i32
    %scan3A_155:2 = scf.for %scan3A_184 = %scan3A_151 to %scan3A_153 step %scan3A_154 iter_args(%scan3A_185 = %broadcast_in_dim3A_148, %scan3A_186 = %broadcast_in_dim3A_150) -> (vector<32x1xi32>, vector<32x1xi32>)  : i32 {
      %sub3A_187 = arith.subi %scan3A_186, %scan3A_185 : vector<32x1xi32>
      %div3A_188 = arith.constant 2 : i32
      %div3A_189 = vector.broadcast %div3A_188 : i32 to vector<32x1xi32>
      %div3A_190 = arith.divsi %sub3A_187, %div3A_189 : vector<32x1xi32>
      %add3A_191 = arith.addi %scan3A_185, %div3A_190 : vector<32x1xi32>
      %le3A_192 = vector.broadcast %add3A_191 : vector<32x1xi32> to vector<32x16384xi32>
      %le3A_193 = arith.cmpi sle, %iota3A, %le3A_192 : vector<32x16384xi32>
      %and3A_194 = arith.andi %eq3A_146, %le3A_193 : vector<32x16384xi1>
      %jit3A_195 = arith.constant 1 : i32
      %jit3A_196 = arith.constant 0 : i32
      %broadcast_in_dim3A_197 = vector.broadcast %jit3A_195 : i32 to vector<32x16384xi32>
      %broadcast_in_dim3A_198 = vector.broadcast %jit3A_196 : i32 to vector<32x16384xi32>
      %select_n3A_199 = arith.select %and3A_194, %broadcast_in_dim3A_197, %broadcast_in_dim3A_198 : vector<32x16384xi1>, vector<32x16384xi32>
      %reduce_sum3A_200 = arith.constant dense<0> : vector<32xi32>
      %reduce_sum3A_201 = vector.multi_reduction <add>, %select_n3A_199, %reduce_sum3A_200 [1] : vector<32x16384xi32> to vector<32xi32>
      %broadcast_in_dim3A_202 = vector.shape_cast %reduce_sum3A_201 : vector<32xi32> to vector<32x1xi32>
      %ge3A_203 = arith.cmpi sge, %broadcast_in_dim3A_202, %sub3A_144 : vector<32x1xi32>
      %add3A_204 = arith.constant 1 : i32
      %add3A_205 = vector.broadcast %add3A_204 : i32 to vector<32x1xi32>
      %add3A_206 = arith.addi %add3A_191, %add3A_205 : vector<32x1xi32>
      %select_n3A_207 = arith.select %ge3A_203, %scan3A_185, %add3A_206 : vector<32x1xi1>, vector<32x1xi32>
      %select_n3A_208 = arith.select %ge3A_203, %add3A_191, %scan3A_186 : vector<32x1xi1>, vector<32x1xi32>
      scf.yield %select_n3A_207, %select_n3A_208 : vector<32x1xi32>, vector<32x1xi32>
    }
    %swap3A = arith.constant 0 : index
    %swap3A_156 = arith.constant 0 : index
    %swap3A_157 = arith.constant 0 : index
    %swap3A_158 = vector.load %arg4[%swap3A, %swap3A_156, %swap3A_157] : memref<1x32x16384xf32, #tpu.memory_space<vmem>>, vector<1x32x16384xf32>
    %swap3A_159 = vector.shape_cast %swap3A_158 : vector<1x32x16384xf32> to vector<32x16384xf32>
    %swap3A_160 = vector.shape_cast %sub3A_112 : vector<32x16384xf32> to vector<1x32x16384xf32>
    tpu.vector_store %arg4[%swap3A, %swap3A_156, %swap3A_157], %swap3A_160 {strides = array<i32>} : memref<1x32x16384xf32, #tpu.memory_space<vmem>>, vector<1x32x16384xf32>,
    %ge3A_161 = arith.constant -2147483648 : i32
    %ge3A_162 = vector.broadcast %ge3A_161 : i32 to vector<32x1xi32>
    %ge3A_163 = arith.cmpi uge, %scan3A_131#0, %ge3A_162 : vector<32x1xi32>
    %xor3A = arith.constant -2147483648 : i32
    %xor3A_164 = vector.broadcast %xor3A : i32 to vector<32x1xi32>
    %xor3A_165 = arith.xori %scan3A_131#0, %xor3A_164 : vector<32x1xi32>
    %not3A_166 = arith.constant dense<-1> : vector<32x1xi32>
    %not3A_167 = arith.xori %scan3A_131#0, %not3A_166 : vector<32x1xi32>
    %select_n3A_168 = arith.select %ge3A_163, %xor3A_165, %not3A_167 : vector<32x1xi1>, vector<32x1xi32>
    %bitcast_convert_type3A_169 = tpu.bitcast %select_n3A_168 : vector<32x1xi32> -> vector<32x1xf32>
    %swap3A_170 = arith.constant 0 : index
    %swap3A_171 = arith.constant 0 : index
    %swap3A_172 = arith.constant 0 : index
    %swap3A_173 = arith.constant 0 : index
    %swap3A_174 = vector.load %arg5[%swap3A_170, %swap3A_171, %swap3A_172, %swap3A_173] : memref<1x1x32x1xf32, #tpu.memory_space<vmem>>, vector<1x1x32x1xf32>
    %swap3A_175 = vector.shape_cast %swap3A_174 : vector<1x1x32x1xf32> to vector<32x1xf32>
    %swap3A_176 = vector.shape_cast %bitcast_convert_type3A_169 : vector<32x1xf32> to vector<1x1x32x1xf32>
    tpu.vector_store %arg5[%swap3A_170, %swap3A_171, %swap3A_172, %swap3A_173], %swap3A_176 {strides = array<i32>} : memref<1x1x32x1xf32, #tpu.memory_space<vmem>>, vector<1x1x32x1xf32>,
    %swap3A_177 = arith.constant 0 : index
    %swap3A_178 = arith.constant 0 : index
    %swap3A_179 = arith.constant 0 : index
    %swap3A_180 = arith.constant 0 : index
    %swap3A_181 = vector.load %arg6[%swap3A_177, %swap3A_178, %swap3A_179, %swap3A_180] : memref<1x1x32x1xi32, #tpu.memory_space<vmem>>, vector<1x1x32x1xi32>
    %swap3A_182 = vector.shape_cast %swap3A_181 : vector<1x1x32x1xi32> to vector<32x1xi32>
    %swap3A_183 = vector.shape_cast %scan3A_155#0 : vector<32x1xi32> to vector<1x1x32x1xi32>
    tpu.vector_store %arg6[%swap3A_177, %swap3A_178, %swap3A_179, %swap3A_180], %swap3A_183 {strides = array<i32>} : memref<1x1x32x1xi32, #tpu.memory_space<vmem>>, vector<1x1x32x1xi32>,
    return
  }
  func.func @transform_0(%arg0: i32, %arg1: i32) -> (i32, i32, i32) {
    %c0_i32 = arith.constant 0 : i32
    %c0_i32_0 = arith.constant 0 : i32
    %c0_i32_1 = arith.constant 0 : i32
    return %arg0, %c0_i32, %c0_i32_0 : i32, i32, i32
  }
  func.func @transform_1(%arg0: i32, %arg1: i32) -> (i32, i32, i32) {
    %c0_i32 = arith.constant 0 : i32
    %c0_i32_0 = arith.constant 0 : i32
    return %arg0, %arg1, %c0_i32 : i32, i32, i32
  }
  func.func @transform_2(%arg0: i32, %arg1: i32) -> (i32, i32, i32) {
    %c0_i32 = arith.constant 0 : i32
    %c0_i32_0 = arith.constant 0 : i32
    return %arg0, %arg1, %c0_i32 : i32, i32, i32
  }
  func.func @transform_3(%arg0: i32, %arg1: i32) -> (i32, i32, i32, i32) {
    %c0_i32 = arith.constant 0 : i32
    %c0_i32_0 = arith.constant 0 : i32
    %c0_i32_1 = arith.constant 0 : i32
    return %arg0, %arg1, %c0_i32, %c0_i32_0 : i32, i32, i32, i32
  }
  func.func @transform_4(%arg0: i32, %arg1: i32) -> (i32, i32, i32, i32) {
    %c0_i32 = arith.constant 0 : i32
    %c0_i32_0 = arith.constant 0 : i32
    %c0_i32_1 = arith.constant 0 : i32
    return %arg0, %arg1, %c0_i32, %c0_i32_0 : i32, i32, i32, i32
  }
}

module attributes {stable_mosaic.version = 14 : i64} {
  func.func @_tc2_body(%arg0: i32, %arg1: memref<32x128x3xf32, #tpu.memory_space<vmem>>, %arg2: memref<32x3x3xf32, #tpu.memory_space<vmem>>) attributes {dimension_semantics = [#tpu.dimension_semantics<arbitrary>], iteration_bounds = array<i64: 128>, scalar_prefetch = 0 : i64, scratch_operands = 0 : i64, tpu.core_type = #tpu.core_type<tc>, window_params = [{transform_indices = @transform_0, window_bounds = array<i64: 32, 128, 3>}, {transform_indices = @transform_1, window_bounds = array<i64: 32, 3, 3>}]} {
    %get3A = arith.constant 0 : index
    %get3A_0 = arith.constant 0 : index
    %get3A_1 = arith.constant 0 : index
    %get3A_2 = vector.load %arg1[%get3A, %get3A_0, %get3A_1] : memref<32x128x3xf32, #tpu.memory_space<vmem>>, vector<1x128x3xf32>
    %get3A_3 = vector.shape_cast %get3A_2 : vector<1x128x3xf32> to vector<128x3xf32>
    %reduce_sum3A = arith.constant dense<0.000000e+00> : vector<3xf32>
    %reduce_sum3A_4 = vector.multi_reduction <add>, %get3A_3, %reduce_sum3A [0] : vector<128x3xf32> to vector<3xf32>
    %broadcast_in_dim3A = vector.shape_cast %reduce_sum3A_4 : vector<3xf32> to vector<1x3xf32>
    %div3A = arith.constant 1.280000e+02 : f32
    %div3A_5 = vector.broadcast %div3A : f32 to vector<1x3xf32>
    %div3A_6 = arith.divf %broadcast_in_dim3A, %div3A_5 : vector<1x3xf32>
    %sub3A = vector.broadcast %div3A_6 : vector<1x3xf32> to vector<128x3xf32>
    %sub3A_7 = arith.subf %get3A_3, %sub3A : vector<128x3xf32>
    %dot_general3A = arith.constant dense<0.000000e+00> : vector<3x3xf32>
    %dot_general3A_8 = tpu.matmul %sub3A_7, %sub3A_7, %dot_general3A {dimension_numbers = #tpu.dot_dimension_numbers<[0], [0], [1], [1], [0, 1, 1, 1], [], []>, transpose_lhs_hint = false} : vector<128x3xf32>, vector<128x3xf32>, vector<3x3xf32> -> vector<3x3xf32>
    %div3A_9 = arith.constant 1.280000e+02 : f32
    %div3A_10 = vector.broadcast %div3A_9 : f32 to vector<3x3xf32>
    %div3A_11 = arith.divf %dot_general3A_8, %div3A_10 : vector<3x3xf32>
    %swap3A = arith.constant 0 : index
    %swap3A_12 = arith.constant 0 : index
    %swap3A_13 = arith.constant 0 : index
    %swap3A_14 = vector.load %arg2[%swap3A, %swap3A_12, %swap3A_13] : memref<32x3x3xf32, #tpu.memory_space<vmem>>, vector<1x3x3xf32>
    %swap3A_15 = vector.shape_cast %swap3A_14 : vector<1x3x3xf32> to vector<3x3xf32>
    %swap3A_16 = vector.shape_cast %div3A_11 : vector<3x3xf32> to vector<1x3x3xf32>
    tpu.vector_store %arg2[%swap3A, %swap3A_12, %swap3A_13], %swap3A_16 {strides = array<i32>} : memref<32x3x3xf32, #tpu.memory_space<vmem>>, vector<1x3x3xf32>,
    %get3A_17 = arith.constant 1 : index
    %get3A_18 = arith.constant 0 : index
    %get3A_19 = arith.constant 0 : index
    %get3A_20 = vector.load %arg1[%get3A_17, %get3A_18, %get3A_19] : memref<32x128x3xf32, #tpu.memory_space<vmem>>, vector<1x128x3xf32>
    %get3A_21 = vector.shape_cast %get3A_20 : vector<1x128x3xf32> to vector<128x3xf32>
    %reduce_sum3A_22 = arith.constant dense<0.000000e+00> : vector<3xf32>
    %reduce_sum3A_23 = vector.multi_reduction <add>, %get3A_21, %reduce_sum3A_22 [0] : vector<128x3xf32> to vector<3xf32>
    %broadcast_in_dim3A_24 = vector.shape_cast %reduce_sum3A_23 : vector<3xf32> to vector<1x3xf32>
    %div3A_25 = arith.constant 1.280000e+02 : f32
    %div3A_26 = vector.broadcast %div3A_25 : f32 to vector<1x3xf32>
    %div3A_27 = arith.divf %broadcast_in_dim3A_24, %div3A_26 : vector<1x3xf32>
    %sub3A_28 = vector.broadcast %div3A_27 : vector<1x3xf32> to vector<128x3xf32>
    %sub3A_29 = arith.subf %get3A_21, %sub3A_28 : vector<128x3xf32>
    %dot_general3A_30 = arith.constant dense<0.000000e+00> : vector<3x3xf32>
    %dot_general3A_31 = tpu.matmul %sub3A_29, %sub3A_29, %dot_general3A_30 {dimension_numbers = #tpu.dot_dimension_numbers<[0], [0], [1], [1], [0, 1, 1, 1], [], []>, transpose_lhs_hint = false} : vector<128x3xf32>, vector<128x3xf32>, vector<3x3xf32> -> vector<3x3xf32>
    %div3A_32 = arith.constant 1.280000e+02 : f32
    %div3A_33 = vector.broadcast %div3A_32 : f32 to vector<3x3xf32>
    %div3A_34 = arith.divf %dot_general3A_31, %div3A_33 : vector<3x3xf32>
    %swap3A_35 = arith.constant 1 : index
    %swap3A_36 = arith.constant 0 : index
    %swap3A_37 = arith.constant 0 : index
    %swap3A_38 = vector.load %arg2[%swap3A_35, %swap3A_36, %swap3A_37] : memref<32x3x3xf32, #tpu.memory_space<vmem>>, vector<1x3x3xf32>
    %swap3A_39 = vector.shape_cast %swap3A_38 : vector<1x3x3xf32> to vector<3x3xf32>
    %swap3A_40 = vector.shape_cast %div3A_34 : vector<3x3xf32> to vector<1x3x3xf32>
    tpu.vector_store %arg2[%swap3A_35, %swap3A_36, %swap3A_37], %swap3A_40 {strides = array<i32>} : memref<32x3x3xf32, #tpu.memory_space<vmem>>, vector<1x3x3xf32>,
    %get3A_41 = arith.constant 2 : index
    %get3A_42 = arith.constant 0 : index
    %get3A_43 = arith.constant 0 : index
    %get3A_44 = vector.load %arg1[%get3A_41, %get3A_42, %get3A_43] : memref<32x128x3xf32, #tpu.memory_space<vmem>>, vector<1x128x3xf32>
    %get3A_45 = vector.shape_cast %get3A_44 : vector<1x128x3xf32> to vector<128x3xf32>
    %reduce_sum3A_46 = arith.constant dense<0.000000e+00> : vector<3xf32>
    %reduce_sum3A_47 = vector.multi_reduction <add>, %get3A_45, %reduce_sum3A_46 [0] : vector<128x3xf32> to vector<3xf32>
    %broadcast_in_dim3A_48 = vector.shape_cast %reduce_sum3A_47 : vector<3xf32> to vector<1x3xf32>
    %div3A_49 = arith.constant 1.280000e+02 : f32
    %div3A_50 = vector.broadcast %div3A_49 : f32 to vector<1x3xf32>
    %div3A_51 = arith.divf %broadcast_in_dim3A_48, %div3A_50 : vector<1x3xf32>
    %sub3A_52 = vector.broadcast %div3A_51 : vector<1x3xf32> to vector<128x3xf32>
    %sub3A_53 = arith.subf %get3A_45, %sub3A_52 : vector<128x3xf32>
    %dot_general3A_54 = arith.constant dense<0.000000e+00> : vector<3x3xf32>
    %dot_general3A_55 = tpu.matmul %sub3A_53, %sub3A_53, %dot_general3A_54 {dimension_numbers = #tpu.dot_dimension_numbers<[0], [0], [1], [1], [0, 1, 1, 1], [], []>, transpose_lhs_hint = false} : vector<128x3xf32>, vector<128x3xf32>, vector<3x3xf32> -> vector<3x3xf32>
    %div3A_56 = arith.constant 1.280000e+02 : f32
    %div3A_57 = vector.broadcast %div3A_56 : f32 to vector<3x3xf32>
    %div3A_58 = arith.divf %dot_general3A_55, %div3A_57 : vector<3x3xf32>
    %swap3A_59 = arith.constant 2 : index
    %swap3A_60 = arith.constant 0 : index
    %swap3A_61 = arith.constant 0 : index
    %swap3A_62 = vector.load %arg2[%swap3A_59, %swap3A_60, %swap3A_61] : memref<32x3x3xf32, #tpu.memory_space<vmem>>, vector<1x3x3xf32>
    %swap3A_63 = vector.shape_cast %swap3A_62 : vector<1x3x3xf32> to vector<3x3xf32>
    %swap3A_64 = vector.shape_cast %div3A_58 : vector<3x3xf32> to vector<1x3x3xf32>
    tpu.vector_store %arg2[%swap3A_59, %swap3A_60, %swap3A_61], %swap3A_64 {strides = array<i32>} : memref<32x3x3xf32, #tpu.memory_space<vmem>>, vector<1x3x3xf32>,
    %get3A_65 = arith.constant 3 : index
    %get3A_66 = arith.constant 0 : index
    %get3A_67 = arith.constant 0 : index
    %get3A_68 = vector.load %arg1[%get3A_65, %get3A_66, %get3A_67] : memref<32x128x3xf32, #tpu.memory_space<vmem>>, vector<1x128x3xf32>
    %get3A_69 = vector.shape_cast %get3A_68 : vector<1x128x3xf32> to vector<128x3xf32>
    %reduce_sum3A_70 = arith.constant dense<0.000000e+00> : vector<3xf32>
    %reduce_sum3A_71 = vector.multi_reduction <add>, %get3A_69, %reduce_sum3A_70 [0] : vector<128x3xf32> to vector<3xf32>
    %broadcast_in_dim3A_72 = vector.shape_cast %reduce_sum3A_71 : vector<3xf32> to vector<1x3xf32>
    %div3A_73 = arith.constant 1.280000e+02 : f32
    %div3A_74 = vector.broadcast %div3A_73 : f32 to vector<1x3xf32>
    %div3A_75 = arith.divf %broadcast_in_dim3A_72, %div3A_74 : vector<1x3xf32>
    %sub3A_76 = vector.broadcast %div3A_75 : vector<1x3xf32> to vector<128x3xf32>
    %sub3A_77 = arith.subf %get3A_69, %sub3A_76 : vector<128x3xf32>
    %dot_general3A_78 = arith.constant dense<0.000000e+00> : vector<3x3xf32>
    %dot_general3A_79 = tpu.matmul %sub3A_77, %sub3A_77, %dot_general3A_78 {dimension_numbers = #tpu.dot_dimension_numbers<[0], [0], [1], [1], [0, 1, 1, 1], [], []>, transpose_lhs_hint = false} : vector<128x3xf32>, vector<128x3xf32>, vector<3x3xf32> -> vector<3x3xf32>
    %div3A_80 = arith.constant 1.280000e+02 : f32
    %div3A_81 = vector.broadcast %div3A_80 : f32 to vector<3x3xf32>
    %div3A_82 = arith.divf %dot_general3A_79, %div3A_81 : vector<3x3xf32>
    %swap3A_83 = arith.constant 3 : index
    %swap3A_84 = arith.constant 0 : index
    %swap3A_85 = arith.constant 0 : index
    %swap3A_86 = vector.load %arg2[%swap3A_83, %swap3A_84, %swap3A_85] : memref<32x3x3xf32, #tpu.memory_space<vmem>>, vector<1x3x3xf32>
    %swap3A_87 = vector.shape_cast %swap3A_86 : vector<1x3x3xf32> to vector<3x3xf32>
    %swap3A_88 = vector.shape_cast %div3A_82 : vector<3x3xf32> to vector<1x3x3xf32>
    tpu.vector_store %arg2[%swap3A_83, %swap3A_84, %swap3A_85], %swap3A_88 {strides = array<i32>} : memref<32x3x3xf32, #tpu.memory_space<vmem>>, vector<1x3x3xf32>,
    %get3A_89 = arith.constant 4 : index
    %get3A_90 = arith.constant 0 : index
    %get3A_91 = arith.constant 0 : index
    %get3A_92 = vector.load %arg1[%get3A_89, %get3A_90, %get3A_91] : memref<32x128x3xf32, #tpu.memory_space<vmem>>, vector<1x128x3xf32>
    %get3A_93 = vector.shape_cast %get3A_92 : vector<1x128x3xf32> to vector<128x3xf32>
    %reduce_sum3A_94 = arith.constant dense<0.000000e+00> : vector<3xf32>
    %reduce_sum3A_95 = vector.multi_reduction <add>, %get3A_93, %reduce_sum3A_94 [0] : vector<128x3xf32> to vector<3xf32>
    %broadcast_in_dim3A_96 = vector.shape_cast %reduce_sum3A_95 : vector<3xf32> to vector<1x3xf32>
    %div3A_97 = arith.constant 1.280000e+02 : f32
    %div3A_98 = vector.broadcast %div3A_97 : f32 to vector<1x3xf32>
    %div3A_99 = arith.divf %broadcast_in_dim3A_96, %div3A_98 : vector<1x3xf32>
    %sub3A_100 = vector.broadcast %div3A_99 : vector<1x3xf32> to vector<128x3xf32>
    %sub3A_101 = arith.subf %get3A_93, %sub3A_100 : vector<128x3xf32>
    %dot_general3A_102 = arith.constant dense<0.000000e+00> : vector<3x3xf32>
    %dot_general3A_103 = tpu.matmul %sub3A_101, %sub3A_101, %dot_general3A_102 {dimension_numbers = #tpu.dot_dimension_numbers<[0], [0], [1], [1], [0, 1, 1, 1], [], []>, transpose_lhs_hint = false} : vector<128x3xf32>, vector<128x3xf32>, vector<3x3xf32> -> vector<3x3xf32>
    %div3A_104 = arith.constant 1.280000e+02 : f32
    %div3A_105 = vector.broadcast %div3A_104 : f32 to vector<3x3xf32>
    %div3A_106 = arith.divf %dot_general3A_103, %div3A_105 : vector<3x3xf32>
    %swap3A_107 = arith.constant 4 : index
    %swap3A_108 = arith.constant 0 : index
    %swap3A_109 = arith.constant 0 : index
    %swap3A_110 = vector.load %arg2[%swap3A_107, %swap3A_108, %swap3A_109] : memref<32x3x3xf32, #tpu.memory_space<vmem>>, vector<1x3x3xf32>
    %swap3A_111 = vector.shape_cast %swap3A_110 : vector<1x3x3xf32> to vector<3x3xf32>
    %swap3A_112 = vector.shape_cast %div3A_106 : vector<3x3xf32> to vector<1x3x3xf32>
    tpu.vector_store %arg2[%swap3A_107, %swap3A_108, %swap3A_109], %swap3A_112 {strides = array<i32>} : memref<32x3x3xf32, #tpu.memory_space<vmem>>, vector<1x3x3xf32>,
    %get3A_113 = arith.constant 5 : index
    %get3A_114 = arith.constant 0 : index
    %get3A_115 = arith.constant 0 : index
    %get3A_116 = vector.load %arg1[%get3A_113, %get3A_114, %get3A_115] : memref<32x128x3xf32, #tpu.memory_space<vmem>>, vector<1x128x3xf32>
    %get3A_117 = vector.shape_cast %get3A_116 : vector<1x128x3xf32> to vector<128x3xf32>
    %reduce_sum3A_118 = arith.constant dense<0.000000e+00> : vector<3xf32>
    %reduce_sum3A_119 = vector.multi_reduction <add>, %get3A_117, %reduce_sum3A_118 [0] : vector<128x3xf32> to vector<3xf32>
    %broadcast_in_dim3A_120 = vector.shape_cast %reduce_sum3A_119 : vector<3xf32> to vector<1x3xf32>
    %div3A_121 = arith.constant 1.280000e+02 : f32
    %div3A_122 = vector.broadcast %div3A_121 : f32 to vector<1x3xf32>
    %div3A_123 = arith.divf %broadcast_in_dim3A_120, %div3A_122 : vector<1x3xf32>
    %sub3A_124 = vector.broadcast %div3A_123 : vector<1x3xf32> to vector<128x3xf32>
    %sub3A_125 = arith.subf %get3A_117, %sub3A_124 : vector<128x3xf32>
    %dot_general3A_126 = arith.constant dense<0.000000e+00> : vector<3x3xf32>
    %dot_general3A_127 = tpu.matmul %sub3A_125, %sub3A_125, %dot_general3A_126 {dimension_numbers = #tpu.dot_dimension_numbers<[0], [0], [1], [1], [0, 1, 1, 1], [], []>, transpose_lhs_hint = false} : vector<128x3xf32>, vector<128x3xf32>, vector<3x3xf32> -> vector<3x3xf32>
    %div3A_128 = arith.constant 1.280000e+02 : f32
    %div3A_129 = vector.broadcast %div3A_128 : f32 to vector<3x3xf32>
    %div3A_130 = arith.divf %dot_general3A_127, %div3A_129 : vector<3x3xf32>
    %swap3A_131 = arith.constant 5 : index
    %swap3A_132 = arith.constant 0 : index
    %swap3A_133 = arith.constant 0 : index
    %swap3A_134 = vector.load %arg2[%swap3A_131, %swap3A_132, %swap3A_133] : memref<32x3x3xf32, #tpu.memory_space<vmem>>, vector<1x3x3xf32>
    %swap3A_135 = vector.shape_cast %swap3A_134 : vector<1x3x3xf32> to vector<3x3xf32>
    %swap3A_136 = vector.shape_cast %div3A_130 : vector<3x3xf32> to vector<1x3x3xf32>
    tpu.vector_store %arg2[%swap3A_131, %swap3A_132, %swap3A_133], %swap3A_136 {strides = array<i32>} : memref<32x3x3xf32, #tpu.memory_space<vmem>>, vector<1x3x3xf32>,
    %get3A_137 = arith.constant 6 : index
    %get3A_138 = arith.constant 0 : index
    %get3A_139 = arith.constant 0 : index
    %get3A_140 = vector.load %arg1[%get3A_137, %get3A_138, %get3A_139] : memref<32x128x3xf32, #tpu.memory_space<vmem>>, vector<1x128x3xf32>
    %get3A_141 = vector.shape_cast %get3A_140 : vector<1x128x3xf32> to vector<128x3xf32>
    %reduce_sum3A_142 = arith.constant dense<0.000000e+00> : vector<3xf32>
    %reduce_sum3A_143 = vector.multi_reduction <add>, %get3A_141, %reduce_sum3A_142 [0] : vector<128x3xf32> to vector<3xf32>
    %broadcast_in_dim3A_144 = vector.shape_cast %reduce_sum3A_143 : vector<3xf32> to vector<1x3xf32>
    %div3A_145 = arith.constant 1.280000e+02 : f32
    %div3A_146 = vector.broadcast %div3A_145 : f32 to vector<1x3xf32>
    %div3A_147 = arith.divf %broadcast_in_dim3A_144, %div3A_146 : vector<1x3xf32>
    %sub3A_148 = vector.broadcast %div3A_147 : vector<1x3xf32> to vector<128x3xf32>
    %sub3A_149 = arith.subf %get3A_141, %sub3A_148 : vector<128x3xf32>
    %dot_general3A_150 = arith.constant dense<0.000000e+00> : vector<3x3xf32>
    %dot_general3A_151 = tpu.matmul %sub3A_149, %sub3A_149, %dot_general3A_150 {dimension_numbers = #tpu.dot_dimension_numbers<[0], [0], [1], [1], [0, 1, 1, 1], [], []>, transpose_lhs_hint = false} : vector<128x3xf32>, vector<128x3xf32>, vector<3x3xf32> -> vector<3x3xf32>
    %div3A_152 = arith.constant 1.280000e+02 : f32
    %div3A_153 = vector.broadcast %div3A_152 : f32 to vector<3x3xf32>
    %div3A_154 = arith.divf %dot_general3A_151, %div3A_153 : vector<3x3xf32>
    %swap3A_155 = arith.constant 6 : index
    %swap3A_156 = arith.constant 0 : index
    %swap3A_157 = arith.constant 0 : index
    %swap3A_158 = vector.load %arg2[%swap3A_155, %swap3A_156, %swap3A_157] : memref<32x3x3xf32, #tpu.memory_space<vmem>>, vector<1x3x3xf32>
    %swap3A_159 = vector.shape_cast %swap3A_158 : vector<1x3x3xf32> to vector<3x3xf32>
    %swap3A_160 = vector.shape_cast %div3A_154 : vector<3x3xf32> to vector<1x3x3xf32>
    tpu.vector_store %arg2[%swap3A_155, %swap3A_156, %swap3A_157], %swap3A_160 {strides = array<i32>} : memref<32x3x3xf32, #tpu.memory_space<vmem>>, vector<1x3x3xf32>,
    %get3A_161 = arith.constant 7 : index
    %get3A_162 = arith.constant 0 : index
    %get3A_163 = arith.constant 0 : index
    %get3A_164 = vector.load %arg1[%get3A_161, %get3A_162, %get3A_163] : memref<32x128x3xf32, #tpu.memory_space<vmem>>, vector<1x128x3xf32>
    %get3A_165 = vector.shape_cast %get3A_164 : vector<1x128x3xf32> to vector<128x3xf32>
    %reduce_sum3A_166 = arith.constant dense<0.000000e+00> : vector<3xf32>
    %reduce_sum3A_167 = vector.multi_reduction <add>, %get3A_165, %reduce_sum3A_166 [0] : vector<128x3xf32> to vector<3xf32>
    %broadcast_in_dim3A_168 = vector.shape_cast %reduce_sum3A_167 : vector<3xf32> to vector<1x3xf32>
    %div3A_169 = arith.constant 1.280000e+02 : f32
    %div3A_170 = vector.broadcast %div3A_169 : f32 to vector<1x3xf32>
    %div3A_171 = arith.divf %broadcast_in_dim3A_168, %div3A_170 : vector<1x3xf32>
    %sub3A_172 = vector.broadcast %div3A_171 : vector<1x3xf32> to vector<128x3xf32>
    %sub3A_173 = arith.subf %get3A_165, %sub3A_172 : vector<128x3xf32>
    %dot_general3A_174 = arith.constant dense<0.000000e+00> : vector<3x3xf32>
    %dot_general3A_175 = tpu.matmul %sub3A_173, %sub3A_173, %dot_general3A_174 {dimension_numbers = #tpu.dot_dimension_numbers<[0], [0], [1], [1], [0, 1, 1, 1], [], []>, transpose_lhs_hint = false} : vector<128x3xf32>, vector<128x3xf32>, vector<3x3xf32> -> vector<3x3xf32>
    %div3A_176 = arith.constant 1.280000e+02 : f32
    %div3A_177 = vector.broadcast %div3A_176 : f32 to vector<3x3xf32>
    %div3A_178 = arith.divf %dot_general3A_175, %div3A_177 : vector<3x3xf32>
    %swap3A_179 = arith.constant 7 : index
    %swap3A_180 = arith.constant 0 : index
    %swap3A_181 = arith.constant 0 : index
    %swap3A_182 = vector.load %arg2[%swap3A_179, %swap3A_180, %swap3A_181] : memref<32x3x3xf32, #tpu.memory_space<vmem>>, vector<1x3x3xf32>
    %swap3A_183 = vector.shape_cast %swap3A_182 : vector<1x3x3xf32> to vector<3x3xf32>
    %swap3A_184 = vector.shape_cast %div3A_178 : vector<3x3xf32> to vector<1x3x3xf32>
    tpu.vector_store %arg2[%swap3A_179, %swap3A_180, %swap3A_181], %swap3A_184 {strides = array<i32>} : memref<32x3x3xf32, #tpu.memory_space<vmem>>, vector<1x3x3xf32>,
    %get3A_185 = arith.constant 8 : index
    %get3A_186 = arith.constant 0 : index
    %get3A_187 = arith.constant 0 : index
    %get3A_188 = vector.load %arg1[%get3A_185, %get3A_186, %get3A_187] : memref<32x128x3xf32, #tpu.memory_space<vmem>>, vector<1x128x3xf32>
    %get3A_189 = vector.shape_cast %get3A_188 : vector<1x128x3xf32> to vector<128x3xf32>
    %reduce_sum3A_190 = arith.constant dense<0.000000e+00> : vector<3xf32>
    %reduce_sum3A_191 = vector.multi_reduction <add>, %get3A_189, %reduce_sum3A_190 [0] : vector<128x3xf32> to vector<3xf32>
    %broadcast_in_dim3A_192 = vector.shape_cast %reduce_sum3A_191 : vector<3xf32> to vector<1x3xf32>
    %div3A_193 = arith.constant 1.280000e+02 : f32
    %div3A_194 = vector.broadcast %div3A_193 : f32 to vector<1x3xf32>
    %div3A_195 = arith.divf %broadcast_in_dim3A_192, %div3A_194 : vector<1x3xf32>
    %sub3A_196 = vector.broadcast %div3A_195 : vector<1x3xf32> to vector<128x3xf32>
    %sub3A_197 = arith.subf %get3A_189, %sub3A_196 : vector<128x3xf32>
    %dot_general3A_198 = arith.constant dense<0.000000e+00> : vector<3x3xf32>
    %dot_general3A_199 = tpu.matmul %sub3A_197, %sub3A_197, %dot_general3A_198 {dimension_numbers = #tpu.dot_dimension_numbers<[0], [0], [1], [1], [0, 1, 1, 1], [], []>, transpose_lhs_hint = false} : vector<128x3xf32>, vector<128x3xf32>, vector<3x3xf32> -> vector<3x3xf32>
    %div3A_200 = arith.constant 1.280000e+02 : f32
    %div3A_201 = vector.broadcast %div3A_200 : f32 to vector<3x3xf32>
    %div3A_202 = arith.divf %dot_general3A_199, %div3A_201 : vector<3x3xf32>
    %swap3A_203 = arith.constant 8 : index
    %swap3A_204 = arith.constant 0 : index
    %swap3A_205 = arith.constant 0 : index
    %swap3A_206 = vector.load %arg2[%swap3A_203, %swap3A_204, %swap3A_205] : memref<32x3x3xf32, #tpu.memory_space<vmem>>, vector<1x3x3xf32>
    %swap3A_207 = vector.shape_cast %swap3A_206 : vector<1x3x3xf32> to vector<3x3xf32>
    %swap3A_208 = vector.shape_cast %div3A_202 : vector<3x3xf32> to vector<1x3x3xf32>
    tpu.vector_store %arg2[%swap3A_203, %swap3A_204, %swap3A_205], %swap3A_208 {strides = array<i32>} : memref<32x3x3xf32, #tpu.memory_space<vmem>>, vector<1x3x3xf32>,
    %get3A_209 = arith.constant 9 : index
    %get3A_210 = arith.constant 0 : index
    %get3A_211 = arith.constant 0 : index
    %get3A_212 = vector.load %arg1[%get3A_209, %get3A_210, %get3A_211] : memref<32x128x3xf32, #tpu.memory_space<vmem>>, vector<1x128x3xf32>
    %get3A_213 = vector.shape_cast %get3A_212 : vector<1x128x3xf32> to vector<128x3xf32>
    %reduce_sum3A_214 = arith.constant dense<0.000000e+00> : vector<3xf32>
    %reduce_sum3A_215 = vector.multi_reduction <add>, %get3A_213, %reduce_sum3A_214 [0] : vector<128x3xf32> to vector<3xf32>
    %broadcast_in_dim3A_216 = vector.shape_cast %reduce_sum3A_215 : vector<3xf32> to vector<1x3xf32>
    %div3A_217 = arith.constant 1.280000e+02 : f32
    %div3A_218 = vector.broadcast %div3A_217 : f32 to vector<1x3xf32>
    %div3A_219 = arith.divf %broadcast_in_dim3A_216, %div3A_218 : vector<1x3xf32>
    %sub3A_220 = vector.broadcast %div3A_219 : vector<1x3xf32> to vector<128x3xf32>
    %sub3A_221 = arith.subf %get3A_213, %sub3A_220 : vector<128x3xf32>
    %dot_general3A_222 = arith.constant dense<0.000000e+00> : vector<3x3xf32>
    %dot_general3A_223 = tpu.matmul %sub3A_221, %sub3A_221, %dot_general3A_222 {dimension_numbers = #tpu.dot_dimension_numbers<[0], [0], [1], [1], [0, 1, 1, 1], [], []>, transpose_lhs_hint = false} : vector<128x3xf32>, vector<128x3xf32>, vector<3x3xf32> -> vector<3x3xf32>
    %div3A_224 = arith.constant 1.280000e+02 : f32
    %div3A_225 = vector.broadcast %div3A_224 : f32 to vector<3x3xf32>
    %div3A_226 = arith.divf %dot_general3A_223, %div3A_225 : vector<3x3xf32>
    %swap3A_227 = arith.constant 9 : index
    %swap3A_228 = arith.constant 0 : index
    %swap3A_229 = arith.constant 0 : index
    %swap3A_230 = vector.load %arg2[%swap3A_227, %swap3A_228, %swap3A_229] : memref<32x3x3xf32, #tpu.memory_space<vmem>>, vector<1x3x3xf32>
    %swap3A_231 = vector.shape_cast %swap3A_230 : vector<1x3x3xf32> to vector<3x3xf32>
    %swap3A_232 = vector.shape_cast %div3A_226 : vector<3x3xf32> to vector<1x3x3xf32>
    tpu.vector_store %arg2[%swap3A_227, %swap3A_228, %swap3A_229], %swap3A_232 {strides = array<i32>} : memref<32x3x3xf32, #tpu.memory_space<vmem>>, vector<1x3x3xf32>,
    %get3A_233 = arith.constant 10 : index
    %get3A_234 = arith.constant 0 : index
    %get3A_235 = arith.constant 0 : index
    %get3A_236 = vector.load %arg1[%get3A_233, %get3A_234, %get3A_235] : memref<32x128x3xf32, #tpu.memory_space<vmem>>, vector<1x128x3xf32>
    %get3A_237 = vector.shape_cast %get3A_236 : vector<1x128x3xf32> to vector<128x3xf32>
    %reduce_sum3A_238 = arith.constant dense<0.000000e+00> : vector<3xf32>
    %reduce_sum3A_239 = vector.multi_reduction <add>, %get3A_237, %reduce_sum3A_238 [0] : vector<128x3xf32> to vector<3xf32>
    %broadcast_in_dim3A_240 = vector.shape_cast %reduce_sum3A_239 : vector<3xf32> to vector<1x3xf32>
    %div3A_241 = arith.constant 1.280000e+02 : f32
    %div3A_242 = vector.broadcast %div3A_241 : f32 to vector<1x3xf32>
    %div3A_243 = arith.divf %broadcast_in_dim3A_240, %div3A_242 : vector<1x3xf32>
    %sub3A_244 = vector.broadcast %div3A_243 : vector<1x3xf32> to vector<128x3xf32>
    %sub3A_245 = arith.subf %get3A_237, %sub3A_244 : vector<128x3xf32>
    %dot_general3A_246 = arith.constant dense<0.000000e+00> : vector<3x3xf32>
    %dot_general3A_247 = tpu.matmul %sub3A_245, %sub3A_245, %dot_general3A_246 {dimension_numbers = #tpu.dot_dimension_numbers<[0], [0], [1], [1], [0, 1, 1, 1], [], []>, transpose_lhs_hint = false} : vector<128x3xf32>, vector<128x3xf32>, vector<3x3xf32> -> vector<3x3xf32>
    %div3A_248 = arith.constant 1.280000e+02 : f32
    %div3A_249 = vector.broadcast %div3A_248 : f32 to vector<3x3xf32>
    %div3A_250 = arith.divf %dot_general3A_247, %div3A_249 : vector<3x3xf32>
    %swap3A_251 = arith.constant 10 : index
    %swap3A_252 = arith.constant 0 : index
    %swap3A_253 = arith.constant 0 : index
    %swap3A_254 = vector.load %arg2[%swap3A_251, %swap3A_252, %swap3A_253] : memref<32x3x3xf32, #tpu.memory_space<vmem>>, vector<1x3x3xf32>
    %swap3A_255 = vector.shape_cast %swap3A_254 : vector<1x3x3xf32> to vector<3x3xf32>
    %swap3A_256 = vector.shape_cast %div3A_250 : vector<3x3xf32> to vector<1x3x3xf32>
    tpu.vector_store %arg2[%swap3A_251, %swap3A_252, %swap3A_253], %swap3A_256 {strides = array<i32>} : memref<32x3x3xf32, #tpu.memory_space<vmem>>, vector<1x3x3xf32>,
    %get3A_257 = arith.constant 11 : index
    %get3A_258 = arith.constant 0 : index
    %get3A_259 = arith.constant 0 : index
    %get3A_260 = vector.load %arg1[%get3A_257, %get3A_258, %get3A_259] : memref<32x128x3xf32, #tpu.memory_space<vmem>>, vector<1x128x3xf32>
    %get3A_261 = vector.shape_cast %get3A_260 : vector<1x128x3xf32> to vector<128x3xf32>
    %reduce_sum3A_262 = arith.constant dense<0.000000e+00> : vector<3xf32>
    %reduce_sum3A_263 = vector.multi_reduction <add>, %get3A_261, %reduce_sum3A_262 [0] : vector<128x3xf32> to vector<3xf32>
    %broadcast_in_dim3A_264 = vector.shape_cast %reduce_sum3A_263 : vector<3xf32> to vector<1x3xf32>
    %div3A_265 = arith.constant 1.280000e+02 : f32
    %div3A_266 = vector.broadcast %div3A_265 : f32 to vector<1x3xf32>
    %div3A_267 = arith.divf %broadcast_in_dim3A_264, %div3A_266 : vector<1x3xf32>
    %sub3A_268 = vector.broadcast %div3A_267 : vector<1x3xf32> to vector<128x3xf32>
    %sub3A_269 = arith.subf %get3A_261, %sub3A_268 : vector<128x3xf32>
    %dot_general3A_270 = arith.constant dense<0.000000e+00> : vector<3x3xf32>
    %dot_general3A_271 = tpu.matmul %sub3A_269, %sub3A_269, %dot_general3A_270 {dimension_numbers = #tpu.dot_dimension_numbers<[0], [0], [1], [1], [0, 1, 1, 1], [], []>, transpose_lhs_hint = false} : vector<128x3xf32>, vector<128x3xf32>, vector<3x3xf32> -> vector<3x3xf32>
    %div3A_272 = arith.constant 1.280000e+02 : f32
    %div3A_273 = vector.broadcast %div3A_272 : f32 to vector<3x3xf32>
    %div3A_274 = arith.divf %dot_general3A_271, %div3A_273 : vector<3x3xf32>
    %swap3A_275 = arith.constant 11 : index
    %swap3A_276 = arith.constant 0 : index
    %swap3A_277 = arith.constant 0 : index
    %swap3A_278 = vector.load %arg2[%swap3A_275, %swap3A_276, %swap3A_277] : memref<32x3x3xf32, #tpu.memory_space<vmem>>, vector<1x3x3xf32>
    %swap3A_279 = vector.shape_cast %swap3A_278 : vector<1x3x3xf32> to vector<3x3xf32>
    %swap3A_280 = vector.shape_cast %div3A_274 : vector<3x3xf32> to vector<1x3x3xf32>
    tpu.vector_store %arg2[%swap3A_275, %swap3A_276, %swap3A_277], %swap3A_280 {strides = array<i32>} : memref<32x3x3xf32, #tpu.memory_space<vmem>>, vector<1x3x3xf32>,
    %get3A_281 = arith.constant 12 : index
    %get3A_282 = arith.constant 0 : index
    %get3A_283 = arith.constant 0 : index
    %get3A_284 = vector.load %arg1[%get3A_281, %get3A_282, %get3A_283] : memref<32x128x3xf32, #tpu.memory_space<vmem>>, vector<1x128x3xf32>
    %get3A_285 = vector.shape_cast %get3A_284 : vector<1x128x3xf32> to vector<128x3xf32>
    %reduce_sum3A_286 = arith.constant dense<0.000000e+00> : vector<3xf32>
    %reduce_sum3A_287 = vector.multi_reduction <add>, %get3A_285, %reduce_sum3A_286 [0] : vector<128x3xf32> to vector<3xf32>
    %broadcast_in_dim3A_288 = vector.shape_cast %reduce_sum3A_287 : vector<3xf32> to vector<1x3xf32>
    %div3A_289 = arith.constant 1.280000e+02 : f32
    %div3A_290 = vector.broadcast %div3A_289 : f32 to vector<1x3xf32>
    %div3A_291 = arith.divf %broadcast_in_dim3A_288, %div3A_290 : vector<1x3xf32>
    %sub3A_292 = vector.broadcast %div3A_291 : vector<1x3xf32> to vector<128x3xf32>
    %sub3A_293 = arith.subf %get3A_285, %sub3A_292 : vector<128x3xf32>
    %dot_general3A_294 = arith.constant dense<0.000000e+00> : vector<3x3xf32>
    %dot_general3A_295 = tpu.matmul %sub3A_293, %sub3A_293, %dot_general3A_294 {dimension_numbers = #tpu.dot_dimension_numbers<[0], [0], [1], [1], [0, 1, 1, 1], [], []>, transpose_lhs_hint = false} : vector<128x3xf32>, vector<128x3xf32>, vector<3x3xf32> -> vector<3x3xf32>
    %div3A_296 = arith.constant 1.280000e+02 : f32
    %div3A_297 = vector.broadcast %div3A_296 : f32 to vector<3x3xf32>
    %div3A_298 = arith.divf %dot_general3A_295, %div3A_297 : vector<3x3xf32>
    %swap3A_299 = arith.constant 12 : index
    %swap3A_300 = arith.constant 0 : index
    %swap3A_301 = arith.constant 0 : index
    %swap3A_302 = vector.load %arg2[%swap3A_299, %swap3A_300, %swap3A_301] : memref<32x3x3xf32, #tpu.memory_space<vmem>>, vector<1x3x3xf32>
    %swap3A_303 = vector.shape_cast %swap3A_302 : vector<1x3x3xf32> to vector<3x3xf32>
    %swap3A_304 = vector.shape_cast %div3A_298 : vector<3x3xf32> to vector<1x3x3xf32>
    tpu.vector_store %arg2[%swap3A_299, %swap3A_300, %swap3A_301], %swap3A_304 {strides = array<i32>} : memref<32x3x3xf32, #tpu.memory_space<vmem>>, vector<1x3x3xf32>,
    %get3A_305 = arith.constant 13 : index
    %get3A_306 = arith.constant 0 : index
    %get3A_307 = arith.constant 0 : index
    %get3A_308 = vector.load %arg1[%get3A_305, %get3A_306, %get3A_307] : memref<32x128x3xf32, #tpu.memory_space<vmem>>, vector<1x128x3xf32>
    %get3A_309 = vector.shape_cast %get3A_308 : vector<1x128x3xf32> to vector<128x3xf32>
    %reduce_sum3A_310 = arith.constant dense<0.000000e+00> : vector<3xf32>
    %reduce_sum3A_311 = vector.multi_reduction <add>, %get3A_309, %reduce_sum3A_310 [0] : vector<128x3xf32> to vector<3xf32>
    %broadcast_in_dim3A_312 = vector.shape_cast %reduce_sum3A_311 : vector<3xf32> to vector<1x3xf32>
    %div3A_313 = arith.constant 1.280000e+02 : f32
    %div3A_314 = vector.broadcast %div3A_313 : f32 to vector<1x3xf32>
    %div3A_315 = arith.divf %broadcast_in_dim3A_312, %div3A_314 : vector<1x3xf32>
    %sub3A_316 = vector.broadcast %div3A_315 : vector<1x3xf32> to vector<128x3xf32>
    %sub3A_317 = arith.subf %get3A_309, %sub3A_316 : vector<128x3xf32>
    %dot_general3A_318 = arith.constant dense<0.000000e+00> : vector<3x3xf32>
    %dot_general3A_319 = tpu.matmul %sub3A_317, %sub3A_317, %dot_general3A_318 {dimension_numbers = #tpu.dot_dimension_numbers<[0], [0], [1], [1], [0, 1, 1, 1], [], []>, transpose_lhs_hint = false} : vector<128x3xf32>, vector<128x3xf32>, vector<3x3xf32> -> vector<3x3xf32>
    %div3A_320 = arith.constant 1.280000e+02 : f32
    %div3A_321 = vector.broadcast %div3A_320 : f32 to vector<3x3xf32>
    %div3A_322 = arith.divf %dot_general3A_319, %div3A_321 : vector<3x3xf32>
    %swap3A_323 = arith.constant 13 : index
    %swap3A_324 = arith.constant 0 : index
    %swap3A_325 = arith.constant 0 : index
    %swap3A_326 = vector.load %arg2[%swap3A_323, %swap3A_324, %swap3A_325] : memref<32x3x3xf32, #tpu.memory_space<vmem>>, vector<1x3x3xf32>
    %swap3A_327 = vector.shape_cast %swap3A_326 : vector<1x3x3xf32> to vector<3x3xf32>
    %swap3A_328 = vector.shape_cast %div3A_322 : vector<3x3xf32> to vector<1x3x3xf32>
    tpu.vector_store %arg2[%swap3A_323, %swap3A_324, %swap3A_325], %swap3A_328 {strides = array<i32>} : memref<32x3x3xf32, #tpu.memory_space<vmem>>, vector<1x3x3xf32>,
    %get3A_329 = arith.constant 14 : index
    %get3A_330 = arith.constant 0 : index
    %get3A_331 = arith.constant 0 : index
    %get3A_332 = vector.load %arg1[%get3A_329, %get3A_330, %get3A_331] : memref<32x128x3xf32, #tpu.memory_space<vmem>>, vector<1x128x3xf32>
    %get3A_333 = vector.shape_cast %get3A_332 : vector<1x128x3xf32> to vector<128x3xf32>
    %reduce_sum3A_334 = arith.constant dense<0.000000e+00> : vector<3xf32>
    %reduce_sum3A_335 = vector.multi_reduction <add>, %get3A_333, %reduce_sum3A_334 [0] : vector<128x3xf32> to vector<3xf32>
    %broadcast_in_dim3A_336 = vector.shape_cast %reduce_sum3A_335 : vector<3xf32> to vector<1x3xf32>
    %div3A_337 = arith.constant 1.280000e+02 : f32
    %div3A_338 = vector.broadcast %div3A_337 : f32 to vector<1x3xf32>
    %div3A_339 = arith.divf %broadcast_in_dim3A_336, %div3A_338 : vector<1x3xf32>
    %sub3A_340 = vector.broadcast %div3A_339 : vector<1x3xf32> to vector<128x3xf32>
    %sub3A_341 = arith.subf %get3A_333, %sub3A_340 : vector<128x3xf32>
    %dot_general3A_342 = arith.constant dense<0.000000e+00> : vector<3x3xf32>
    %dot_general3A_343 = tpu.matmul %sub3A_341, %sub3A_341, %dot_general3A_342 {dimension_numbers = #tpu.dot_dimension_numbers<[0], [0], [1], [1], [0, 1, 1, 1], [], []>, transpose_lhs_hint = false} : vector<128x3xf32>, vector<128x3xf32>, vector<3x3xf32> -> vector<3x3xf32>
    %div3A_344 = arith.constant 1.280000e+02 : f32
    %div3A_345 = vector.broadcast %div3A_344 : f32 to vector<3x3xf32>
    %div3A_346 = arith.divf %dot_general3A_343, %div3A_345 : vector<3x3xf32>
    %swap3A_347 = arith.constant 14 : index
    %swap3A_348 = arith.constant 0 : index
    %swap3A_349 = arith.constant 0 : index
    %swap3A_350 = vector.load %arg2[%swap3A_347, %swap3A_348, %swap3A_349] : memref<32x3x3xf32, #tpu.memory_space<vmem>>, vector<1x3x3xf32>
    %swap3A_351 = vector.shape_cast %swap3A_350 : vector<1x3x3xf32> to vector<3x3xf32>
    %swap3A_352 = vector.shape_cast %div3A_346 : vector<3x3xf32> to vector<1x3x3xf32>
    tpu.vector_store %arg2[%swap3A_347, %swap3A_348, %swap3A_349], %swap3A_352 {strides = array<i32>} : memref<32x3x3xf32, #tpu.memory_space<vmem>>, vector<1x3x3xf32>,
    %get3A_353 = arith.constant 15 : index
    %get3A_354 = arith.constant 0 : index
    %get3A_355 = arith.constant 0 : index
    %get3A_356 = vector.load %arg1[%get3A_353, %get3A_354, %get3A_355] : memref<32x128x3xf32, #tpu.memory_space<vmem>>, vector<1x128x3xf32>
    %get3A_357 = vector.shape_cast %get3A_356 : vector<1x128x3xf32> to vector<128x3xf32>
    %reduce_sum3A_358 = arith.constant dense<0.000000e+00> : vector<3xf32>
    %reduce_sum3A_359 = vector.multi_reduction <add>, %get3A_357, %reduce_sum3A_358 [0] : vector<128x3xf32> to vector<3xf32>
    %broadcast_in_dim3A_360 = vector.shape_cast %reduce_sum3A_359 : vector<3xf32> to vector<1x3xf32>
    %div3A_361 = arith.constant 1.280000e+02 : f32
    %div3A_362 = vector.broadcast %div3A_361 : f32 to vector<1x3xf32>
    %div3A_363 = arith.divf %broadcast_in_dim3A_360, %div3A_362 : vector<1x3xf32>
    %sub3A_364 = vector.broadcast %div3A_363 : vector<1x3xf32> to vector<128x3xf32>
    %sub3A_365 = arith.subf %get3A_357, %sub3A_364 : vector<128x3xf32>
    %dot_general3A_366 = arith.constant dense<0.000000e+00> : vector<3x3xf32>
    %dot_general3A_367 = tpu.matmul %sub3A_365, %sub3A_365, %dot_general3A_366 {dimension_numbers = #tpu.dot_dimension_numbers<[0], [0], [1], [1], [0, 1, 1, 1], [], []>, transpose_lhs_hint = false} : vector<128x3xf32>, vector<128x3xf32>, vector<3x3xf32> -> vector<3x3xf32>
    %div3A_368 = arith.constant 1.280000e+02 : f32
    %div3A_369 = vector.broadcast %div3A_368 : f32 to vector<3x3xf32>
    %div3A_370 = arith.divf %dot_general3A_367, %div3A_369 : vector<3x3xf32>
    %swap3A_371 = arith.constant 15 : index
    %swap3A_372 = arith.constant 0 : index
    %swap3A_373 = arith.constant 0 : index
    %swap3A_374 = vector.load %arg2[%swap3A_371, %swap3A_372, %swap3A_373] : memref<32x3x3xf32, #tpu.memory_space<vmem>>, vector<1x3x3xf32>
    %swap3A_375 = vector.shape_cast %swap3A_374 : vector<1x3x3xf32> to vector<3x3xf32>
    %swap3A_376 = vector.shape_cast %div3A_370 : vector<3x3xf32> to vector<1x3x3xf32>
    tpu.vector_store %arg2[%swap3A_371, %swap3A_372, %swap3A_373], %swap3A_376 {strides = array<i32>} : memref<32x3x3xf32, #tpu.memory_space<vmem>>, vector<1x3x3xf32>,
    %get3A_377 = arith.constant 16 : index
    %get3A_378 = arith.constant 0 : index
    %get3A_379 = arith.constant 0 : index
    %get3A_380 = vector.load %arg1[%get3A_377, %get3A_378, %get3A_379] : memref<32x128x3xf32, #tpu.memory_space<vmem>>, vector<1x128x3xf32>
    %get3A_381 = vector.shape_cast %get3A_380 : vector<1x128x3xf32> to vector<128x3xf32>
    %reduce_sum3A_382 = arith.constant dense<0.000000e+00> : vector<3xf32>
    %reduce_sum3A_383 = vector.multi_reduction <add>, %get3A_381, %reduce_sum3A_382 [0] : vector<128x3xf32> to vector<3xf32>
    %broadcast_in_dim3A_384 = vector.shape_cast %reduce_sum3A_383 : vector<3xf32> to vector<1x3xf32>
    %div3A_385 = arith.constant 1.280000e+02 : f32
    %div3A_386 = vector.broadcast %div3A_385 : f32 to vector<1x3xf32>
    %div3A_387 = arith.divf %broadcast_in_dim3A_384, %div3A_386 : vector<1x3xf32>
    %sub3A_388 = vector.broadcast %div3A_387 : vector<1x3xf32> to vector<128x3xf32>
    %sub3A_389 = arith.subf %get3A_381, %sub3A_388 : vector<128x3xf32>
    %dot_general3A_390 = arith.constant dense<0.000000e+00> : vector<3x3xf32>
    %dot_general3A_391 = tpu.matmul %sub3A_389, %sub3A_389, %dot_general3A_390 {dimension_numbers = #tpu.dot_dimension_numbers<[0], [0], [1], [1], [0, 1, 1, 1], [], []>, transpose_lhs_hint = false} : vector<128x3xf32>, vector<128x3xf32>, vector<3x3xf32> -> vector<3x3xf32>
    %div3A_392 = arith.constant 1.280000e+02 : f32
    %div3A_393 = vector.broadcast %div3A_392 : f32 to vector<3x3xf32>
    %div3A_394 = arith.divf %dot_general3A_391, %div3A_393 : vector<3x3xf32>
    %swap3A_395 = arith.constant 16 : index
    %swap3A_396 = arith.constant 0 : index
    %swap3A_397 = arith.constant 0 : index
    %swap3A_398 = vector.load %arg2[%swap3A_395, %swap3A_396, %swap3A_397] : memref<32x3x3xf32, #tpu.memory_space<vmem>>, vector<1x3x3xf32>
    %swap3A_399 = vector.shape_cast %swap3A_398 : vector<1x3x3xf32> to vector<3x3xf32>
    %swap3A_400 = vector.shape_cast %div3A_394 : vector<3x3xf32> to vector<1x3x3xf32>
    tpu.vector_store %arg2[%swap3A_395, %swap3A_396, %swap3A_397], %swap3A_400 {strides = array<i32>} : memref<32x3x3xf32, #tpu.memory_space<vmem>>, vector<1x3x3xf32>,
    %get3A_401 = arith.constant 17 : index
    %get3A_402 = arith.constant 0 : index
    %get3A_403 = arith.constant 0 : index
    %get3A_404 = vector.load %arg1[%get3A_401, %get3A_402, %get3A_403] : memref<32x128x3xf32, #tpu.memory_space<vmem>>, vector<1x128x3xf32>
    %get3A_405 = vector.shape_cast %get3A_404 : vector<1x128x3xf32> to vector<128x3xf32>
    %reduce_sum3A_406 = arith.constant dense<0.000000e+00> : vector<3xf32>
    %reduce_sum3A_407 = vector.multi_reduction <add>, %get3A_405, %reduce_sum3A_406 [0] : vector<128x3xf32> to vector<3xf32>
    %broadcast_in_dim3A_408 = vector.shape_cast %reduce_sum3A_407 : vector<3xf32> to vector<1x3xf32>
    %div3A_409 = arith.constant 1.280000e+02 : f32
    %div3A_410 = vector.broadcast %div3A_409 : f32 to vector<1x3xf32>
    %div3A_411 = arith.divf %broadcast_in_dim3A_408, %div3A_410 : vector<1x3xf32>
    %sub3A_412 = vector.broadcast %div3A_411 : vector<1x3xf32> to vector<128x3xf32>
    %sub3A_413 = arith.subf %get3A_405, %sub3A_412 : vector<128x3xf32>
    %dot_general3A_414 = arith.constant dense<0.000000e+00> : vector<3x3xf32>
    %dot_general3A_415 = tpu.matmul %sub3A_413, %sub3A_413, %dot_general3A_414 {dimension_numbers = #tpu.dot_dimension_numbers<[0], [0], [1], [1], [0, 1, 1, 1], [], []>, transpose_lhs_hint = false} : vector<128x3xf32>, vector<128x3xf32>, vector<3x3xf32> -> vector<3x3xf32>
    %div3A_416 = arith.constant 1.280000e+02 : f32
    %div3A_417 = vector.broadcast %div3A_416 : f32 to vector<3x3xf32>
    %div3A_418 = arith.divf %dot_general3A_415, %div3A_417 : vector<3x3xf32>
    %swap3A_419 = arith.constant 17 : index
    %swap3A_420 = arith.constant 0 : index
    %swap3A_421 = arith.constant 0 : index
    %swap3A_422 = vector.load %arg2[%swap3A_419, %swap3A_420, %swap3A_421] : memref<32x3x3xf32, #tpu.memory_space<vmem>>, vector<1x3x3xf32>
    %swap3A_423 = vector.shape_cast %swap3A_422 : vector<1x3x3xf32> to vector<3x3xf32>
    %swap3A_424 = vector.shape_cast %div3A_418 : vector<3x3xf32> to vector<1x3x3xf32>
    tpu.vector_store %arg2[%swap3A_419, %swap3A_420, %swap3A_421], %swap3A_424 {strides = array<i32>} : memref<32x3x3xf32, #tpu.memory_space<vmem>>, vector<1x3x3xf32>,
    %get3A_425 = arith.constant 18 : index
    %get3A_426 = arith.constant 0 : index
    %get3A_427 = arith.constant 0 : index
    %get3A_428 = vector.load %arg1[%get3A_425, %get3A_426, %get3A_427] : memref<32x128x3xf32, #tpu.memory_space<vmem>>, vector<1x128x3xf32>
    %get3A_429 = vector.shape_cast %get3A_428 : vector<1x128x3xf32> to vector<128x3xf32>
    %reduce_sum3A_430 = arith.constant dense<0.000000e+00> : vector<3xf32>
    %reduce_sum3A_431 = vector.multi_reduction <add>, %get3A_429, %reduce_sum3A_430 [0] : vector<128x3xf32> to vector<3xf32>
    %broadcast_in_dim3A_432 = vector.shape_cast %reduce_sum3A_431 : vector<3xf32> to vector<1x3xf32>
    %div3A_433 = arith.constant 1.280000e+02 : f32
    %div3A_434 = vector.broadcast %div3A_433 : f32 to vector<1x3xf32>
    %div3A_435 = arith.divf %broadcast_in_dim3A_432, %div3A_434 : vector<1x3xf32>
    %sub3A_436 = vector.broadcast %div3A_435 : vector<1x3xf32> to vector<128x3xf32>
    %sub3A_437 = arith.subf %get3A_429, %sub3A_436 : vector<128x3xf32>
    %dot_general3A_438 = arith.constant dense<0.000000e+00> : vector<3x3xf32>
    %dot_general3A_439 = tpu.matmul %sub3A_437, %sub3A_437, %dot_general3A_438 {dimension_numbers = #tpu.dot_dimension_numbers<[0], [0], [1], [1], [0, 1, 1, 1], [], []>, transpose_lhs_hint = false} : vector<128x3xf32>, vector<128x3xf32>, vector<3x3xf32> -> vector<3x3xf32>
    %div3A_440 = arith.constant 1.280000e+02 : f32
    %div3A_441 = vector.broadcast %div3A_440 : f32 to vector<3x3xf32>
    %div3A_442 = arith.divf %dot_general3A_439, %div3A_441 : vector<3x3xf32>
    %swap3A_443 = arith.constant 18 : index
    %swap3A_444 = arith.constant 0 : index
    %swap3A_445 = arith.constant 0 : index
    %swap3A_446 = vector.load %arg2[%swap3A_443, %swap3A_444, %swap3A_445] : memref<32x3x3xf32, #tpu.memory_space<vmem>>, vector<1x3x3xf32>
    %swap3A_447 = vector.shape_cast %swap3A_446 : vector<1x3x3xf32> to vector<3x3xf32>
    %swap3A_448 = vector.shape_cast %div3A_442 : vector<3x3xf32> to vector<1x3x3xf32>
    tpu.vector_store %arg2[%swap3A_443, %swap3A_444, %swap3A_445], %swap3A_448 {strides = array<i32>} : memref<32x3x3xf32, #tpu.memory_space<vmem>>, vector<1x3x3xf32>,
    %get3A_449 = arith.constant 19 : index
    %get3A_450 = arith.constant 0 : index
    %get3A_451 = arith.constant 0 : index
    %get3A_452 = vector.load %arg1[%get3A_449, %get3A_450, %get3A_451] : memref<32x128x3xf32, #tpu.memory_space<vmem>>, vector<1x128x3xf32>
    %get3A_453 = vector.shape_cast %get3A_452 : vector<1x128x3xf32> to vector<128x3xf32>
    %reduce_sum3A_454 = arith.constant dense<0.000000e+00> : vector<3xf32>
    %reduce_sum3A_455 = vector.multi_reduction <add>, %get3A_453, %reduce_sum3A_454 [0] : vector<128x3xf32> to vector<3xf32>
    %broadcast_in_dim3A_456 = vector.shape_cast %reduce_sum3A_455 : vector<3xf32> to vector<1x3xf32>
    %div3A_457 = arith.constant 1.280000e+02 : f32
    %div3A_458 = vector.broadcast %div3A_457 : f32 to vector<1x3xf32>
    %div3A_459 = arith.divf %broadcast_in_dim3A_456, %div3A_458 : vector<1x3xf32>
    %sub3A_460 = vector.broadcast %div3A_459 : vector<1x3xf32> to vector<128x3xf32>
    %sub3A_461 = arith.subf %get3A_453, %sub3A_460 : vector<128x3xf32>
    %dot_general3A_462 = arith.constant dense<0.000000e+00> : vector<3x3xf32>
    %dot_general3A_463 = tpu.matmul %sub3A_461, %sub3A_461, %dot_general3A_462 {dimension_numbers = #tpu.dot_dimension_numbers<[0], [0], [1], [1], [0, 1, 1, 1], [], []>, transpose_lhs_hint = false} : vector<128x3xf32>, vector<128x3xf32>, vector<3x3xf32> -> vector<3x3xf32>
    %div3A_464 = arith.constant 1.280000e+02 : f32
    %div3A_465 = vector.broadcast %div3A_464 : f32 to vector<3x3xf32>
    %div3A_466 = arith.divf %dot_general3A_463, %div3A_465 : vector<3x3xf32>
    %swap3A_467 = arith.constant 19 : index
    %swap3A_468 = arith.constant 0 : index
    %swap3A_469 = arith.constant 0 : index
    %swap3A_470 = vector.load %arg2[%swap3A_467, %swap3A_468, %swap3A_469] : memref<32x3x3xf32, #tpu.memory_space<vmem>>, vector<1x3x3xf32>
    %swap3A_471 = vector.shape_cast %swap3A_470 : vector<1x3x3xf32> to vector<3x3xf32>
    %swap3A_472 = vector.shape_cast %div3A_466 : vector<3x3xf32> to vector<1x3x3xf32>
    tpu.vector_store %arg2[%swap3A_467, %swap3A_468, %swap3A_469], %swap3A_472 {strides = array<i32>} : memref<32x3x3xf32, #tpu.memory_space<vmem>>, vector<1x3x3xf32>,
    %get3A_473 = arith.constant 20 : index
    %get3A_474 = arith.constant 0 : index
    %get3A_475 = arith.constant 0 : index
    %get3A_476 = vector.load %arg1[%get3A_473, %get3A_474, %get3A_475] : memref<32x128x3xf32, #tpu.memory_space<vmem>>, vector<1x128x3xf32>
    %get3A_477 = vector.shape_cast %get3A_476 : vector<1x128x3xf32> to vector<128x3xf32>
    %reduce_sum3A_478 = arith.constant dense<0.000000e+00> : vector<3xf32>
    %reduce_sum3A_479 = vector.multi_reduction <add>, %get3A_477, %reduce_sum3A_478 [0] : vector<128x3xf32> to vector<3xf32>
    %broadcast_in_dim3A_480 = vector.shape_cast %reduce_sum3A_479 : vector<3xf32> to vector<1x3xf32>
    %div3A_481 = arith.constant 1.280000e+02 : f32
    %div3A_482 = vector.broadcast %div3A_481 : f32 to vector<1x3xf32>
    %div3A_483 = arith.divf %broadcast_in_dim3A_480, %div3A_482 : vector<1x3xf32>
    %sub3A_484 = vector.broadcast %div3A_483 : vector<1x3xf32> to vector<128x3xf32>
    %sub3A_485 = arith.subf %get3A_477, %sub3A_484 : vector<128x3xf32>
    %dot_general3A_486 = arith.constant dense<0.000000e+00> : vector<3x3xf32>
    %dot_general3A_487 = tpu.matmul %sub3A_485, %sub3A_485, %dot_general3A_486 {dimension_numbers = #tpu.dot_dimension_numbers<[0], [0], [1], [1], [0, 1, 1, 1], [], []>, transpose_lhs_hint = false} : vector<128x3xf32>, vector<128x3xf32>, vector<3x3xf32> -> vector<3x3xf32>
    %div3A_488 = arith.constant 1.280000e+02 : f32
    %div3A_489 = vector.broadcast %div3A_488 : f32 to vector<3x3xf32>
    %div3A_490 = arith.divf %dot_general3A_487, %div3A_489 : vector<3x3xf32>
    %swap3A_491 = arith.constant 20 : index
    %swap3A_492 = arith.constant 0 : index
    %swap3A_493 = arith.constant 0 : index
    %swap3A_494 = vector.load %arg2[%swap3A_491, %swap3A_492, %swap3A_493] : memref<32x3x3xf32, #tpu.memory_space<vmem>>, vector<1x3x3xf32>
    %swap3A_495 = vector.shape_cast %swap3A_494 : vector<1x3x3xf32> to vector<3x3xf32>
    %swap3A_496 = vector.shape_cast %div3A_490 : vector<3x3xf32> to vector<1x3x3xf32>
    tpu.vector_store %arg2[%swap3A_491, %swap3A_492, %swap3A_493], %swap3A_496 {strides = array<i32>} : memref<32x3x3xf32, #tpu.memory_space<vmem>>, vector<1x3x3xf32>,
    %get3A_497 = arith.constant 21 : index
    %get3A_498 = arith.constant 0 : index
    %get3A_499 = arith.constant 0 : index
    %get3A_500 = vector.load %arg1[%get3A_497, %get3A_498, %get3A_499] : memref<32x128x3xf32, #tpu.memory_space<vmem>>, vector<1x128x3xf32>
    %get3A_501 = vector.shape_cast %get3A_500 : vector<1x128x3xf32> to vector<128x3xf32>
    %reduce_sum3A_502 = arith.constant dense<0.000000e+00> : vector<3xf32>
    %reduce_sum3A_503 = vector.multi_reduction <add>, %get3A_501, %reduce_sum3A_502 [0] : vector<128x3xf32> to vector<3xf32>
    %broadcast_in_dim3A_504 = vector.shape_cast %reduce_sum3A_503 : vector<3xf32> to vector<1x3xf32>
    %div3A_505 = arith.constant 1.280000e+02 : f32
    %div3A_506 = vector.broadcast %div3A_505 : f32 to vector<1x3xf32>
    %div3A_507 = arith.divf %broadcast_in_dim3A_504, %div3A_506 : vector<1x3xf32>
    %sub3A_508 = vector.broadcast %div3A_507 : vector<1x3xf32> to vector<128x3xf32>
    %sub3A_509 = arith.subf %get3A_501, %sub3A_508 : vector<128x3xf32>
    %dot_general3A_510 = arith.constant dense<0.000000e+00> : vector<3x3xf32>
    %dot_general3A_511 = tpu.matmul %sub3A_509, %sub3A_509, %dot_general3A_510 {dimension_numbers = #tpu.dot_dimension_numbers<[0], [0], [1], [1], [0, 1, 1, 1], [], []>, transpose_lhs_hint = false} : vector<128x3xf32>, vector<128x3xf32>, vector<3x3xf32> -> vector<3x3xf32>
    %div3A_512 = arith.constant 1.280000e+02 : f32
    %div3A_513 = vector.broadcast %div3A_512 : f32 to vector<3x3xf32>
    %div3A_514 = arith.divf %dot_general3A_511, %div3A_513 : vector<3x3xf32>
    %swap3A_515 = arith.constant 21 : index
    %swap3A_516 = arith.constant 0 : index
    %swap3A_517 = arith.constant 0 : index
    %swap3A_518 = vector.load %arg2[%swap3A_515, %swap3A_516, %swap3A_517] : memref<32x3x3xf32, #tpu.memory_space<vmem>>, vector<1x3x3xf32>
    %swap3A_519 = vector.shape_cast %swap3A_518 : vector<1x3x3xf32> to vector<3x3xf32>
    %swap3A_520 = vector.shape_cast %div3A_514 : vector<3x3xf32> to vector<1x3x3xf32>
    tpu.vector_store %arg2[%swap3A_515, %swap3A_516, %swap3A_517], %swap3A_520 {strides = array<i32>} : memref<32x3x3xf32, #tpu.memory_space<vmem>>, vector<1x3x3xf32>,
    %get3A_521 = arith.constant 22 : index
    %get3A_522 = arith.constant 0 : index
    %get3A_523 = arith.constant 0 : index
    %get3A_524 = vector.load %arg1[%get3A_521, %get3A_522, %get3A_523] : memref<32x128x3xf32, #tpu.memory_space<vmem>>, vector<1x128x3xf32>
    %get3A_525 = vector.shape_cast %get3A_524 : vector<1x128x3xf32> to vector<128x3xf32>
    %reduce_sum3A_526 = arith.constant dense<0.000000e+00> : vector<3xf32>
    %reduce_sum3A_527 = vector.multi_reduction <add>, %get3A_525, %reduce_sum3A_526 [0] : vector<128x3xf32> to vector<3xf32>
    %broadcast_in_dim3A_528 = vector.shape_cast %reduce_sum3A_527 : vector<3xf32> to vector<1x3xf32>
    %div3A_529 = arith.constant 1.280000e+02 : f32
    %div3A_530 = vector.broadcast %div3A_529 : f32 to vector<1x3xf32>
    %div3A_531 = arith.divf %broadcast_in_dim3A_528, %div3A_530 : vector<1x3xf32>
    %sub3A_532 = vector.broadcast %div3A_531 : vector<1x3xf32> to vector<128x3xf32>
    %sub3A_533 = arith.subf %get3A_525, %sub3A_532 : vector<128x3xf32>
    %dot_general3A_534 = arith.constant dense<0.000000e+00> : vector<3x3xf32>
    %dot_general3A_535 = tpu.matmul %sub3A_533, %sub3A_533, %dot_general3A_534 {dimension_numbers = #tpu.dot_dimension_numbers<[0], [0], [1], [1], [0, 1, 1, 1], [], []>, transpose_lhs_hint = false} : vector<128x3xf32>, vector<128x3xf32>, vector<3x3xf32> -> vector<3x3xf32>
    %div3A_536 = arith.constant 1.280000e+02 : f32
    %div3A_537 = vector.broadcast %div3A_536 : f32 to vector<3x3xf32>
    %div3A_538 = arith.divf %dot_general3A_535, %div3A_537 : vector<3x3xf32>
    %swap3A_539 = arith.constant 22 : index
    %swap3A_540 = arith.constant 0 : index
    %swap3A_541 = arith.constant 0 : index
    %swap3A_542 = vector.load %arg2[%swap3A_539, %swap3A_540, %swap3A_541] : memref<32x3x3xf32, #tpu.memory_space<vmem>>, vector<1x3x3xf32>
    %swap3A_543 = vector.shape_cast %swap3A_542 : vector<1x3x3xf32> to vector<3x3xf32>
    %swap3A_544 = vector.shape_cast %div3A_538 : vector<3x3xf32> to vector<1x3x3xf32>
    tpu.vector_store %arg2[%swap3A_539, %swap3A_540, %swap3A_541], %swap3A_544 {strides = array<i32>} : memref<32x3x3xf32, #tpu.memory_space<vmem>>, vector<1x3x3xf32>,
    %get3A_545 = arith.constant 23 : index
    %get3A_546 = arith.constant 0 : index
    %get3A_547 = arith.constant 0 : index
    %get3A_548 = vector.load %arg1[%get3A_545, %get3A_546, %get3A_547] : memref<32x128x3xf32, #tpu.memory_space<vmem>>, vector<1x128x3xf32>
    %get3A_549 = vector.shape_cast %get3A_548 : vector<1x128x3xf32> to vector<128x3xf32>
    %reduce_sum3A_550 = arith.constant dense<0.000000e+00> : vector<3xf32>
    %reduce_sum3A_551 = vector.multi_reduction <add>, %get3A_549, %reduce_sum3A_550 [0] : vector<128x3xf32> to vector<3xf32>
    %broadcast_in_dim3A_552 = vector.shape_cast %reduce_sum3A_551 : vector<3xf32> to vector<1x3xf32>
    %div3A_553 = arith.constant 1.280000e+02 : f32
    %div3A_554 = vector.broadcast %div3A_553 : f32 to vector<1x3xf32>
    %div3A_555 = arith.divf %broadcast_in_dim3A_552, %div3A_554 : vector<1x3xf32>
    %sub3A_556 = vector.broadcast %div3A_555 : vector<1x3xf32> to vector<128x3xf32>
    %sub3A_557 = arith.subf %get3A_549, %sub3A_556 : vector<128x3xf32>
    %dot_general3A_558 = arith.constant dense<0.000000e+00> : vector<3x3xf32>
    %dot_general3A_559 = tpu.matmul %sub3A_557, %sub3A_557, %dot_general3A_558 {dimension_numbers = #tpu.dot_dimension_numbers<[0], [0], [1], [1], [0, 1, 1, 1], [], []>, transpose_lhs_hint = false} : vector<128x3xf32>, vector<128x3xf32>, vector<3x3xf32> -> vector<3x3xf32>
    %div3A_560 = arith.constant 1.280000e+02 : f32
    %div3A_561 = vector.broadcast %div3A_560 : f32 to vector<3x3xf32>
    %div3A_562 = arith.divf %dot_general3A_559, %div3A_561 : vector<3x3xf32>
    %swap3A_563 = arith.constant 23 : index
    %swap3A_564 = arith.constant 0 : index
    %swap3A_565 = arith.constant 0 : index
    %swap3A_566 = vector.load %arg2[%swap3A_563, %swap3A_564, %swap3A_565] : memref<32x3x3xf32, #tpu.memory_space<vmem>>, vector<1x3x3xf32>
    %swap3A_567 = vector.shape_cast %swap3A_566 : vector<1x3x3xf32> to vector<3x3xf32>
    %swap3A_568 = vector.shape_cast %div3A_562 : vector<3x3xf32> to vector<1x3x3xf32>
    tpu.vector_store %arg2[%swap3A_563, %swap3A_564, %swap3A_565], %swap3A_568 {strides = array<i32>} : memref<32x3x3xf32, #tpu.memory_space<vmem>>, vector<1x3x3xf32>,
    %get3A_569 = arith.constant 24 : index
    %get3A_570 = arith.constant 0 : index
    %get3A_571 = arith.constant 0 : index
    %get3A_572 = vector.load %arg1[%get3A_569, %get3A_570, %get3A_571] : memref<32x128x3xf32, #tpu.memory_space<vmem>>, vector<1x128x3xf32>
    %get3A_573 = vector.shape_cast %get3A_572 : vector<1x128x3xf32> to vector<128x3xf32>
    %reduce_sum3A_574 = arith.constant dense<0.000000e+00> : vector<3xf32>
    %reduce_sum3A_575 = vector.multi_reduction <add>, %get3A_573, %reduce_sum3A_574 [0] : vector<128x3xf32> to vector<3xf32>
    %broadcast_in_dim3A_576 = vector.shape_cast %reduce_sum3A_575 : vector<3xf32> to vector<1x3xf32>
    %div3A_577 = arith.constant 1.280000e+02 : f32
    %div3A_578 = vector.broadcast %div3A_577 : f32 to vector<1x3xf32>
    %div3A_579 = arith.divf %broadcast_in_dim3A_576, %div3A_578 : vector<1x3xf32>
    %sub3A_580 = vector.broadcast %div3A_579 : vector<1x3xf32> to vector<128x3xf32>
    %sub3A_581 = arith.subf %get3A_573, %sub3A_580 : vector<128x3xf32>
    %dot_general3A_582 = arith.constant dense<0.000000e+00> : vector<3x3xf32>
    %dot_general3A_583 = tpu.matmul %sub3A_581, %sub3A_581, %dot_general3A_582 {dimension_numbers = #tpu.dot_dimension_numbers<[0], [0], [1], [1], [0, 1, 1, 1], [], []>, transpose_lhs_hint = false} : vector<128x3xf32>, vector<128x3xf32>, vector<3x3xf32> -> vector<3x3xf32>
    %div3A_584 = arith.constant 1.280000e+02 : f32
    %div3A_585 = vector.broadcast %div3A_584 : f32 to vector<3x3xf32>
    %div3A_586 = arith.divf %dot_general3A_583, %div3A_585 : vector<3x3xf32>
    %swap3A_587 = arith.constant 24 : index
    %swap3A_588 = arith.constant 0 : index
    %swap3A_589 = arith.constant 0 : index
    %swap3A_590 = vector.load %arg2[%swap3A_587, %swap3A_588, %swap3A_589] : memref<32x3x3xf32, #tpu.memory_space<vmem>>, vector<1x3x3xf32>
    %swap3A_591 = vector.shape_cast %swap3A_590 : vector<1x3x3xf32> to vector<3x3xf32>
    %swap3A_592 = vector.shape_cast %div3A_586 : vector<3x3xf32> to vector<1x3x3xf32>
    tpu.vector_store %arg2[%swap3A_587, %swap3A_588, %swap3A_589], %swap3A_592 {strides = array<i32>} : memref<32x3x3xf32, #tpu.memory_space<vmem>>, vector<1x3x3xf32>,
    %get3A_593 = arith.constant 25 : index
    %get3A_594 = arith.constant 0 : index
    %get3A_595 = arith.constant 0 : index
    %get3A_596 = vector.load %arg1[%get3A_593, %get3A_594, %get3A_595] : memref<32x128x3xf32, #tpu.memory_space<vmem>>, vector<1x128x3xf32>
    %get3A_597 = vector.shape_cast %get3A_596 : vector<1x128x3xf32> to vector<128x3xf32>
    %reduce_sum3A_598 = arith.constant dense<0.000000e+00> : vector<3xf32>
    %reduce_sum3A_599 = vector.multi_reduction <add>, %get3A_597, %reduce_sum3A_598 [0] : vector<128x3xf32> to vector<3xf32>
    %broadcast_in_dim3A_600 = vector.shape_cast %reduce_sum3A_599 : vector<3xf32> to vector<1x3xf32>
    %div3A_601 = arith.constant 1.280000e+02 : f32
    %div3A_602 = vector.broadcast %div3A_601 : f32 to vector<1x3xf32>
    %div3A_603 = arith.divf %broadcast_in_dim3A_600, %div3A_602 : vector<1x3xf32>
    %sub3A_604 = vector.broadcast %div3A_603 : vector<1x3xf32> to vector<128x3xf32>
    %sub3A_605 = arith.subf %get3A_597, %sub3A_604 : vector<128x3xf32>
    %dot_general3A_606 = arith.constant dense<0.000000e+00> : vector<3x3xf32>
    %dot_general3A_607 = tpu.matmul %sub3A_605, %sub3A_605, %dot_general3A_606 {dimension_numbers = #tpu.dot_dimension_numbers<[0], [0], [1], [1], [0, 1, 1, 1], [], []>, transpose_lhs_hint = false} : vector<128x3xf32>, vector<128x3xf32>, vector<3x3xf32> -> vector<3x3xf32>
    %div3A_608 = arith.constant 1.280000e+02 : f32
    %div3A_609 = vector.broadcast %div3A_608 : f32 to vector<3x3xf32>
    %div3A_610 = arith.divf %dot_general3A_607, %div3A_609 : vector<3x3xf32>
    %swap3A_611 = arith.constant 25 : index
    %swap3A_612 = arith.constant 0 : index
    %swap3A_613 = arith.constant 0 : index
    %swap3A_614 = vector.load %arg2[%swap3A_611, %swap3A_612, %swap3A_613] : memref<32x3x3xf32, #tpu.memory_space<vmem>>, vector<1x3x3xf32>
    %swap3A_615 = vector.shape_cast %swap3A_614 : vector<1x3x3xf32> to vector<3x3xf32>
    %swap3A_616 = vector.shape_cast %div3A_610 : vector<3x3xf32> to vector<1x3x3xf32>
    tpu.vector_store %arg2[%swap3A_611, %swap3A_612, %swap3A_613], %swap3A_616 {strides = array<i32>} : memref<32x3x3xf32, #tpu.memory_space<vmem>>, vector<1x3x3xf32>,
    %get3A_617 = arith.constant 26 : index
    %get3A_618 = arith.constant 0 : index
    %get3A_619 = arith.constant 0 : index
    %get3A_620 = vector.load %arg1[%get3A_617, %get3A_618, %get3A_619] : memref<32x128x3xf32, #tpu.memory_space<vmem>>, vector<1x128x3xf32>
    %get3A_621 = vector.shape_cast %get3A_620 : vector<1x128x3xf32> to vector<128x3xf32>
    %reduce_sum3A_622 = arith.constant dense<0.000000e+00> : vector<3xf32>
    %reduce_sum3A_623 = vector.multi_reduction <add>, %get3A_621, %reduce_sum3A_622 [0] : vector<128x3xf32> to vector<3xf32>
    %broadcast_in_dim3A_624 = vector.shape_cast %reduce_sum3A_623 : vector<3xf32> to vector<1x3xf32>
    %div3A_625 = arith.constant 1.280000e+02 : f32
    %div3A_626 = vector.broadcast %div3A_625 : f32 to vector<1x3xf32>
    %div3A_627 = arith.divf %broadcast_in_dim3A_624, %div3A_626 : vector<1x3xf32>
    %sub3A_628 = vector.broadcast %div3A_627 : vector<1x3xf32> to vector<128x3xf32>
    %sub3A_629 = arith.subf %get3A_621, %sub3A_628 : vector<128x3xf32>
    %dot_general3A_630 = arith.constant dense<0.000000e+00> : vector<3x3xf32>
    %dot_general3A_631 = tpu.matmul %sub3A_629, %sub3A_629, %dot_general3A_630 {dimension_numbers = #tpu.dot_dimension_numbers<[0], [0], [1], [1], [0, 1, 1, 1], [], []>, transpose_lhs_hint = false} : vector<128x3xf32>, vector<128x3xf32>, vector<3x3xf32> -> vector<3x3xf32>
    %div3A_632 = arith.constant 1.280000e+02 : f32
    %div3A_633 = vector.broadcast %div3A_632 : f32 to vector<3x3xf32>
    %div3A_634 = arith.divf %dot_general3A_631, %div3A_633 : vector<3x3xf32>
    %swap3A_635 = arith.constant 26 : index
    %swap3A_636 = arith.constant 0 : index
    %swap3A_637 = arith.constant 0 : index
    %swap3A_638 = vector.load %arg2[%swap3A_635, %swap3A_636, %swap3A_637] : memref<32x3x3xf32, #tpu.memory_space<vmem>>, vector<1x3x3xf32>
    %swap3A_639 = vector.shape_cast %swap3A_638 : vector<1x3x3xf32> to vector<3x3xf32>
    %swap3A_640 = vector.shape_cast %div3A_634 : vector<3x3xf32> to vector<1x3x3xf32>
    tpu.vector_store %arg2[%swap3A_635, %swap3A_636, %swap3A_637], %swap3A_640 {strides = array<i32>} : memref<32x3x3xf32, #tpu.memory_space<vmem>>, vector<1x3x3xf32>,
    %get3A_641 = arith.constant 27 : index
    %get3A_642 = arith.constant 0 : index
    %get3A_643 = arith.constant 0 : index
    %get3A_644 = vector.load %arg1[%get3A_641, %get3A_642, %get3A_643] : memref<32x128x3xf32, #tpu.memory_space<vmem>>, vector<1x128x3xf32>
    %get3A_645 = vector.shape_cast %get3A_644 : vector<1x128x3xf32> to vector<128x3xf32>
    %reduce_sum3A_646 = arith.constant dense<0.000000e+00> : vector<3xf32>
    %reduce_sum3A_647 = vector.multi_reduction <add>, %get3A_645, %reduce_sum3A_646 [0] : vector<128x3xf32> to vector<3xf32>
    %broadcast_in_dim3A_648 = vector.shape_cast %reduce_sum3A_647 : vector<3xf32> to vector<1x3xf32>
    %div3A_649 = arith.constant 1.280000e+02 : f32
    %div3A_650 = vector.broadcast %div3A_649 : f32 to vector<1x3xf32>
    %div3A_651 = arith.divf %broadcast_in_dim3A_648, %div3A_650 : vector<1x3xf32>
    %sub3A_652 = vector.broadcast %div3A_651 : vector<1x3xf32> to vector<128x3xf32>
    %sub3A_653 = arith.subf %get3A_645, %sub3A_652 : vector<128x3xf32>
    %dot_general3A_654 = arith.constant dense<0.000000e+00> : vector<3x3xf32>
    %dot_general3A_655 = tpu.matmul %sub3A_653, %sub3A_653, %dot_general3A_654 {dimension_numbers = #tpu.dot_dimension_numbers<[0], [0], [1], [1], [0, 1, 1, 1], [], []>, transpose_lhs_hint = false} : vector<128x3xf32>, vector<128x3xf32>, vector<3x3xf32> -> vector<3x3xf32>
    %div3A_656 = arith.constant 1.280000e+02 : f32
    %div3A_657 = vector.broadcast %div3A_656 : f32 to vector<3x3xf32>
    %div3A_658 = arith.divf %dot_general3A_655, %div3A_657 : vector<3x3xf32>
    %swap3A_659 = arith.constant 27 : index
    %swap3A_660 = arith.constant 0 : index
    %swap3A_661 = arith.constant 0 : index
    %swap3A_662 = vector.load %arg2[%swap3A_659, %swap3A_660, %swap3A_661] : memref<32x3x3xf32, #tpu.memory_space<vmem>>, vector<1x3x3xf32>
    %swap3A_663 = vector.shape_cast %swap3A_662 : vector<1x3x3xf32> to vector<3x3xf32>
    %swap3A_664 = vector.shape_cast %div3A_658 : vector<3x3xf32> to vector<1x3x3xf32>
    tpu.vector_store %arg2[%swap3A_659, %swap3A_660, %swap3A_661], %swap3A_664 {strides = array<i32>} : memref<32x3x3xf32, #tpu.memory_space<vmem>>, vector<1x3x3xf32>,
    %get3A_665 = arith.constant 28 : index
    %get3A_666 = arith.constant 0 : index
    %get3A_667 = arith.constant 0 : index
    %get3A_668 = vector.load %arg1[%get3A_665, %get3A_666, %get3A_667] : memref<32x128x3xf32, #tpu.memory_space<vmem>>, vector<1x128x3xf32>
    %get3A_669 = vector.shape_cast %get3A_668 : vector<1x128x3xf32> to vector<128x3xf32>
    %reduce_sum3A_670 = arith.constant dense<0.000000e+00> : vector<3xf32>
    %reduce_sum3A_671 = vector.multi_reduction <add>, %get3A_669, %reduce_sum3A_670 [0] : vector<128x3xf32> to vector<3xf32>
    %broadcast_in_dim3A_672 = vector.shape_cast %reduce_sum3A_671 : vector<3xf32> to vector<1x3xf32>
    %div3A_673 = arith.constant 1.280000e+02 : f32
    %div3A_674 = vector.broadcast %div3A_673 : f32 to vector<1x3xf32>
    %div3A_675 = arith.divf %broadcast_in_dim3A_672, %div3A_674 : vector<1x3xf32>
    %sub3A_676 = vector.broadcast %div3A_675 : vector<1x3xf32> to vector<128x3xf32>
    %sub3A_677 = arith.subf %get3A_669, %sub3A_676 : vector<128x3xf32>
    %dot_general3A_678 = arith.constant dense<0.000000e+00> : vector<3x3xf32>
    %dot_general3A_679 = tpu.matmul %sub3A_677, %sub3A_677, %dot_general3A_678 {dimension_numbers = #tpu.dot_dimension_numbers<[0], [0], [1], [1], [0, 1, 1, 1], [], []>, transpose_lhs_hint = false} : vector<128x3xf32>, vector<128x3xf32>, vector<3x3xf32> -> vector<3x3xf32>
    %div3A_680 = arith.constant 1.280000e+02 : f32
    %div3A_681 = vector.broadcast %div3A_680 : f32 to vector<3x3xf32>
    %div3A_682 = arith.divf %dot_general3A_679, %div3A_681 : vector<3x3xf32>
    %swap3A_683 = arith.constant 28 : index
    %swap3A_684 = arith.constant 0 : index
    %swap3A_685 = arith.constant 0 : index
    %swap3A_686 = vector.load %arg2[%swap3A_683, %swap3A_684, %swap3A_685] : memref<32x3x3xf32, #tpu.memory_space<vmem>>, vector<1x3x3xf32>
    %swap3A_687 = vector.shape_cast %swap3A_686 : vector<1x3x3xf32> to vector<3x3xf32>
    %swap3A_688 = vector.shape_cast %div3A_682 : vector<3x3xf32> to vector<1x3x3xf32>
    tpu.vector_store %arg2[%swap3A_683, %swap3A_684, %swap3A_685], %swap3A_688 {strides = array<i32>} : memref<32x3x3xf32, #tpu.memory_space<vmem>>, vector<1x3x3xf32>,
    %get3A_689 = arith.constant 29 : index
    %get3A_690 = arith.constant 0 : index
    %get3A_691 = arith.constant 0 : index
    %get3A_692 = vector.load %arg1[%get3A_689, %get3A_690, %get3A_691] : memref<32x128x3xf32, #tpu.memory_space<vmem>>, vector<1x128x3xf32>
    %get3A_693 = vector.shape_cast %get3A_692 : vector<1x128x3xf32> to vector<128x3xf32>
    %reduce_sum3A_694 = arith.constant dense<0.000000e+00> : vector<3xf32>
    %reduce_sum3A_695 = vector.multi_reduction <add>, %get3A_693, %reduce_sum3A_694 [0] : vector<128x3xf32> to vector<3xf32>
    %broadcast_in_dim3A_696 = vector.shape_cast %reduce_sum3A_695 : vector<3xf32> to vector<1x3xf32>
    %div3A_697 = arith.constant 1.280000e+02 : f32
    %div3A_698 = vector.broadcast %div3A_697 : f32 to vector<1x3xf32>
    %div3A_699 = arith.divf %broadcast_in_dim3A_696, %div3A_698 : vector<1x3xf32>
    %sub3A_700 = vector.broadcast %div3A_699 : vector<1x3xf32> to vector<128x3xf32>
    %sub3A_701 = arith.subf %get3A_693, %sub3A_700 : vector<128x3xf32>
    %dot_general3A_702 = arith.constant dense<0.000000e+00> : vector<3x3xf32>
    %dot_general3A_703 = tpu.matmul %sub3A_701, %sub3A_701, %dot_general3A_702 {dimension_numbers = #tpu.dot_dimension_numbers<[0], [0], [1], [1], [0, 1, 1, 1], [], []>, transpose_lhs_hint = false} : vector<128x3xf32>, vector<128x3xf32>, vector<3x3xf32> -> vector<3x3xf32>
    %div3A_704 = arith.constant 1.280000e+02 : f32
    %div3A_705 = vector.broadcast %div3A_704 : f32 to vector<3x3xf32>
    %div3A_706 = arith.divf %dot_general3A_703, %div3A_705 : vector<3x3xf32>
    %swap3A_707 = arith.constant 29 : index
    %swap3A_708 = arith.constant 0 : index
    %swap3A_709 = arith.constant 0 : index
    %swap3A_710 = vector.load %arg2[%swap3A_707, %swap3A_708, %swap3A_709] : memref<32x3x3xf32, #tpu.memory_space<vmem>>, vector<1x3x3xf32>
    %swap3A_711 = vector.shape_cast %swap3A_710 : vector<1x3x3xf32> to vector<3x3xf32>
    %swap3A_712 = vector.shape_cast %div3A_706 : vector<3x3xf32> to vector<1x3x3xf32>
    tpu.vector_store %arg2[%swap3A_707, %swap3A_708, %swap3A_709], %swap3A_712 {strides = array<i32>} : memref<32x3x3xf32, #tpu.memory_space<vmem>>, vector<1x3x3xf32>,
    %get3A_713 = arith.constant 30 : index
    %get3A_714 = arith.constant 0 : index
    %get3A_715 = arith.constant 0 : index
    %get3A_716 = vector.load %arg1[%get3A_713, %get3A_714, %get3A_715] : memref<32x128x3xf32, #tpu.memory_space<vmem>>, vector<1x128x3xf32>
    %get3A_717 = vector.shape_cast %get3A_716 : vector<1x128x3xf32> to vector<128x3xf32>
    %reduce_sum3A_718 = arith.constant dense<0.000000e+00> : vector<3xf32>
    %reduce_sum3A_719 = vector.multi_reduction <add>, %get3A_717, %reduce_sum3A_718 [0] : vector<128x3xf32> to vector<3xf32>
    %broadcast_in_dim3A_720 = vector.shape_cast %reduce_sum3A_719 : vector<3xf32> to vector<1x3xf32>
    %div3A_721 = arith.constant 1.280000e+02 : f32
    %div3A_722 = vector.broadcast %div3A_721 : f32 to vector<1x3xf32>
    %div3A_723 = arith.divf %broadcast_in_dim3A_720, %div3A_722 : vector<1x3xf32>
    %sub3A_724 = vector.broadcast %div3A_723 : vector<1x3xf32> to vector<128x3xf32>
    %sub3A_725 = arith.subf %get3A_717, %sub3A_724 : vector<128x3xf32>
    %dot_general3A_726 = arith.constant dense<0.000000e+00> : vector<3x3xf32>
    %dot_general3A_727 = tpu.matmul %sub3A_725, %sub3A_725, %dot_general3A_726 {dimension_numbers = #tpu.dot_dimension_numbers<[0], [0], [1], [1], [0, 1, 1, 1], [], []>, transpose_lhs_hint = false} : vector<128x3xf32>, vector<128x3xf32>, vector<3x3xf32> -> vector<3x3xf32>
    %div3A_728 = arith.constant 1.280000e+02 : f32
    %div3A_729 = vector.broadcast %div3A_728 : f32 to vector<3x3xf32>
    %div3A_730 = arith.divf %dot_general3A_727, %div3A_729 : vector<3x3xf32>
    %swap3A_731 = arith.constant 30 : index
    %swap3A_732 = arith.constant 0 : index
    %swap3A_733 = arith.constant 0 : index
    %swap3A_734 = vector.load %arg2[%swap3A_731, %swap3A_732, %swap3A_733] : memref<32x3x3xf32, #tpu.memory_space<vmem>>, vector<1x3x3xf32>
    %swap3A_735 = vector.shape_cast %swap3A_734 : vector<1x3x3xf32> to vector<3x3xf32>
    %swap3A_736 = vector.shape_cast %div3A_730 : vector<3x3xf32> to vector<1x3x3xf32>
    tpu.vector_store %arg2[%swap3A_731, %swap3A_732, %swap3A_733], %swap3A_736 {strides = array<i32>} : memref<32x3x3xf32, #tpu.memory_space<vmem>>, vector<1x3x3xf32>,
    %get3A_737 = arith.constant 31 : index
    %get3A_738 = arith.constant 0 : index
    %get3A_739 = arith.constant 0 : index
    %get3A_740 = vector.load %arg1[%get3A_737, %get3A_738, %get3A_739] : memref<32x128x3xf32, #tpu.memory_space<vmem>>, vector<1x128x3xf32>
    %get3A_741 = vector.shape_cast %get3A_740 : vector<1x128x3xf32> to vector<128x3xf32>
    %reduce_sum3A_742 = arith.constant dense<0.000000e+00> : vector<3xf32>
    %reduce_sum3A_743 = vector.multi_reduction <add>, %get3A_741, %reduce_sum3A_742 [0] : vector<128x3xf32> to vector<3xf32>
    %broadcast_in_dim3A_744 = vector.shape_cast %reduce_sum3A_743 : vector<3xf32> to vector<1x3xf32>
    %div3A_745 = arith.constant 1.280000e+02 : f32
    %div3A_746 = vector.broadcast %div3A_745 : f32 to vector<1x3xf32>
    %div3A_747 = arith.divf %broadcast_in_dim3A_744, %div3A_746 : vector<1x3xf32>
    %sub3A_748 = vector.broadcast %div3A_747 : vector<1x3xf32> to vector<128x3xf32>
    %sub3A_749 = arith.subf %get3A_741, %sub3A_748 : vector<128x3xf32>
    %dot_general3A_750 = arith.constant dense<0.000000e+00> : vector<3x3xf32>
    %dot_general3A_751 = tpu.matmul %sub3A_749, %sub3A_749, %dot_general3A_750 {dimension_numbers = #tpu.dot_dimension_numbers<[0], [0], [1], [1], [0, 1, 1, 1], [], []>, transpose_lhs_hint = false} : vector<128x3xf32>, vector<128x3xf32>, vector<3x3xf32> -> vector<3x3xf32>
    %div3A_752 = arith.constant 1.280000e+02 : f32
    %div3A_753 = vector.broadcast %div3A_752 : f32 to vector<3x3xf32>
    %div3A_754 = arith.divf %dot_general3A_751, %div3A_753 : vector<3x3xf32>
    %swap3A_755 = arith.constant 31 : index
    %swap3A_756 = arith.constant 0 : index
    %swap3A_757 = arith.constant 0 : index
    %swap3A_758 = vector.load %arg2[%swap3A_755, %swap3A_756, %swap3A_757] : memref<32x3x3xf32, #tpu.memory_space<vmem>>, vector<1x3x3xf32>
    %swap3A_759 = vector.shape_cast %swap3A_758 : vector<1x3x3xf32> to vector<3x3xf32>
    %swap3A_760 = vector.shape_cast %div3A_754 : vector<3x3xf32> to vector<1x3x3xf32>
    tpu.vector_store %arg2[%swap3A_755, %swap3A_756, %swap3A_757], %swap3A_760 {strides = array<i32>} : memref<32x3x3xf32, #tpu.memory_space<vmem>>, vector<1x3x3xf32>,
    return
  }
  func.func @transform_0(%arg0: i32) -> (i32, i32, i32) {
    %c0_i32 = arith.constant 0 : i32
    %c0_i32_0 = arith.constant 0 : i32
    %c0_i32_1 = arith.constant 0 : i32
    return %arg0, %c0_i32, %c0_i32_0 : i32, i32, i32
  }
  func.func @transform_1(%arg0: i32) -> (i32, i32, i32) {
    %c0_i32 = arith.constant 0 : i32
    %c0_i32_0 = arith.constant 0 : i32
    %c0_i32_1 = arith.constant 0 : i32
    return %arg0, %c0_i32, %c0_i32_0 : i32, i32, i32
  }
}

</mosaic_0001>

<sc_bundles>
// kernel: kernel.5.cloned.1.call-start
scs
__scs_entry_jumppad:
0x0: {  	(pc) =	sbr.rel $0x88, $3  }
0x1: {  	(tag) =	ssettag $0x0;
	lr =	simm.s32 $0x1  }
0x2: {  	[smem:$0x3FA0] =	sst lr;
	_ =	strace $0xD0000000  }
0x3: {  	_ = 	snop  }
0x4: {  	_ = 	snop  }
0x5: {  	_ = 	snop  }
0x6: {  	_ = 	snop  }
0x7: {  	_ = 	snop  }
__scs_overlays_trampoline_lowered:
0x8: {  	[smem:$0x3FAF] =	sst s0  }
0x9: {  	[smem:$0x3FB0] =	sst s1  }
0xa: {  	[smem:$0x3FB1] =	sst s2  }
0xb: {  	[smem:$0x3FB2] =	sst s3  }
0xc: {  	[smem:$0x3FB3] =	sst s4  }
0xd: {  	[smem:$0x3FB4] =	sst s5  }
0xe: {  	[smem:$0x3FB5] =	sst s6  }
0xf: {  	[smem:$0x3FB6] =	sst s7  }
0x10: {  	[smem:$0x3FB7] =	sst s8  }
0x11: {  	[smem:$0x3FB8] =	sst s9;
	s0 =	simm.s32 @!p0 $0x0  }
0x12: {  	s1 =	sld [smem:$0x3F9E];
	s0 =	simm.s32 @p0 $0x1  }
0x13: {  	[smem:$0x3FB9] =	sst s0;
	s0 =	simm.s32 @!p1 $0x0  }
0x14: {  	s2 =	sld [smem:$0x3F9D];
	s0 =	simm.s32 @p1 $0x1  }
0x15: {  	[smem:$0x3FBA] =	sst s0;
	s0 =	simm.s32 @!p2 $0x0  }
0x16: {  	s3 =	sld [smem:$0x3FDB];
	s0 =	simm.s32 @p2 $0x1  }
0x17: {  	s4 =	simm.s32 $0x1BF5;
	[smem:$0x3FBC] =	sst s0  }
0x18: {  	s0 =	sld [smem:$0x3F9F];
	_ =	swait.ge [sflag:s4], $0x0  }
0x19: {  	s7 =	sld [smem:$0x3FA0]  }
0x1a: {  	s8 =	sadd.s32 $0xFFFFE003, lr  }
0x1b: {  	s9 =	sadd.s32 $0xFFFFFEF7, lr;
	s5 =	simm.s32 $0xFFFFFFFF;
	p2 =	slt.u32 s8, $0xFFFFF086  }
0x1c: {  	p1 =	slt.u32 s9, $0xF7A;
	s5 =	simm.s32 @!p2 $0x0  }
0x1d: {  	s5 =	simm.s32 @p1 $0x1;
	p0 =	seq.s32 s7, s2  }
0x1e: {  	s7 =	smul.u32 @!p0 $0xF7A, s2;
	p2 =	seq.s32 @!p0 s5, $0x0  }
0x1f: {  	s9 =	smul.u32 $0xF7A, s1;
	s8 =	simm.s32 @!p0 $0x1BF5;
	p2 =	por !p2, p0  }
0x20: {  	[sflag:s8] =	ssyncset.s32 @!p0 $0xFFFFF086;
	s6 =	sadd.s32 @!p0 s3, s7;
	s7 =	simm.s32 @!p0 $0x108  }
0x21: {  	s3 =	sadd.s32 s3, s9;
	s6 =	sadd.s32 @!p0 $0x88, s6;
	s7 =	simm.s32 @p2 $0x1082  }
0x22: {  	[simem:s7], [sflag:s8] =	dma.local @!p0 [hbm:s6], $0xF7A  }
0x23: {  	s9 =	sor.u32 $0xD0000000, s2;
	s6 =	simm.s32 $0x108;
	_ =	swait.ge @!p0 [sflag:s8], $0x0  }
0x24: {  	s3 =	sadd.s32 $0x88, s3;
	s6 =	simm.s32 @!p1 $0x1082;
	[sflag:s4] =	ssyncset.s32 $0xFFFFF086  }
0x25: {  	[simem:s6], [sflag:s4] =	dma.local [hbm:s3], $0xF7A  }
0x26: {  	[smem:$0x3FA0] =	sst s1;
	(tag) =	ssettag s2;
	_ =	strace s9  }
0x27: {  	s1 =	sld [smem:$0x3FB0]  }
0x28: {  	s2 =	sld [smem:$0x3FB1]  }
0x29: {  	s4 =	sld [smem:$0x3FB3]  }
0x2a: {  	p0 =	seq.s32 s5, $0x0;
	s5 =	sld [smem:$0x3FB4]  }
0x2b: {  	s6 =	sld [smem:$0x3FB5]  }
0x2c: {  	s7 =	sld [smem:$0x3FB6]  }
0x2d: {  	s3 =	simm.s32 $0x108;
	s8 =	sld [smem:$0x3FB7]  }
0x2e: {  	s3 =	simm.s32 @!p0 $0x1082;
	s9 =	sld [smem:$0x3FB8]  }
0x2f: {  	lr =	sadd.s32 s0, s3;
	s0 =	sld [smem:$0x3FAF]  }
0x30: {  	s3 =	sld [smem:$0x3FB2]  }
0x31: {  	[smem:$0x3FBB] =	sst s10  }
0x32: {  	s10 =	sld [smem:$0x3FB9];
	_ =	sdelay $0x3  }
0x33: {  	p0 =	seq.s32 s10, $0x1;
	s10 =	sld [smem:$0x3FBB];
	_ =	sdelay $0x3  }
0x34: {  	[smem:$0x3FBB] =	sst s10  }
0x35: {  	s10 =	sld [smem:$0x3FBA];
	_ =	sdelay $0x3  }
0x36: {  	p1 =	seq.s32 s10, $0x1;
	s10 =	sld [smem:$0x3FBB];
	_ =	sdelay $0x3  }
0x37: {  	[smem:$0x3FBB] =	sst s10  }
0x38: {  	s10 =	sld [smem:$0x3FBC]  }
0x39: {  	_ = 	snop;
	(pc) =	sbr.ind lr, $3  }
0x3a: {  	_ = 	snop  }
0x3b: {  	_ = 	snop  }
0x3c: {  	p2 =	seq.s32 s10, $0x1;
	s10 =	sld [smem:$0x3FBB]  }
0x3d: {  	_ =	shalt  }
0x3e: {  	_ =	shalt  }
0x3f: {  	_ =	shalt  }
0x40: {  	_ =	shalt  }
0x41: {  	_ =	shalt  }
0x42: {  	_ =	shalt  }
0x43: {  	_ =	shalt  }
0x44: {  	_ =	shalt  }
0x45: {  	_ =	shalt  }
0x46: {  	_ =	shalt  }
0x47: {  	_ =	shalt  }
0x48: {  	_ =	shalt  }
0x49: {  	_ =	shalt  }
0x4a: {  	_ =	shalt  }
0x4b: {  	_ =	shalt  }
0x4c: {  	_ =	shalt  }
0x4d: {  	_ =	shalt  }
0x4e: {  	_ =	shalt  }
0x4f: {  	_ =	shalt  }
0x50: {  	_ =	shalt  }
0x51: {  	_ =	shalt  }
0x52: {  	_ =	shalt  }
0x53: {  	_ =	shalt  }
0x54: {  	_ =	shalt  }
0x55: {  	_ =	shalt  }
0x56: {  	_ =	shalt  }
0x57: {  	_ =	shalt  }
0x58: {  	_ =	shalt  }
0x59: {  	_ =	shalt  }
0x5a: {  	_ =	shalt  }
0x5b: {  	_ =	shalt  }
0x5c: {  	_ =	shalt  }
0x5d: {  	_ =	shalt  }
0x5e: {  	_ =	shalt  }
0x5f: {  	_ =	shalt  }
0x60: {  	_ =	shalt  }
0x61: {  	_ =	shalt  }
0x62: {  	_ =	shalt  }
0x63: {  	_ =	shalt  }
0x64: {  	_ =	shalt  }
0x65: {  	_ =	shalt  }
0x66: {  	_ =	shalt  }
0x67: {  	_ =	shalt  }
0x68: {  	_ =	shalt  }
0x69: {  	_ =	shalt  }
0x6a: {  	_ =	shalt  }
0x6b: {  	_ =	shalt  }
0x6c: {  	_ =	shalt  }
0x6d: {  	_ =	shalt  }
0x6e: {  	_ =	shalt  }
0x6f: {  	_ =	shalt  }
0x70: {  	_ =	shalt  }
0x71: {  	_ =	shalt  }
0x72: {  	_ =	shalt  }
0x73: {  	_ =	shalt  }
0x74: {  	_ =	shalt  }
0x75: {  	_ =	shalt  }
0x76: {  	_ =	shalt  }
0x77: {  	_ =	shalt  }
0x78: {  	_ =	shalt  }
0x79: {  	_ =	shalt  }
0x7a: {  	_ =	shalt  }
0x7b: {  	_ =	shalt  }
0x7c: {  	_ =	shalt  }
0x7d: {  	_ =	shalt  }
0x7e: {  	_ =	shalt  }
0x7f: {  	_ =	shalt  }
0x80: {  	_ =	shalt  }
0x81: {  	_ =	shalt  }
0x82: {  	_ =	shalt  }
0x83: {  	_ =	shalt  }
0x84: {  	_ =	shalt  }
0x85: {  	_ =	shalt  }
0x86: {  	_ =	shalt  }
0x87: {  	_ =	shalt  }
.Lfunc_end0:
.L_simem_size_0:
called_computation_lowered:
.L_overlay_start_0:
0x88: {  	s2 =	sld [smem:$0x3FD9]  }
0x89: {  	s3 =	sld [smem:$0x3FFE];
	_ =	sdelay $0x1  }
0x8a: {  	s1 =	srdreg.scid  }
0x8b: {  	s0 =	sand.u32 $0x1, s1  }
0x8c: {  	s17 =	sshll.u32 s0, $0xA;
	s2 =	sadd.s32 s3, s2  }
0x8d: {  	s2 =	sadd.s32 s2, s17  }
0x8e: {  	[smem:$0x3FC7] =	sst s2  }
0x8f: {  	_ = 	snop  }
0x90: {  	s2 =	sld [smem:$0x3FD0];
	(tm) =	ssettm $0x1  }
0x91: {  	s18 =	sld [smem:$0x3FFB];
	_ =	sdelay $0x3  }
0x92: {  	_ =	strace s18  }
0x93: {  	s3 =	sld [smem:$0x3FFC];
	_ =	sdelay $0x3  }
0x94: {  	_ =	strace s3  }
0x95: {  	s3 =	sld [smem:$0x3FFD];
	_ =	sdelay $0x3  }
0x96: {  	_ =	strace s3  }
0x97: {  	_ =	strace $0x8FFFFFFF  }
0x98: {  	s19 =	sld [smem:$0x3FDB];
	_ =	sdelay $0x1  }
0x99: {  	s4 =	simm.s32 $_scs_section_size  }
0x9a: {  	s5 =	simm.s32 $_size__tile_overlayer_lowered;
	s6 =	simm.s32 $_tile_overlayer_lowered  }
0x9b: {  	s22 =	simm.s32 $0x1BFF;
	s21 =	sshll.u32 s6, $0x1;
	s3 =	sadd.s32 s4, s19  }
0x9c: {  	s7 =	simm.s32 $0x0;
	s20 =	sshll.u32 s5, $0x1;
	s5 =	sadd.s32 s21, s3  }
0x9d: {  	[timem:s7], [sflag:s22] =	dma.local [hbm:s5], s20  }
0x9e: {  	_ =	swait.ge [sflag:s22], s20  }
0x9f: {  	s4 =	ssub.s32 $0x0, s20;
	[sflag:s22] =	ssyncset.done $0x0  }
0xa0: {  	[sflag:s22] =	ssyncadd.s32 s4;
	_ =	sdelay $0x1  }
0xa1: {  	s23 =	simm.s32 $0x1B8B  }
0xa2: {  	_ =	swait.ge [sflag:s23], $0x1  }
0xa3: {  	[sflag:s23] =	ssyncset.done $0x0  }
0xa4: {  	s25 =	simm.s32 $0x1B8E;
	s24 =	sld [smem:$0x3FFE];
	[sflag:s23] =	ssyncadd.s32 $0xFFFFFFFF  }
0xa5: {  	s26 =	simm.s32 $execute0_lowered;
	[smem:$0x3FD2] =	sst s25  }
0xa6: {  	s5 =	sshll.u32 s26, $0x1;
	_ =	strace $0x80000046;
	[dreg:$0x1] =	wrdreg $0xFFFFFFFF  }
0xa7: {  	s28 =	simm.s32 $_size_execute0_lowered;
	s3 =	sadd.s32 s3, s5;
	[dreg:$0x0] =	wrdreg $0x0  }
0xa8: {  	s5 =	sshll.u32 s28, $0x1;
	[dreg:$0x2] =	wrdreg s3  }
0xa9: {  	[dreg:$0x3] =	wrdreg s5  }
0xaa: {  	[dreg:$0x4] =	wrdreg $0xC0  }
0xab: {  	_ =	task [dreg:s7], $0x5FFFF  }
0xac: {  	[dreg:$0x1] =	wrdreg $0xFFFFFFFF  }
0xad: {  	[dreg:$0x0] =	wrdreg $0x60  }
0xae: {  	[dreg:$0x2] =	wrdreg s24  }
0xaf: {  	[dreg:$0x3] =	wrdreg s2  }
0xb0: {  	[dreg:$0x4] =	wrdreg $0x9  }
0xb1: {  	_ =	task.clear_ibuf [dreg:s7], $0x5FFFF;
	_ =	strace $0x90000046  }
0xb2: {  	s29 =	simm.s32 $0x9;
	_ =	strace $0x80000048  }
0xb3: {  	_ =	swait.ge [sflag:s29], $0x1  }
0xb4: {  	[sflag:s29] =	ssyncadd.s32 $0xFFFFFFFF  }
0xb5: {  	_ =	strace $0x90000048  }
0xb6: {  	_ =	sfence  }
0xb7: {  	s30 =	sld [smem:$0x0];
	_ =	sdelay $0x2  }
0xb8: {  	s31 =	sshll.u32 s1, $0xD;
	s1 =	sshrl.u32 s1, $0x2  }
0xb9: {  	s3 =	sand.u32 $0x4000, s31;
	s1 =	sadd.s32 s1, s30  }
0xba: {  	s0 =	sor.u32 s3, s0;
	s1 =	sshll.u32 s1, $0x11  }
0xbb: {  	s0 =	sor.u32 s1, s0  }
0xbc: {  	s0 =	sadd.s32 $0x8F2B, s0  }
0xbd: {  	[sflag:s0] =	ssyncadd.remote.s32 $0x1  }
0xbe: {  	_ =	sfence.sel $0xFFFF  }
0xbf: {  	[dreg:$0x0] =	wrdreg $0xFFFFFFFF;
	(pc) =	sbr.abs _section_cstart, $3  }
0xc0: {  	[dreg:$0x1] =	wrdreg $0xFFFFFFFF  }
0xc1: {  	_ =	task.clear_ibuf [dreg:s7], $0x2FFFF;
	_ =	strace $0x9FFFFFFF  }
0xc2: {  	(tm) =	ssettm $0x7FFFFFFF  }
0xc3: {  	_ =	shalt  }
tec
execute0_lowered:
.L_overlay_start_1:
0x0: {  	(tag) =	ssettag $0x1  }
0x1: {  	s0 =	rddreg [dreg:$0x0]  }
0x2: {  	s1 =	rddreg [dreg:$0x1];
	s2 =	simm.s32 $0x0  }
0x3: {  	s5 =	stileid.u32;
	s3 =	srdreg.scid;
	s14 =	simm.s32 $0x80  }
0x4: {  	s15 =	simm.s32 $0x400;
	s16 =	simm.s32 $0x1;
	s17 =	simm.s32 $0x4000  }
0x5: {  	s18 =	simm.s32 $0x8000;
	s21 =	simm.s32 $0x10100;
	s22 =	simm.s32 $0x14200  }
0x6: {  	v0 =	vlaneseq.u32;
	s23 =	simm.s32 $0x14300;
	s24 =	simm.s32 $0x17480;
	s25 =	simm.s32 $0x14400  }
0x7: {  	s28 =	simm.s32 $0x0;
	[smem:$0x7FF] =	sst s2;
	s4 =	sand.u32 $0x1, s3;
	v3 =	vmul.u32 $0xFFFFFFFF, v0;
	v1 =	vmul.u32 $0x3, v0  }
0x8: {  	v2 =	vimm.s32 $0x0;
	s26 =	sshll.u32 s5, $0x1;
	s5 =	sshll.u32 s5, $0x3;
	s3 =	sadd.s32 $0x108000, s0  }
0x9: {  	_ =	strace $0x80000047;
	s7 =	sor.u32 s4, s26;
	s8 =	sand.u32 $0x70, s5;
	v3 =	vadd.s32 $0xF, v3;
	v4 =	vadd.s32 $0x1, v1;
	v5 =	vadd.s32 $0x2, v1  }
0xa: {  	s9 =	ssub.s32 $0x2, s4;
	s4 =	sadd.s32 $0x2400, s0;
	s26 =	simm.s32 $0x14480;
	v6 =	vadd.s32 $0x30, v1;
	v7 =	vadd.s32 $0x31, v1;
	v8 =	vadd.s32 $0x32, v1  }
0xb: {  	s29 =	sshll.u32 s7, $0xB;
	s6 =	smul.u32 $0x600, s7;
	s10 =	sadd.s32 s8, s0;
	v9 =	vadd.s32 $0x60, v1;
	v10 =	vadd.s32 $0x61, v1;
	v11 =	vadd.s32 $0x62, v1  }
0xc: {  	s30 =	sshrl.u32 s9, $0x1;
	s31 =	sshll.u32 s7, $0x4;
	s8 =	sadd.s32 s1, s8;
	v12 =	vadd.s32 $0x90, v1;
	v13 =	vadd.s32 $0x91, v1;
	v14 =	vadd.s32 $0x92, v1  }
0xd: {  	v15 =	vor.u32 $0xC0, v1;
	v16 =	vadd.s32 $0xC1, v1;
	v17 =	vadd.s32 $0xC2, v1;
	s5 =	sand.u32 $0x1800, s29;
	s13 =	ssub.s32 s9, s30;
	s9 =	sadd.s32 s0, s31  }
0xe: {  	v18 =	vadd.s32 $0xF0, v1;
	v19 =	vadd.s32 $0xF1, v1;
	v20 =	vadd.s32 $0xF2, v1;
	s11 =	sadd.s32 s5, s0;
	s12 =	sadd.s32 s6, s0;
	s5 =	sshll.u32 s7, $0x7  }
0xf: {  	v21 =	vadd.s32 $0x120, v1;
	v22 =	vadd.s32 $0x121, v1;
	v23 =	vadd.s32 $0x122, v1;
	s6 =	sadd.s32 $0x104000, s10;
	s7 =	sadd.s32 $0x100000, s10;
	s13 =	smax.u32 s13, $0x1  }
0x10: {  	v24 =	vadd.s32 $0x150, v1;
	v25 =	vadd.s32 $0x151, v1;
	v26 =	vadd.s32 $0x152, v1;
	s10 =	sadd.s32 $0x400, s11;
	s11 =	sadd.s32 $0x200, s9;
	s12 =	sadd.s32 $0x32400, s12  }
.LBB2_1:
0x11: {  	[tilespmem:s2], [sflag:$0x1] =	stream.strided.gather [hbm4b:s6+s14], $0x4000, s15, s14, $0x38;
	[tilespmem:$0x17600] =	vst v63  }
0x12: {  	_ =	swait.ge [sflag:s16], $0x4000  }
0x13: {  	[sflag:s16] =	ssyncset.done $0x0  }
0x14: {  	[sflag:s16] =	ssyncadd.s32 $0xFFFFC000  }
0x15: {  	[tilespmem:s17], [sflag:$0x1] =	stream.strided.gather [hbm4b:s7+s14], $0x4000, s15, s14, $0x38;
	[tilespmem:$0x17600] =	vst v63  }
0x16: {  	_ =	swait.ge [sflag:s16], $0x4000  }
0x17: {  	[sflag:s16] =	ssyncset.done $0x0  }
0x18: {  	[sflag:s16] =	ssyncadd.s32 $0xFFFFC000  }
0x19: {  	[tilespmem:s18], [sflag:$0x1] =	stream.strided.gather [hbm4b:s8+s14], $0x4000, s15, s14, $0x38;
	[tilespmem:$0x17600] =	vst v63  }
0x1a: {  	_ =	swait.ge [sflag:s16], $0x4000  }
0x1b: {  	[sflag:s16] =	ssyncset.done $0x0  }
0x1c: {  	s0 =	simm.s32 $0xC000;
	[sflag:s16] =	ssyncadd.s32 $0xFFFFC000  }
0x1d: {  	[tilespmem:s0], [sflag:$0x1] =	stream.linear.gather [hbm4b:s10+s2], $0x4000, $0x38;
	[tilespmem:$0x17600] =	vst v63  }
0x1e: {  	_ =	swait.ge [sflag:s16], $0x4000  }
0x1f: {  	[sflag:s16] =	ssyncset.done $0x0  }
0x20: {  	s31 =	simm.s32 $0x10000;
	[sflag:s16] =	ssyncadd.s32 $0xFFFFC000  }
0x21: {  	[tilespmem:s31], [sflag:$0x1] =	stream.linear.gather [hbm4b:s9+s2], $0x80, $0x38;
	[tilespmem:$0x17600] =	vst v63  }
0x22: {  	_ =	swait.ge [sflag:s16], $0x80  }
0x23: {  	[sflag:s16] =	ssyncset.done $0x0  }
0x24: {  	[sflag:s16] =	ssyncadd.s32 $0xFFFFFF80  }
0x25: {  	[tilespmem:s21], [sflag:$0x1] =	stream.linear.gather [hbm4b:s11+s2], $0x80, $0x38;
	[tilespmem:$0x17600] =	vst v63  }
0x26: {  	_ =	swait.ge [sflag:s16], $0x80  }
0x27: {  	[sflag:s16] =	ssyncset.done $0x0  }
0x28: {  	s29 =	simm.s32 $0x0;
	[sflag:s16] =	ssyncadd.s32 $0xFFFFFF80  }
.LBB2_2:
0x29: {  	s30 =	sadd.s32 s5, s29;
	s0 =	sshll.u32 s29, $0x4  }
0x2a: {  	s1 =	sshll.u32 s30, $0xB;
	s0 =	sand.u32 $0x70, s0  }
0x2b: {  	s1 =	sand.u32 $0xFFFC000, s1;
	s0 =	sadd.s32 s3, s0  }
0x2c: {  	s20 =	simm.s32 $0x10200;
	s0 =	sadd.s32 s1, s0  }
0x2d: {  	[tilespmem:s20], [sflag:$0x1] =	stream.strided.gather [hbm4b:s0+s14], $0x4000, s15, s14, $0x38;
	[tilespmem:$0x17600] =	vst v63  }
0x2e: {  	_ =	swait.ge [sflag:s16], $0x4000  }
0x2f: {  	[sflag:s16] =	ssyncset.done $0x0  }
0x30: {  	[sflag:s16] =	ssyncadd.s32 $0xFFFFC000  }
0x31: {  	v27 =	vld.msk [tilespmem:s29+$0x10000 ss:$0x0], $0xffff  }
0x32: {  	v28 =	vld.msk [tilespmem:s29+$0x10100 ss:$0x0], $0xffff  }
0x33: {  	v29 =	vld [tilespmem:s20+$0x0];
	_ =	sdelay $0x2  }
0x34: {  	s31 =	simm.s32 $0x0  }
0x35: {  	v30 =	vor.u32 s31, v0  }
0x36: {  	vm0 =	veq.f32 v29, v27;
	vm1 =	vle.s32 v30, v28  }
0x37: {  	vm2 =	vlt.f32 v29, v27;
	vm0 =	vmand vm1, vm0  }
0x38: {  	vm0 =	vmor vm2, vm0  }
0x39: {  	v31 =	vsel vm0, $0x1, v2  }
0x3a: {  	(xrf0) =	vadd.scan.msk.s32 $0xffff, v31;
	_ =	sdelay $0x2  }
0x3b: {  	v31 =	vmov s31  }
0x3c: {  	v31 =	vadd.s32 $0xFFFFFFFF, v31  }
0x3d: {  	v31 =	vbroadcast v31, $0x0  }
0x3e: {  	v32, _, _ =	vpop (xrf0)  }
0x3f: {  	v31 =	vadd.s32 v32, v31;
	(v2sf) =	vpush v32, $0xF;
	_ =	sdelay $0x4  }
0x40: {  	[tilespmem:v31+s22+$0x0] =	vst.idx.msk vm0, v29  }
0x41: {  	s0 =	simm.s32 $0x10210;
	[tilespmem:v31+s23+$0x0] =	vst.idx.msk vm0, v30  }
0x42: {  	s19 =	simm.s32 $0x20;
	s1 =	simm.s32 $0x10;
	v29 =	vld [tilespmem:s0+$0x0]  }
.LBB2_3:
0x43: {  	p0 =	sne.s32 s19, $0x3FF0;
	_ =	sdelay $0x2  }
0x44: {  	v30 =	vor.u32 s1, v0;
	s1 =	smov.u32 s19  }
0x45: {  	vm1 =	vle.s32 v30, v28;
	vm0 =	veq.f32 v29, v27  }
0x46: {  	vm2 =	vlt.f32 v29, v27;
	vm0 =	vmand vm1, vm0  }
0x47: {  	vm0 =	vmor vm2, vm0  }
0x48: {  	v31 =	vsel vm0, $0x1, v2;
	s20 =	spop (v2sf)  }
0x49: {  	(xrf0) =	vadd.scan.msk.s32 $0xffff, v31;
	s31 =	sadd.s32 s31, s20  }
0x4a: {  	v31 =	vmov s31  }
0x4b: {  	v31 =	vadd.s32 $0xFFFFFFFF, v31  }
0x4c: {  	v31 =	vbroadcast v31, $0x0;
	_ =	sdelay $0x2  }
0x4d: {  	v32, _, _ =	vpop (xrf0)  }
0x4e: {  	v31 =	vadd.s32 v32, v31;
	(v2sf) =	vpush v32, $0xF;
	_ =	sdelay $0x2  }
.Ltmp0:
0x4f: {  	(pc) =	sbr.rel @p0 .LBB2_3-.Ltmp0, $4  }
0x50: {  	_ = 	snop  }
0x51: {  	[tilespmem:v31+s22+$0x0] =	vst.idx.msk vm0, v29  }
0x52: {  	s0 =	sadd.s32 $0x10, s0;
	[tilespmem:v31+s23+$0x0] =	vst.idx.msk vm0, v30  }
0x53: {  	s19 =	sadd.s32 $0x10, s19;
	v29 =	vld [tilespmem:s0+$0x0]  }
0x54: {  	_ =	sdelay $0x2  }
0x55: {  	v30 =	vor.u32 s1, v0  }
0x56: {  	vm1 =	vle.s32 v30, v28;
	vm0 =	veq.f32 v29, v27  }
0x57: {  	vm2 =	vlt.f32 v29, v27;
	vm0 =	vmand vm1, vm0  }
0x58: {  	vm0 =	vmor vm2, vm0  }
0x59: {  	v27 =	vsel vm0, $0x1, v2  }
0x5a: {  	s0 =	spop (v2sf);
	(xrf0) =	vadd.scan.msk.s32 $0xffff, v27  }
0x5b: {  	s0 =	sadd.s32 s31, s0  }
0x5c: {  	v27 =	vmov s0  }
0x5d: {  	v27 =	vadd.s32 $0xFFFFFFFF, v27;
	_ =	sdelay $0x1  }
0x5e: {  	v47 =	vbroadcast v27, $0x0  }
0x5f: {  	v27, _, _ =	vpop (xrf0)  }
0x60: {  	v28 =	vadd.s32 v27, v47;
	_ =	sdelay $0x4  }
0x61: {  	[tilespmem:v28+s22+$0x0] =	vst.idx.msk vm0, v29  }
0x62: {  	[tilespmem:v28+s23+$0x0] =	vst.idx.msk vm0, v30  }
0x63: {  	v28 =	vld [tilespmem:$0x14200]  }
0x64: {  	v29 =	vld [tilespmem:$0x14210]  }
0x65: {  	v30 =	vld [tilespmem:$0x14220]  }
0x66: {  	v31 =	vld [tilespmem:$0x14300]  }
0x67: {  	v32 =	vld [tilespmem:$0x14310]  }
0x68: {  	v33 =	vld [tilespmem:$0x14230]  }
0x69: {  	v34 =	vld [tilespmem:$0x14320]  }
0x6a: {  	v35 =	vld [tilespmem:$0x14330];
	_ =	sdelay $0x1  }
0x6b: {  	(xrf1) =	vsort.ascd.msk.f32 $0xffff, v28, v31  }
0x6c: {  	v48 =	vld [tilespmem:$0x14240];
	(xrf1) =	vsort.ascd.msk.f32 $0xffff, v29, v32  }
0x6d: {  	v49 =	vld [tilespmem:$0x14250];
	(xrf1) =	vsort.ascd.msk.f32 $0xffff, v30, v34  }
0x6e: {  	v50 =	vld [tilespmem:$0x14260];
	(xrf1) =	vsort.ascd.msk.f32 $0xffff, v33, v35  }
0x6f: {  	v51 =	vld [tilespmem:$0x14340]  }
0x70: {  	v52 =	vld [tilespmem:$0x14350]  }
0x71: {  	v53 =	vld [tilespmem:$0x14270]  }
0x72: {  	v54 =	vld [tilespmem:$0x14360]  }
0x73: {  	v55 =	vld [tilespmem:$0x14370]  }
0x74: {  	(xrf1) =	vsort.ascd.msk.f32 $0xffff, v48, v51  }
0x75: {  	(xrf1) =	vsort.ascd.msk.f32 $0xffff, v49, v52;
	_ =	sdelay $0x1  }
0x76: {  	(xrf1) =	vsort.ascd.msk.f32 $0xffff, v50, v54  }
0x77: {  	(xrf1) =	vsort.ascd.msk.f32 $0xffff, v53, v55  }
0x78: {  	v56, v57, _ =	vpop (xrf1)  }
0x79: {  	v58, v59, _ =	vpop (xrf1)  }
0x7a: {  	v30 =	vperm.xlane v58, v3;
	v60, v61, _ =	vpop (xrf1)  }
0x7b: {  	v31 =	vperm.xlane v59, v3;
	v62, v63, _ =	vpop (xrf1)  }
0x7c: {  	vm4 =	vle.f32 v56, v30;
	v34 =	vperm.xlane v62, v3  }
0x7d: {  	v35 =	vperm.xlane v63, v3;
	v36 =	vsel vm4, v56, v30;
	v39 =	vsel vm4, v57, v31  }
0x7e: {  	v28 =	vsel vm4, v30, v56;
	v29 =	vsel vm4, v31, v57;
	(xrf1) =	vsort.ascd.msk.f32 $0xffff, v36, v39  }
0x7f: {  	vm5 =	vle.f32 v60, v34;
	(xrf1) =	vsort.ascd.msk.f32 $0xffff, v28, v29  }
0x80: {  	v40 =	vsel vm5, v60, v34;
	v41 =	vsel vm5, v61, v35;
	v33 =	vsel vm5, v35, v61  }
0x81: {  	v43, v42, _ =	vpop (xrf1);
	v32 =	vsel vm5, v34, v60;
	(xrf1) =	vsort.ascd.msk.f32 $0xffff, v40, v41  }
0x82: {  	v28, v29, _ =	vpop (xrf1);
	(xrf1) =	vsort.ascd.msk.f32 $0xffff, v32, v33  }
0x83: {  	v28 =	vperm.xlane v28, v3  }
0x84: {  	v32, v33, _ =	vpop (xrf1)  }
0x85: {  	v29 =	vperm.xlane v29, v3;
	v44, v45, _ =	vpop (xrf1);
	vm6 =	vle.f32 v43, v28  }
0x86: {  	v46 =	vsel vm6, v43, v28;
	v34 =	vperm.xlane v44, v3  }
0x87: {  	v28 =	vsel vm6, v28, v43;
	v47 =	vsel vm6, v42, v29;
	v35 =	vperm.xlane v45, v3  }
0x88: {  	v29 =	vsel vm6, v29, v42;
	(xrf1) =	vsort.ascd.msk.f32 $0xffff, v46, v47;
	vm7 =	vle.f32 v32, v34  }
0x89: {  	(xrf1) =	vsort.ascd.msk.f32 $0xffff, v28, v29;
	v48 =	vsel vm7, v32, v34;
	v49 =	vsel vm7, v33, v35  }
0x8a: {  	v50 =	vsel vm7, v34, v32;
	v51 =	vsel vm7, v35, v33;
	(xrf1) =	vsort.ascd.msk.f32 $0xffff, v48, v49  }
0x8b: {  	(xrf1) =	vsort.ascd.msk.f32 $0xffff, v50, v51;
	_ =	sdelay $0x1  }
0x8c: {  	v28, v29, _ =	vpop (xrf1)  }
0x8d: {  	v30, v31, _ =	vpop (xrf1)  }
0x8e: {  	v52, v53, _ =	vpop (xrf1)  }
0x8f: {  	v54, v55, _ =	vpop (xrf1);
	v32 =	vperm.xlane v52, v3  }
0x90: {  	v34 =	vperm.xlane v54, v3  }
0x91: {  	v33 =	vperm.xlane v53, v3;
	vm9 =	vle.f32 v30, v32  }
0x92: {  	v35 =	vperm.xlane v55, v3;
	vm8 =	vle.f32 v28, v34;
	v37 =	vsel vm9, v30, v32  }
0x93: {  	v30 =	vsel vm9, v32, v30;
	v40 =	vsel vm9, v31, v33;
	v31 =	vsel vm9, v33, v31  }
0x94: {  	v56 =	vsel vm8, v28, v34;
	v28 =	vsel vm8, v34, v28;
	v57 =	vsel vm8, v29, v35  }
0x95: {  	v29 =	vsel vm8, v35, v29;
	v38, v39, _ =	vpop (xrf1);
	vm10 =	vle.f32 v56, v37;
	vm11 =	vle.f32 v28, v30  }
0x96: {  	v59, v58, _ =	vpop (xrf1);
	v60 =	vsel vm10, v56, v37;
	v36 =	vsel vm10, v37, v56;
	v61 =	vsel vm10, v57, v40  }
0x97: {  	v34 =	vsel vm10, v40, v57;
	v62 =	vsel vm11, v28, v30;
	v63 =	vsel vm11, v29, v31;
	v41, v42, _ =	vpop (xrf1)  }
0x98: {  	v28 =	vsel vm11, v30, v28;
	v29 =	vsel vm11, v31, v29;
	(xrf1) =	vsort.ascd.msk.f32 $0xffff, v60, v61;
	v43, v44, _ =	vpop (xrf1)  }
0x99: {  	(xrf1) =	vsort.ascd.msk.f32 $0xffff, v36, v34;
	v37 =	vperm.xlane v43, v3;
	v43 =	vperm.xlane v41, v3  }
0x9a: {  	(xrf1) =	vsort.ascd.msk.f32 $0xffff, v62, v63;
	v45 =	vperm.xlane v42, v3;
	v44 =	vperm.xlane v44, v3  }
0x9b: {  	(xrf1) =	vsort.ascd.msk.f32 $0xffff, v28, v29;
	vm12 =	vle.f32 v38, v37;
	vm13 =	vle.f32 v59, v43  }
0x9c: {  	v46 =	vsel vm12, v38, v37;
	v47 =	vsel vm12, v37, v38;
	v48 =	vsel vm12, v39, v44  }
0x9d: {  	v31 =	vsel vm12, v44, v39;
	v49 =	vsel vm13, v59, v43;
	v30 =	vsel vm13, v43, v59  }
0x9e: {  	v50 =	vsel vm13, v58, v45;
	v28 =	vsel vm13, v45, v58;
	vm14 =	vle.f32 v46, v49  }
0x9f: {  	vm15 =	vle.f32 v47, v30;
	v51 =	vsel vm14, v46, v49;
	v52 =	vsel vm14, v48, v50  }
0xa0: {  	v29 =	vsel vm14, v49, v46;
	v32 =	vsel vm14, v50, v48;
	(xrf1) =	vsort.ascd.msk.f32 $0xffff, v51, v52  }
0xa1: {  	v53 =	vsel vm15, v47, v30;
	v54 =	vsel vm15, v31, v28;
	(xrf1) =	vsort.ascd.msk.f32 $0xffff, v29, v32  }
0xa2: {  	v55 =	vsel vm15, v30, v47;
	v28 =	vsel vm15, v28, v31;
	(xrf1) =	vsort.ascd.msk.f32 $0xffff, v53, v54  }
0xa3: {  	(xrf1) =	vsort.ascd.msk.f32 $0xffff, v55, v28;
	_ =	sdelay $0x6  }
0xa4: {  	v28, v29, _ =	vpop (xrf1)  }
0xa5: {  	v56, v57, _ =	vpop (xrf1)  }
0xa6: {  	v58, v59, _ =	vpop (xrf1)  }
0xa7: {  	v34, v35, _ =	vpop (xrf1)  }
0xa8: {  	v36, v60, _ =	vpop (xrf1)  }
0xa9: {  	v61, v62, _ =	vpop (xrf1);
	v36 =	vperm.xlane v36, v3;
	v37 =	vperm.xlane v60, v3  }
0xaa: {  	v63, v45, _ =	vpop (xrf1);
	v38 =	vperm.xlane v61, v3;
	v39 =	vperm.xlane v62, v3  }
0xab: {  	v47, v46, _ =	vpop (xrf1);
	v40 =	vperm.xlane v63, v3;
	v41 =	vperm.xlane v45, v3  }
0xac: {  	vm7 =	vle.f32 v34, v36;
	v42 =	vperm.xlane v47, v3;
	v43 =	vperm.xlane v46, v3  }
0xad: {  	vm6 =	vle.f32 v58, v38;
	v54 =	vsel vm7, v34, v36;
	v34 =	vsel vm7, v36, v34  }
0xae: {  	v55 =	vsel vm7, v35, v37;
	v35 =	vsel vm7, v37, v35;
	vm5 =	vle.f32 v56, v40  }
0xaf: {  	v52 =	vsel vm6, v58, v38;
	v32 =	vsel vm6, v38, v58;
	v53 =	vsel vm6, v59, v39  }
0xb0: {  	v33 =	vsel vm6, v39, v59;
	vm4 =	vle.f32 v28, v42;
	v50 =	vsel vm5, v56, v40  }
0xb1: {  	v30 =	vsel vm5, v40, v56;
	v51 =	vsel vm5, v57, v41;
	v31 =	vsel vm5, v41, v57  }
0xb2: {  	v48 =	vsel vm4, v28, v42;
	v28 =	vsel vm4, v42, v28;
	v49 =	vsel vm4, v29, v43  }
0xb3: {  	v29 =	vsel vm4, v43, v29;
	vm9 =	vle.f32 v50, v54;
	vm11 =	vle.f32 v30, v34  }
0xb4: {  	vm8 =	vle.f32 v48, v52;
	v58 =	vsel vm9, v50, v54;
	v39 =	vsel vm9, v54, v50  }
0xb5: {  	v59 =	vsel vm9, v51, v55;
	v36 =	vsel vm9, v55, v51;
	vm10 =	vle.f32 v28, v32  }
0xb6: {  	v62 =	vsel vm11, v30, v34;
	v30 =	vsel vm11, v34, v30;
	v63 =	vsel vm11, v31, v35  }
0xb7: {  	v31 =	vsel vm11, v35, v31;
	v56 =	vsel vm8, v48, v52;
	v41 =	vsel vm8, v52, v48  }
0xb8: {  	v57 =	vsel vm8, v49, v53;
	v38 =	vsel vm8, v53, v49;
	v60 =	vsel vm10, v28, v32  }
0xb9: {  	v28 =	vsel vm10, v32, v28;
	v61 =	vsel vm10, v29, v33;
	v29 =	vsel vm10, v33, v29  }
0xba: {  	vm12 =	vle.f32 v56, v58;
	vm13 =	vle.f32 v41, v39;
	vm14 =	vle.f32 v60, v62  }
0xbb: {  	vm15 =	vle.f32 v28, v30;
	v48 =	vsel vm12, v56, v58;
	v49 =	vsel vm12, v57, v59  }
0xbc: {  	v37 =	vsel vm12, v58, v56;
	v43 =	vsel vm12, v59, v57;
	(xrf1) =	vsort.ascd.msk.f32 $0xffff, v48, v49  }
0xbd: {  	v50 =	vsel vm13, v41, v39;
	v51 =	vsel vm13, v38, v36;
	(xrf1) =	vsort.ascd.msk.f32 $0xffff, v37, v43  }
0xbe: {  	v39 =	vsel vm13, v39, v41;
	v36 =	vsel vm13, v36, v38;
	(xrf1) =	vsort.ascd.msk.f32 $0xffff, v50, v51  }
0xbf: {  	v52 =	vsel vm14, v60, v62;
	v53 =	vsel vm14, v61, v63;
	(xrf1) =	vsort.ascd.msk.f32 $0xffff, v39, v36  }
0xc0: {  	v33 =	vsel vm14, v62, v60;
	v32 =	vsel vm14, v63, v61;
	(xrf1) =	vsort.ascd.msk.f32 $0xffff, v52, v53  }
0xc1: {  	v54 =	vsel vm15, v28, v30;
	v55 =	vsel vm15, v29, v31;
	(xrf1) =	vsort.ascd.msk.f32 $0xffff, v33, v32  }
0xc2: {  	v28 =	vsel vm15, v30, v28;
	v29 =	vsel vm15, v31, v29;
	(xrf1) =	vsort.ascd.msk.f32 $0xffff, v54, v55  }
0xc3: {  	(xrf1) =	vsort.ascd.msk.f32 $0xffff, v28, v29;
	_ =	sdelay $0x6  }
0xc4: {  	_, v28, _ =	vpop (xrf1)  }
0xc5: {  	_, v29, _ =	vpop (xrf1);
	[tilespmem:$0x14400] =	vst v28  }
0xc6: {  	_, v30, _ =	vpop (xrf1);
	[tilespmem:$0x14410] =	vst v29  }
0xc7: {  	_, v31, _ =	vpop (xrf1);
	[tilespmem:$0x14420] =	vst v30  }
0xc8: {  	_, v32, _ =	vpop (xrf1);
	[tilespmem:$0x14430] =	vst v31  }
0xc9: {  	_, v33, _ =	vpop (xrf1);
	[tilespmem:$0x14440] =	vst v32  }
0xca: {  	_, v34, _ =	vpop (xrf1);
	[tilespmem:$0x14450] =	vst v33  }
0xcb: {  	_, v56, _ =	vpop (xrf1);
	[tilespmem:$0x14460] =	vst v34  }
0xcc: {  	[tilespmem:$0x14470] =	vst v56  }
0xcd: {  	v57 =	vld.idx.msk [tilespmem:v28+s2+$0x0], $0xffff  }
0xce: {  	v58 =	vld.idx.msk [tilespmem:v29+s2+$0x0], $0xffff  }
0xcf: {  	v59 =	vld.idx.msk [tilespmem:v30+s2+$0x0], $0xffff  }
0xd0: {  	v60 =	vld.idx.msk [tilespmem:v31+s2+$0x0], $0xffff  }
0xd1: {  	v61 =	vld.idx.msk [tilespmem:v32+s2+$0x0], $0xffff  }
0xd2: {  	v62 =	vld.idx.msk [tilespmem:v33+s2+$0x0], $0xffff  }
0xd3: {  	v55 =	vld.idx.msk [tilespmem:v28+s17+$0x0], $0xffff  }
0xd4: {  	v45 =	vld.idx.msk [tilespmem:v29+s17+$0x0], $0xffff  }
0xd5: {  	v46 =	vld.idx.msk [tilespmem:v30+s17+$0x0], $0xffff  }
0xd6: {  	v47 =	vld.idx.msk [tilespmem:v31+s17+$0x0], $0xffff  }
0xd7: {  	v48 =	vld.idx.msk [tilespmem:v32+s17+$0x0], $0xffff  }
0xd8: {  	v49 =	vld.idx.msk [tilespmem:v33+s17+$0x0], $0xffff  }
0xd9: {  	v28 =	vld.idx.msk [tilespmem:v28+s18+$0x0], $0xffff  }
0xda: {  	v29 =	vld.idx.msk [tilespmem:v29+s18+$0x0], $0xffff  }
0xdb: {  	v30 =	vld.idx.msk [tilespmem:v30+s18+$0x0], $0xffff  }
0xdc: {  	v31 =	vld.idx.msk [tilespmem:v31+s18+$0x0], $0xffff  }
0xdd: {  	v32 =	vld.idx.msk [tilespmem:v32+s18+$0x0], $0xffff  }
0xde: {  	v33 =	vld.idx.msk [tilespmem:v33+s18+$0x0], $0xffff  }
0xdf: {  	v63 =	vld.idx.msk [tilespmem:v34+s2+$0x0], $0xffff  }
0xe0: {  	v50 =	vld.idx.msk [tilespmem:v34+s17+$0x0], $0xffff  }
0xe1: {  	v34 =	vld.idx.msk [tilespmem:v34+s18+$0x0], $0xffff  }
0xe2: {  	v54 =	vld.idx.msk [tilespmem:v56+s2+$0x0], $0xffff  }
0xe3: {  	v51 =	vld.idx.msk [tilespmem:v56+s17+$0x0], $0xffff  }
0xe4: {  	v35 =	vld.idx.msk [tilespmem:v56+s18+$0x0], $0xffff;
	[tilespmem:v1+s24+$0x0] =	vst.idx.msk $0xffff, v57  }
0xe5: {  	[tilespmem:v4+s24+$0x0] =	vst.idx.msk $0xffff, v55  }
0xe6: {  	[tilespmem:v5+s24+$0x0] =	vst.idx.msk $0xffff, v28  }
0xe7: {  	[tilespmem:v6+s24+$0x0] =	vst.idx.msk $0xffff, v58  }
0xe8: {  	[tilespmem:v7+s24+$0x0] =	vst.idx.msk $0xffff, v45  }
0xe9: {  	[tilespmem:v8+s24+$0x0] =	vst.idx.msk $0xffff, v29  }
0xea: {  	[tilespmem:v9+s24+$0x0] =	vst.idx.msk $0xffff, v59  }
0xeb: {  	[tilespmem:v10+s24+$0x0] =	vst.idx.msk $0xffff, v46  }
0xec: {  	(v2sf) =	vpush v27, $0xF;
	[tilespmem:v11+s24+$0x0] =	vst.idx.msk $0xffff, v30  }
0xed: {  	[tilespmem:v12+s24+$0x0] =	vst.idx.msk $0xffff, v60  }
0xee: {  	[tilespmem:v13+s24+$0x0] =	vst.idx.msk $0xffff, v47  }
0xef: {  	[tilespmem:v14+s24+$0x0] =	vst.idx.msk $0xffff, v31  }
0xf0: {  	[tilespmem:v15+s24+$0x0] =	vst.idx.msk $0xffff, v61  }
0xf1: {  	[tilespmem:v16+s24+$0x0] =	vst.idx.msk $0xffff, v48  }
0xf2: {  	[tilespmem:v17+s24+$0x0] =	vst.idx.msk $0xffff, v32  }
0xf3: {  	[tilespmem:v18+s24+$0x0] =	vst.idx.msk $0xffff, v62  }
0xf4: {  	[tilespmem:v19+s24+$0x0] =	vst.idx.msk $0xffff, v49  }
0xf5: {  	[tilespmem:v20+s24+$0x0] =	vst.idx.msk $0xffff, v33  }
0xf6: {  	[tilespmem:v21+s24+$0x0] =	vst.idx.msk $0xffff, v63  }
0xf7: {  	[tilespmem:v22+s24+$0x0] =	vst.idx.msk $0xffff, v50  }
0xf8: {  	[tilespmem:v23+s24+$0x0] =	vst.idx.msk $0xffff, v34  }
0xf9: {  	s20 =	smul.u32 $0x30, s30;
	[tilespmem:v24+s24+$0x0] =	vst.idx.msk $0xffff, v54  }
0xfa: {  	[tilespmem:v25+s24+$0x0] =	vst.idx.msk $0xffff, v51  }
0xfb: {  	s0 =	sadd.s32 s4, s20;
	s30 =	spop (v2sf);
	[tilespmem:v26+s24+$0x0] =	vst.idx.msk $0xffff, v35  }
0xfc: {  	[hbm4b:s0+s2] =	stream.linear.scatter [tilespmem:s24], [sflag:$0x1], $0x180, $0x38;
	[tilespmem:$0x17600] =	vst v63  }
0xfd: {  	_ =	swait.ge [sflag:s16], $0x180  }
0xfe: {  	s31 =	sshll.u32 s29, $0x7;
	[sflag:s16] =	ssyncset.done $0x0  }
0xff: {  	s0 =	sand.u32 $0x3FFFFF80, s31;
	[sflag:s16] =	ssyncadd.s32 $0xFFFFFE80  }
0x100: {  	v27 =	vld [tilespmem:s0+$0xC000];
	_ =	sdelay $0x7  }
0x101: {  	v27 =	vld.idx.msk [tilespmem:v27+s25+$0x0], $0xffff;
	_ =	sdelay $0x5  }
0x102: {  	s1 =	smul.u32 $0x60, s29;
	_ =	sdelay $0x1  }
0x103: {  	v57 =	vadd.s32 s1, v1;
	v56 =	vld.idx.msk [tilespmem:v27+s2+$0x0], $0xffff  }
0x104: {  	v59 =	vadd.s32 s1, v4;
	v58 =	vld.idx.msk [tilespmem:v27+s17+$0x0], $0xffff  }
0x105: {  	v60 =	vadd.s32 s1, v5;
	v27 =	vld.idx.msk [tilespmem:v27+s18+$0x0], $0xffff;
	_ =	sdelay $0x2  }
0x106: {  	[tilespmem:v57+s26+$0x0] =	vst.idx.msk $0xffff, v56  }
0x107: {  	[tilespmem:v59+s26+$0x0] =	vst.idx.msk $0xffff, v58  }
0x108: {  	[tilespmem:v60+s26+$0x0] =	vst.idx.msk $0xffff, v27  }
0x109: {  	v27 =	vld [tilespmem:s0+$0xC010];
	_ =	sdelay $0x7  }
0x10a: {  	v27 =	vld.idx.msk [tilespmem:v27+s25+$0x0], $0xffff;
	_ =	sdelay $0x7  }
0x10b: {  	v61 =	vadd.s32 s1, v6;
	v28 =	vld.idx.msk [tilespmem:v27+s2+$0x0], $0xffff  }
0x10c: {  	s29 =	sadd.s32 $0x1, s29;
	v62 =	vadd.s32 s1, v7;
	v30 =	vld.idx.msk [tilespmem:v27+s17+$0x0], $0xffff  }
0x10d: {  	p0 =	sne.s32 s29, $0x80;
	v63 =	vadd.s32 s1, v8;
	v27 =	vld.idx.msk [tilespmem:v27+s18+$0x0], $0xffff  }
.Ltmp1:
0x10e: {  	_ = 	snop;
	(pc) =	sbr.rel @p0 .LBB2_2-.Ltmp1, $4  }
0x10f: {  	_ = 	snop  }
0x110: {  	[tilespmem:v61+s26+$0x0] =	vst.idx.msk $0xffff, v28  }
0x111: {  	[tilespmem:v62+s26+$0x0] =	vst.idx.msk $0xffff, v30  }
0x112: {  	[tilespmem:v63+s26+$0x0] =	vst.idx.msk $0xffff, v27  }
0x113: {  	s28 =	sadd.s32 $0x1, s28  }
0x114: {  	p0 =	sne.s32 s28, s13  }
.Ltmp2:
0x115: {  	_ = 	snop;
	(pc) =	sbr.rel @p0 .LBB2_1-.Ltmp2, $4  }
0x116: {  	[hbm4b:s12+s2] =	stream.linear.scatter [tilespmem:s26], [sflag:$0x1], $0x3000, $0x38;
	[tilespmem:$0x17600] =	vst v63  }
0x117: {  	_ =	swait.ge [sflag:s16], $0x3000  }
0x118: {  	[sflag:s16] =	ssyncset.done $0x0  }
0x119: {  	[sflag:s16] =	ssyncadd.s32 $0xFFFFD000  }
0x11a: {  	_ =	sfence.sel $0x180000  }
0x11b: {  	[bflag:$0x0] =	sbarrier.arrive $0xFFFF  }
0x11c: {  	_ =	strace $0x90000047  }
0x11d: {  	s0 =	stileid.u32;
	[bflag:$0x2] =	sbarrier.arrive $0xFFFF  }
0x11e: {  	p0 =	sne.s32 s0, $0x0;
	s0 =	rddreg [dreg:$0x2]  }
0x11f: {  	s0 =	sadd.s32 @!p0 $0x100000, s0  }
0x120: {  	[sflag:s0] =	ssyncadd.tile.s32 @!p0 $0x1;
	_ =	shalt  }
.Lfunc_end2:
_tile_overlayer_lowered:
.L_overlay_start_2:
0x121: {  	(tag) =	ssettag $0x2  }
0x122: {  	s0 =	rddreg [dreg:$0x0];
	s2 =	stileid.u32  }
0x123: {  	s1 =	rddreg [dreg:$0x1];
	p0 =	sne.s32 s2, $0x0  }
0x124: {  	s3 =	rddreg [dreg:$0x2];
	[bflag:$0x3] =	sbarrier.arrive $0xFFFF;
	s2 =	simm.s32 @!p0 $0x1C01  }
0x125: {  	[timem:s3], [sflag:s2] =	dma.local @!p0 [hbm:s0], s1  }
0x126: {  	s0 =	simm.s32 @!p0 $0x1  }
0x127: {  	_ =	swait.ge @!p0 [sflag:s0], s1  }
0x128: {  	s1 =	ssub.s32 @!p0 $0x0, s1;
	[sflag:s0] =	ssyncset.done @!p0 $0x0  }
0x129: {  	[sflag:s0] =	ssyncadd.s32 @!p0 s1  }
0x12a: {  	[bflag:$0x3] =	sbarrier.arrive $0xFFFF  }
0x12b: {  	_ =	shalt  }

</sc_bundles>
